<compile_context>
chip_gen: v7x
topology: tpu7x:2x2x1
jax: 0.10.2.dev20260603
libtpu: 0.0.44.dev20260713+nightly
codegen_flags: <defaults>
</compile_context>

<pallas_src>
import functools

import jax
import jax.numpy as jnp
from jax import lax
from jax.experimental import pallas as pl
from jax.experimental.pallas import tpu as pltpu
from jax.experimental.pallas import tpu_sc as plsc

NC = 2
NS = 16
L = 16
B = 8
HW = 147456
GROUP = 4
TPT = HW // GROUP
CH = 9216
NCH = TPT // CH
NBIN = 1024
HLEN = L * NBIN


def _extract(v, j):
    return jnp.sum(jnp.where(lax.iota(jnp.int32, L) == j, v, jnp.zeros_like(v)))


def _put(v, j, val):
    return jnp.where(lax.iota(jnp.int32, L) == j, val, v)


def _zero_hists(cnt_h, sum_h):
    @plsc.parallel_loop(0, NBIN, unroll=8)
    def zbody(i):
        cnt_h[pl.ds(i * L, L)] = jnp.zeros((L,), jnp.int32)
        sum_h[pl.ds(i * L, L)] = jnp.zeros((L,), jnp.float32)


def _zero_cnt(cnt_h):
    @plsc.parallel_loop(0, NBIN, unroll=8)
    def zbody(i):
        cnt_h[pl.ds(i * L, L)] = jnp.zeros((L,), jnp.int32)


_SENT = 0x7FFFFFFF


def _hist_pass1(img, gidx, pred_hbm, targ_hbm, mask_hbm, bufs, sems, eb_c,
                cnt_h, sum_h):
    lane_off = lax.iota(jnp.int32, L) * NBIN
    ones = jnp.ones((L,), jnp.int32)
    base = gidx * TPT

    def issue(c):
        slot = c % 2
        off = base + c * CH
        bp, bt, bm = bufs[slot]
        sem = sems[slot]
        return (pltpu.async_copy(pred_hbm.at[img, pl.ds(off, CH)], bp, sem),
                pltpu.async_copy(targ_hbm.at[img, pl.ds(off, CH)], bt, sem),
                pltpu.async_copy(mask_hbm.at[img, pl.ds(off, CH)], bm, sem))

    pend = issue(0)
    for c in range(NCH):
        for d_ in pend:
            d_.wait()
        if c + 1 < NCH:
            pend = issue(c + 1)
        bp, bt, bm = bufs[c % 2]
        cbase = c * CH

        @plsc.parallel_loop(0, CH // L, unroll=4)
        def vec_body(j):
            s = pl.ds(j * L, L)
            err = jnp.abs(bp[s] - bt[s])
            valid = bm[s] > 0
            eb = lax.bitcast_convert_type(err, jnp.int32)
            eb_c[pl.ds(cbase + j * L, L)] = jnp.where(valid, eb,
                                                      jnp.int32(_SENT))
            idx = lane_off + lax.shift_right_logical(eb, 21)
            plsc.addupdate_scatter(cnt_h, [idx], ones, mask=valid)
            plsc.addupdate_scatter(sum_h, [idx], err, mask=valid)


def _hist_pass2(eb_c, cnt_h, bstar):
    lane_off = lax.iota(jnp.int32, L) * NBIN
    ones = jnp.ones((L,), jnp.int32)

    @plsc.parallel_loop(0, TPT // L, unroll=4)
    def vec_body(j):
        eb = eb_c[pl.ds(j * L, L)]
        valid = lax.shift_right_logical(eb, 21) == bstar
        idx = lane_off + jnp.bitwise_and(lax.shift_right_logical(eb, 11),
                                         jnp.int32(NBIN - 1))
        plsc.addupdate_scatter(cnt_h, [idx], ones, mask=valid)


def _lane_reduce(cnt_h, sum_h, cnt_m, sum_m):
    @plsc.parallel_loop(0, NBIN // L, unroll=2)
    def rbody(c):
        ac = jnp.zeros((L,), jnp.int32)
        asm = jnp.zeros((L,), jnp.float32)
        for r in range(L):
            s = pl.ds(r * NBIN + c * L, L)
            ac = ac + cnt_h[s]
            asm = asm + sum_h[s]
        cnt_m[pl.ds(c * L, L)] = ac
        sum_m[pl.ds(c * L, L)] = asm


def _lane_reduce_cnt(cnt_h, cnt_m):
    @plsc.parallel_loop(0, NBIN // L, unroll=2)
    def rbody(c):
        ac = jnp.zeros((L,), jnp.int32)
        for r in range(L):
            ac = ac + cnt_h[pl.ds(r * NBIN + c * L, L)]
        cnt_m[pl.ds(c * L, L)] = ac


def _merge_group_cnt(sid, cnt_sh, cnt_h, cnt_m):
    for j in range(GROUP):
        pltpu.sync_copy(cnt_sh.at[sid + j], cnt_h.at[pl.ds(j * NBIN, NBIN)])

    @plsc.parallel_loop(0, NBIN // L, unroll=4)
    def mbody(c):
        ac = jnp.zeros((L,), jnp.int32)
        for j in range(GROUP):
            ac = ac + cnt_h[pl.ds(j * NBIN + c * L, L)]
        cnt_m[pl.ds(c * L, L)] = ac


def _scan_select_mid(cnt_m, kk, bstar):
    lane = lax.iota(jnp.int32, L)
    hi = lax.shift_left(bstar, 21) + jnp.int32(0x400)

    def sbody(c, carry):
        run, nb, cb, sb = carry
        v = cnt_m[pl.ds(c * L, L)]
        bits = hi + lax.shift_left(c * L + lane, 11)
        mid = lax.bitcast_convert_type(bits, jnp.float32)
        cum = plsc.cumsum(v) + run
        m = cum < kk
        nb = nb + jnp.where(m, 1, 0).astype(jnp.int32)
        cb = cb + jnp.where(m, v, 0)
        sb = sb + jnp.where(m, v.astype(jnp.float32) * mid, jnp.float32(0.0))
        return run + jnp.sum(v), nb, cb, sb

    z_i = jnp.zeros((L,), jnp.int32)
    z_f = jnp.zeros((L,), jnp.float32)
    _, nb, cb, sb = lax.fori_loop(0, NBIN // L, sbody,
                                  (jnp.int32(0), z_i, z_i, z_f))
    return jnp.sum(nb), jnp.sum(cb), jnp.sum(sb)


def _merge_group(sid, cnt_sh, sum_sh, cnt_h, sum_h, cnt_m, sum_m):
    for j in range(GROUP):
        pltpu.sync_copy(cnt_sh.at[sid + j], cnt_h.at[pl.ds(j * NBIN, NBIN)])
        pltpu.sync_copy(sum_sh.at[sid + j], sum_h.at[pl.ds(j * NBIN, NBIN)])

    @plsc.parallel_loop(0, NBIN // L, unroll=4)
    def mbody(c):
        ac = jnp.zeros((L,), jnp.int32)
        asm = jnp.zeros((L,), jnp.float32)
        for j in range(GROUP):
            s = pl.ds(j * NBIN + c * L, L)
            ac = ac + cnt_h[s]
            asm = asm + sum_h[s]
        cnt_m[pl.ds(c * L, L)] = ac
        sum_m[pl.ds(c * L, L)] = asm


def _scan_select(cnt_m, sum_m, kk):
    def sbody(c, carry):
        run, nb, cb, sb = carry
        v = cnt_m[pl.ds(c * L, L)]
        sv = sum_m[pl.ds(c * L, L)]
        cum = plsc.cumsum(v) + run
        m = cum < kk
        nb = nb + jnp.where(m, 1, 0).astype(jnp.int32)
        cb = cb + jnp.where(m, v, 0)
        sb = sb + jnp.where(m, sv, jnp.float32(0.0))
        return run + jnp.sum(v), nb, cb, sb

    z_i = jnp.zeros((L,), jnp.int32)
    z_f = jnp.zeros((L,), jnp.float32)
    _, nb, cb, sb = lax.fori_loop(0, NBIN // L, sbody,
                                  (jnp.int32(0), z_i, z_i, z_f))
    return jnp.sum(nb), jnp.sum(cb), jnp.sum(sb)


def _bin_at(cnt_m, sum_m, b):
    lane = lax.iota(jnp.int32, L)

    def gbody(c, carry):
        ac, asm = carry
        gidx = c * L + lane
        sel = gidx == b
        ac = ac + jnp.where(sel, cnt_m[pl.ds(c * L, L)], 0)
        asm = asm + jnp.where(sel, sum_m[pl.ds(c * L, L)], jnp.float32(0.0))
        return ac, asm

    ac, asm = lax.fori_loop(0, NBIN // L, gbody,
                            (jnp.zeros((L,), jnp.int32),
                             jnp.zeros((L,), jnp.float32)))
    return jnp.sum(ac), jnp.sum(asm)


def _sc_body(pred_hbm, targ_hbm, mask_hbm, out_hbm,
             bp0, bt0, bm0, bp1, bt1, bm1, sem0, sem1, eb_c,
             cnt_h, sum_h, cnt_m, sum_m, msg_o,
             cnt_sh, sum_sh):
    cid = lax.axis_index("c")
    sid = lax.axis_index("s")
    img = cid * (B // NC) + sid // GROUP
    il = sid // GROUP
    gidx = sid % GROUP
    is_leader = gidx == 0

    _zero_hists(cnt_h, sum_h)
    _hist_pass1(img, gidx, pred_hbm, targ_hbm, mask_hbm,
                [(bp0, bt0, bm0), (bp1, bt1, bm1)], [sem0, sem1], eb_c,
                cnt_h, sum_h)
    _lane_reduce(cnt_h, sum_h, cnt_m, sum_m)
    pltpu.sync_copy(cnt_m, cnt_sh.at[sid])
    pltpu.sync_copy(sum_m, sum_sh.at[sid])
    plsc.subcore_barrier()

    grp = (sid // GROUP) * GROUP
    _merge_group(grp, cnt_sh, sum_sh, cnt_h, sum_h, cnt_m, sum_m)

    def tbody(c, acc):
        return acc + jnp.sum(cnt_m[pl.ds(c * L, L)])
    m_cnt = lax.fori_loop(0, NBIN // L, tbody, jnp.int32(0))
    vk = (jnp.full((L,), m_cnt, jnp.int32).astype(jnp.float32)
          * jnp.float32(0.8)).astype(jnp.int32)
    k = _extract(vk, 0)
    bstar, c_below, s_below = _scan_select(cnt_m, sum_m, k)

    _zero_cnt(cnt_h)
    _hist_pass2(eb_c, cnt_h, bstar)
    _lane_reduce_cnt(cnt_h, cnt_m)
    pltpu.sync_copy(cnt_m, cnt_sh.at[sid])
    plsc.subcore_barrier()

    @pl.when(is_leader)
    def _leader2():
        _merge_group_cnt(sid, cnt_sh, cnt_h, cnt_m)
        k2 = k - c_below
        b2, c2_below, s2_mid = _scan_select_mid(cnt_m, k2, bstar)
        r = k2 - c2_below
        vbits = jnp.full((L,), lax.shift_left(bstar, 21) + jnp.int32(0x400)
                         + lax.shift_left(b2, 11), jnp.int32)
        midv = _extract(lax.bitcast_convert_type(vbits, jnp.float32), 0)
        vi_ = jnp.zeros((L,), jnp.int32)
        vi_ = _put(vi_, 2, r)
        vi_ = _put(vi_, 5, m_cnt)
        vo = vi_.astype(jnp.float32)
        vo = _put(vo, 0, s_below)
        vo = _put(vo, 1, s2_mid)
        vo = _put(vo, 4, midv)
        msg_o[...] = vo
        pltpu.sync_copy(msg_o, out_hbm.at[img])


def _finalize_kernel(x_ref, out_ref):
    x = x_ref[...]
    s_below, s2_mid = x[:, 0:1], x[:, 1:2]
    r, midv = x[:, 2:3], x[:, 4:5]
    m = x[:, 5:6]
    numer = jnp.sum(s_below + s2_mid + r * midv, axis=0, keepdims=True)
    divisor = jnp.sum(m * jnp.float32(0.8), axis=0, keepdims=True)
    out_ref[...] = jnp.where(divisor == 0.0, jnp.float32(0.0),
                             numer[:, 0:1] / jnp.maximum(divisor,
                                                         jnp.float32(1e-12)))


@jax.jit
def kernel(prediction, target, mask):
    pred = prediction.reshape(B, HW)
    targ = target.reshape(B, HW)
    mflat = mask.reshape(B, HW)

    sc = pl.kernel(
        _sc_body,
        out_type=jax.ShapeDtypeStruct((B, L), jnp.float32),
        mesh=plsc.VectorSubcoreMesh(core_axis_name="c", subcore_axis_name="s",
                                    num_cores=NC, num_subcores=NS),
        compiler_params=pltpu.CompilerParams(needs_layout_passes=False, skip_device_barrier=True),
        scratch_types=[
            pltpu.VMEM((CH,), jnp.float32),
            pltpu.VMEM((CH,), jnp.float32),
            pltpu.VMEM((CH,), jnp.int32),
            pltpu.VMEM((CH,), jnp.float32),
            pltpu.VMEM((CH,), jnp.float32),
            pltpu.VMEM((CH,), jnp.int32),
            pltpu.SemaphoreType.DMA,
            pltpu.SemaphoreType.DMA,
            pltpu.VMEM((TPT,), jnp.int32),
            pltpu.VMEM((HLEN,), jnp.int32),
            pltpu.VMEM((HLEN,), jnp.float32),
            pltpu.VMEM((NBIN,), jnp.int32),
            pltpu.VMEM((NBIN,), jnp.float32),
            pltpu.VMEM((L,), jnp.float32),
            pltpu.VMEM_SHARED((NS, NBIN), jnp.int32),
            pltpu.VMEM_SHARED((NS, NBIN), jnp.float32),
        ],
    )
    per_image = sc(pred, targ, mflat)

    out = pl.pallas_call(
        _finalize_kernel,
        out_shape=jax.ShapeDtypeStruct((1, 1), jnp.float32),
    )(per_image)
    return out.reshape(())

# --- scband reference (transcript-rebuilt; emitter-appended) ---
"""Pipeline reference for scband-trimmed-maeloss-33406255628551 (READ-ONLY COPY).

The authoritative reference and input builder live on the scoring server;
editing this copy changes nothing except your own understanding.
"""

import jax, jax.numpy as jnp
import numpy as np


def setup_inputs(seed: int = 0) -> dict:
    key = jax.random.key(seed)
    k1, k2, k3 = jax.random.split(key, 3)
    prediction = jax.random.normal(k1, (8, 384, 384), dtype=jnp.float32)
    target = jax.random.normal(k2, (8, 384, 384), dtype=jnp.float32)
    mask = jax.random.randint(k3, (8, 384, 384), 0, 2, dtype=jnp.int32)
    return {"prediction": prediction, "target": target, "mask": mask}


def reference(prediction, target, mask):
    trim_ratio = 0.2
    B = prediction.shape[0]
    HW = prediction.shape[1] * prediction.shape[2]
    mflat = (mask > 0).reshape(B, HW)
    M = jnp.sum(mflat.astype(jnp.float32), axis=1)
    res = jnp.abs(prediction - target).reshape(B, HW)
    big = jnp.float32(1e10)
    # invalid pixels pushed to the end of the sort with a huge sentinel
    errs = jnp.where(mflat, res, big)
    sorted_errs = jnp.sort(errs, axis=1)
    # per-image number of kept (smallest) errors: int(M_i * (1 - trim_ratio))
    num_keep = jnp.floor(M * (1.0 - trim_ratio)).astype(jnp.int32)
    ranks = jnp.arange(HW, dtype=jnp.int32)[None, :]
    keep = ranks < num_keep[:, None]
    image_loss = jnp.sum(jnp.where(keep, sorted_errs, jnp.float32(0.0)), axis=1)
    # batch-based reduction
    divisor = jnp.sum(M * (1.0 - trim_ratio))
    loss = jnp.where(divisor == 0,
                     jnp.float32(0.0),
                     jnp.sum(image_loss) / jnp.maximum(divisor, jnp.float32(1e-12)))
    return loss

if __name__ == "__main__":
    import jax
    _d = setup_inputs()
    print(jax.jit(kernel)(*tuple(_d.values())))

</pallas_src>

<mosaic_0001>
#map = affine_map<(d0, d1) -> (0, 0)>
module attributes {stable_mosaic.version = 14 : i64} {
  func.func @_sc_body(%arg0: i32, %arg1: i32, %arg2: memref<8x147456xf32, #tpu.memory_space<hbm>>, %arg3: memref<8x147456xf32, #tpu.memory_space<hbm>>, %arg4: memref<8x147456xi32, #tpu.memory_space<hbm>>, %arg5: memref<8x16xf32, #tpu.memory_space<hbm>>, %arg6: memref<9216xf32, #tpu.memory_space<vmem>>, %arg7: memref<9216xf32, #tpu.memory_space<vmem>>, %arg8: memref<9216xi32, #tpu.memory_space<vmem>>, %arg9: memref<9216xf32, #tpu.memory_space<vmem>>, %arg10: memref<9216xf32, #tpu.memory_space<vmem>>, %arg11: memref<9216xi32, #tpu.memory_space<vmem>>, %arg12: memref<!tpu.dma_semaphore, #tpu.memory_space<semaphore_mem>>, %arg13: memref<!tpu.dma_semaphore, #tpu.memory_space<semaphore_mem>>, %arg14: memref<36864xi32, #tpu.memory_space<vmem>>, %arg15: memref<16384xi32, #tpu.memory_space<vmem>>, %arg16: memref<16384xf32, #tpu.memory_space<vmem>>, %arg17: memref<1024xi32, #tpu.memory_space<vmem>>, %arg18: memref<1024xf32, #tpu.memory_space<vmem>>, %arg19: memref<16xf32, #tpu.memory_space<vmem>>, %arg20: memref<16x1024xi32, #tpu.memory_space<vmem_shared>>, %arg21: memref<16x1024xf32, #tpu.memory_space<vmem_shared>>) attributes {dimension_semantics = [#tpu.dimension_semantics<core_parallel>, #tpu.dimension_semantics<subcore_parallel>], iteration_bounds = array<i64: 2, 16>, scalar_prefetch = 0 : i64, scratch_operands = 16 : i64, tpu.core_type = #tpu.core_type<sc_vector_subcore>, window_params = [{transform_indices = #map}, {transform_indices = #map}, {transform_indices = #map}, {transform_indices = #map}]} {
    %mul3A = arith.constant 4 : i32
    %mul3A_0 = arith.muli %arg0, %mul3A : i32
    %jit3A = arith.constant 4 : i32
    %div3A = arith.divsi %arg1, %jit3A : i32
    %sign3A = arith.constant 0 : i32
    %sign3A_1 = arith.cmpi sgt, %arg1, %sign3A : i32
    %sign3A_2 = arith.extui %sign3A_1 : i1 to i32
    %sign3A_3 = arith.constant 0 : i32
    %sign3A_4 = arith.cmpi slt, %arg1, %sign3A_3 : i32
    %sign3A_5 = arith.extui %sign3A_4 : i1 to i32
    %sign3A_6 = arith.subi %sign3A_2, %sign3A_5 : i32
    %sign3A_7 = arith.constant 0 : i32
    %sign3A_8 = arith.cmpi sgt, %jit3A, %sign3A_7 : i32
    %sign3A_9 = arith.extui %sign3A_8 : i1 to i32
    %sign3A_10 = arith.constant 0 : i32
    %sign3A_11 = arith.cmpi slt, %jit3A, %sign3A_10 : i32
    %sign3A_12 = arith.extui %sign3A_11 : i1 to i32
    %sign3A_13 = arith.subi %sign3A_9, %sign3A_12 : i32
    %ne3A = arith.cmpi ne, %sign3A_6, %sign3A_13 : i32
    %rem3A = arith.remsi %arg1, %jit3A : i32
    %ne3A_14 = arith.constant 0 : i32
    %ne3A_15 = arith.cmpi ne, %rem3A, %ne3A_14 : i32
    %and3A = arith.andi %ne3A, %ne3A_15 : i1
    %sub3A = arith.constant 1 : i32
    %sub3A_16 = arith.subi %div3A, %sub3A : i32
    %select_n3A = arith.select %and3A, %sub3A_16, %div3A : i32
    %add3A = arith.addi %mul3A_0, %select_n3A : i32
    %jit3A_17 = arith.constant 4 : i32
    %div3A_18 = arith.divsi %arg1, %jit3A_17 : i32
    %sign3A_19 = arith.constant 0 : i32
    %sign3A_20 = arith.cmpi sgt, %arg1, %sign3A_19 : i32
    %sign3A_21 = arith.extui %sign3A_20 : i1 to i32
    %sign3A_22 = arith.constant 0 : i32
    %sign3A_23 = arith.cmpi slt, %arg1, %sign3A_22 : i32
    %sign3A_24 = arith.extui %sign3A_23 : i1 to i32
    %sign3A_25 = arith.subi %sign3A_21, %sign3A_24 : i32
    %sign3A_26 = arith.constant 0 : i32
    %sign3A_27 = arith.cmpi sgt, %jit3A_17, %sign3A_26 : i32
    %sign3A_28 = arith.extui %sign3A_27 : i1 to i32
    %sign3A_29 = arith.constant 0 : i32
    %sign3A_30 = arith.cmpi slt, %jit3A_17, %sign3A_29 : i32
    %sign3A_31 = arith.extui %sign3A_30 : i1 to i32
    %sign3A_32 = arith.subi %sign3A_28, %sign3A_31 : i32
    %ne3A_33 = arith.cmpi ne, %sign3A_25, %sign3A_32 : i32
    %rem3A_34 = arith.remsi %arg1, %jit3A_17 : i32
    %ne3A_35 = arith.constant 0 : i32
    %ne3A_36 = arith.cmpi ne, %rem3A_34, %ne3A_35 : i32
    %and3A_37 = arith.andi %ne3A_33, %ne3A_36 : i1
    %sub3A_38 = arith.constant 1 : i32
    %sub3A_39 = arith.subi %div3A_18, %sub3A_38 : i32
    %select_n3A_40 = arith.select %and3A_37, %sub3A_39, %div3A_18 : i32
    %jit3A_41 = arith.constant 4 : i32
    %eq3A = arith.constant 0 : i32
    %eq3A_42 = arith.cmpi eq, %jit3A_41, %eq3A : i32
    %jit3A_43 = arith.constant 1 : i32
    %select_n3A_44 = arith.select %eq3A_42, %jit3A_43, %jit3A_41 : i32
    %rem3A_45 = arith.remsi %arg1, %select_n3A_44 : i32
    %ne3A_46 = arith.constant 0 : i32
    %ne3A_47 = arith.cmpi ne, %rem3A_45, %ne3A_46 : i32
    %lt3A = arith.constant 0 : i32
    %lt3A_48 = arith.cmpi slt, %rem3A_45, %lt3A : i32
    %lt3A_49 = arith.constant 0 : i32
    %lt3A_50 = arith.cmpi slt, %select_n3A_44, %lt3A_49 : i32
    %ne3A_51 = arith.xori %lt3A_48, %lt3A_50 : i1
    %and3A_52 = arith.andi %ne3A_51, %ne3A_47 : i1
    %add3A_53 = arith.addi %rem3A_45, %select_n3A_44 : i32
    %select_n3A_54 = arith.select %and3A_52, %add3A_53, %rem3A_45 : i32
    %eq3A_55 = arith.constant 0 : i32
    %eq3A_56 = arith.cmpi eq, %select_n3A_54, %eq3A_55 : i32
    %parallel_loop3A = arith.constant 0 : i32
    %parallel_loop3A_57 = arith.constant 1024 : i32
    %parallel_loop3A_58 = arith.constant 1 : i32
    scf.for %parallel_loop3A_289 = %parallel_loop3A to %parallel_loop3A_57 step %parallel_loop3A_58  : i32 {
      %parallel_loop3A_290 = arith.constant 0 : i32
      %parallel_loop3A_291 = vector.broadcast %parallel_loop3A_290 : i32 to vector<16xi32>
      %parallel_loop3A_292 = arith.constant 16 : i32
      %parallel_loop3A_293 = arith.muli %parallel_loop3A_289, %parallel_loop3A_292 : i32
      %parallel_loop3A_294 = arith.index_cast %parallel_loop3A_293 : i32 to index
      %parallel_loop3A_295 = tpu.vector_load %arg15[%parallel_loop3A_294] {strides = array<i32>} : memref<16384xi32, #tpu.memory_space<vmem>>, vector<16xi32>,
      tpu.vector_store %arg15[%parallel_loop3A_294], %parallel_loop3A_291 {strides = array<i32>} : memref<16384xi32, #tpu.memory_space<vmem>>, vector<16xi32>,
      %parallel_loop3A_296 = arith.constant 0.000000e+00 : f32
      %parallel_loop3A_297 = vector.broadcast %parallel_loop3A_296 : f32 to vector<16xf32>
      %parallel_loop3A_298 = arith.constant 16 : i32
      %parallel_loop3A_299 = arith.muli %parallel_loop3A_289, %parallel_loop3A_298 : i32
      %parallel_loop3A_300 = arith.index_cast %parallel_loop3A_299 : i32 to index
      %parallel_loop3A_301 = tpu.vector_load %arg16[%parallel_loop3A_300] {strides = array<i32>} : memref<16384xf32, #tpu.memory_space<vmem>>, vector<16xf32>,
      tpu.vector_store %arg16[%parallel_loop3A_300], %parallel_loop3A_297 {strides = array<i32>} : memref<16384xf32, #tpu.memory_space<vmem>>, vector<16xf32>,
    } {sc.loop_unroll_factor = 8 : i64, sc.parallel_access}
    %iota3A = tpu.iota {dimensions = array<i32: 0>} : vector<16xi32>
    %mul3A_59 = arith.constant 1024 : i32
    %mul3A_60 = vector.broadcast %mul3A_59 : i32 to vector<16xi32>
    %mul3A_61 = arith.muli %iota3A, %mul3A_60 : vector<16xi32>
    %broadcast_in_dim3A = arith.constant 1 : i32
    %broadcast_in_dim3A_62 = vector.broadcast %broadcast_in_dim3A : i32 to vector<16xi32>
    %mul3A_63 = arith.constant 36864 : i32
    %mul3A_64 = arith.muli %select_n3A_54, %mul3A_63 : i32
    %add3A_65 = arith.constant 0 : i32
    %add3A_66 = arith.addi %mul3A_64, %add3A_65 : i32
    %dma_start3A = tpu.memref_slice %arg2[%add3A, %add3A_66] : memref<8x147456xf32, #tpu.memory_space<hbm>> -> memref<1x9216xf32, #tpu.memory_space<hbm>>
    %dma_start3A_67 = tpu.memref_squeeze %dma_start3A : memref<1x9216xf32, #tpu.memory_space<hbm>> -> memref<9216xf32, #tpu.memory_space<hbm>>
    %dma_start3A_68 = tpu.memref_slice %arg2[%add3A, %add3A_66] : memref<8x147456xf32, #tpu.memory_space<hbm>> -> memref<1x9216xf32, #tpu.memory_space<hbm>>
    %dma_start3A_69 = tpu.memref_squeeze %dma_start3A_68 : memref<1x9216xf32, #tpu.memory_space<hbm>> -> memref<9216xf32, #tpu.memory_space<hbm>>
    tpu.enqueue_dma source(%dma_start3A_69 : memref<9216xf32, #tpu.memory_space<hbm>>) target(%arg6 : memref<9216xf32, #tpu.memory_space<vmem>>) target_semaphore(%arg12 : memref<!tpu.dma_semaphore, #tpu.memory_space<semaphore_mem>>)
    %dma_start3A_70 = tpu.memref_slice %arg3[%add3A, %add3A_66] : memref<8x147456xf32, #tpu.memory_space<hbm>> -> memref<1x9216xf32, #tpu.memory_space<hbm>>
    %dma_start3A_71 = tpu.memref_squeeze %dma_start3A_70 : memref<1x9216xf32, #tpu.memory_space<hbm>> -> memref<9216xf32, #tpu.memory_space<hbm>>
    %dma_start3A_72 = tpu.memref_slice %arg3[%add3A, %add3A_66] : memref<8x147456xf32, #tpu.memory_space<hbm>> -> memref<1x9216xf32, #tpu.memory_space<hbm>>
    %dma_start3A_73 = tpu.memref_squeeze %dma_start3A_72 : memref<1x9216xf32, #tpu.memory_space<hbm>> -> memref<9216xf32, #tpu.memory_space<hbm>>
    tpu.enqueue_dma source(%dma_start3A_73 : memref<9216xf32, #tpu.memory_space<hbm>>) target(%arg7 : memref<9216xf32, #tpu.memory_space<vmem>>) target_semaphore(%arg12 : memref<!tpu.dma_semaphore, #tpu.memory_space<semaphore_mem>>)
    %dma_start3A_74 = tpu.memref_slice %arg4[%add3A, %add3A_66] : memref<8x147456xi32, #tpu.memory_space<hbm>> -> memref<1x9216xi32, #tpu.memory_space<hbm>>
    %dma_start3A_75 = tpu.memref_squeeze %dma_start3A_74 : memref<1x9216xi32, #tpu.memory_space<hbm>> -> memref<9216xi32, #tpu.memory_space<hbm>>
    %dma_start3A_76 = tpu.memref_slice %arg4[%add3A, %add3A_66] : memref<8x147456xi32, #tpu.memory_space<hbm>> -> memref<1x9216xi32, #tpu.memory_space<hbm>>
    %dma_start3A_77 = tpu.memref_squeeze %dma_start3A_76 : memref<1x9216xi32, #tpu.memory_space<hbm>> -> memref<9216xi32, #tpu.memory_space<hbm>>
    tpu.enqueue_dma source(%dma_start3A_77 : memref<9216xi32, #tpu.memory_space<hbm>>) target(%arg8 : memref<9216xi32, #tpu.memory_space<vmem>>) target_semaphore(%arg12 : memref<!tpu.dma_semaphore, #tpu.memory_space<semaphore_mem>>)
    %dma_wait3A = tpu.memref_slice %arg2[%add3A, %add3A_66] : memref<8x147456xf32, #tpu.memory_space<hbm>> -> memref<1x9216xf32, #tpu.memory_space<hbm>>
    %dma_wait3A_78 = tpu.memref_squeeze %dma_wait3A : memref<1x9216xf32, #tpu.memory_space<hbm>> -> memref<9216xf32, #tpu.memory_space<hbm>>
    %dma_wait3A_79 = tpu.memref_slice %arg2[%add3A, %add3A_66] : memref<8x147456xf32, #tpu.memory_space<hbm>> -> memref<1x9216xf32, #tpu.memory_space<hbm>>
    %dma_wait3A_80 = tpu.memref_squeeze %dma_wait3A_79 : memref<1x9216xf32, #tpu.memory_space<hbm>> -> memref<9216xf32, #tpu.memory_space<hbm>>
    tpu.wait_dma2 semaphore(%arg12 : memref<!tpu.dma_semaphore, #tpu.memory_space<semaphore_mem>>) src(%dma_wait3A_80 : memref<9216xf32, #tpu.memory_space<hbm>>) dst(%arg6 : memref<9216xf32, #tpu.memory_space<vmem>>)
    %dma_wait3A_81 = tpu.memref_slice %arg3[%add3A, %add3A_66] : memref<8x147456xf32, #tpu.memory_space<hbm>> -> memref<1x9216xf32, #tpu.memory_space<hbm>>
    %dma_wait3A_82 = tpu.memref_squeeze %dma_wait3A_81 : memref<1x9216xf32, #tpu.memory_space<hbm>> -> memref<9216xf32, #tpu.memory_space<hbm>>
    %dma_wait3A_83 = tpu.memref_slice %arg3[%add3A, %add3A_66] : memref<8x147456xf32, #tpu.memory_space<hbm>> -> memref<1x9216xf32, #tpu.memory_space<hbm>>
    %dma_wait3A_84 = tpu.memref_squeeze %dma_wait3A_83 : memref<1x9216xf32, #tpu.memory_space<hbm>> -> memref<9216xf32, #tpu.memory_space<hbm>>
    tpu.wait_dma2 semaphore(%arg12 : memref<!tpu.dma_semaphore, #tpu.memory_space<semaphore_mem>>) src(%dma_wait3A_84 : memref<9216xf32, #tpu.memory_space<hbm>>) dst(%arg7 : memref<9216xf32, #tpu.memory_space<vmem>>)
    %dma_wait3A_85 = tpu.memref_slice %arg4[%add3A, %add3A_66] : memref<8x147456xi32, #tpu.memory_space<hbm>> -> memref<1x9216xi32, #tpu.memory_space<hbm>>
    %dma_wait3A_86 = tpu.memref_squeeze %dma_wait3A_85 : memref<1x9216xi32, #tpu.memory_space<hbm>> -> memref<9216xi32, #tpu.memory_space<hbm>>
    %dma_wait3A_87 = tpu.memref_slice %arg4[%add3A, %add3A_66] : memref<8x147456xi32, #tpu.memory_space<hbm>> -> memref<1x9216xi32, #tpu.memory_space<hbm>>
    %dma_wait3A_88 = tpu.memref_squeeze %dma_wait3A_87 : memref<1x9216xi32, #tpu.memory_space<hbm>> -> memref<9216xi32, #tpu.memory_space<hbm>>
    tpu.wait_dma2 semaphore(%arg12 : memref<!tpu.dma_semaphore, #tpu.memory_space<semaphore_mem>>) src(%dma_wait3A_88 : memref<9216xi32, #tpu.memory_space<hbm>>) dst(%arg8 : memref<9216xi32, #tpu.memory_space<vmem>>)
    %add3A_89 = arith.constant 9216 : i32
    %add3A_90 = arith.addi %mul3A_64, %add3A_89 : i32
    %dma_start3A_91 = tpu.memref_slice %arg2[%add3A, %add3A_90] : memref<8x147456xf32, #tpu.memory_space<hbm>> -> memref<1x9216xf32, #tpu.memory_space<hbm>>
    %dma_start3A_92 = tpu.memref_squeeze %dma_start3A_91 : memref<1x9216xf32, #tpu.memory_space<hbm>> -> memref<9216xf32, #tpu.memory_space<hbm>>
    %dma_start3A_93 = tpu.memref_slice %arg2[%add3A, %add3A_90] : memref<8x147456xf32, #tpu.memory_space<hbm>> -> memref<1x9216xf32, #tpu.memory_space<hbm>>
    %dma_start3A_94 = tpu.memref_squeeze %dma_start3A_93 : memref<1x9216xf32, #tpu.memory_space<hbm>> -> memref<9216xf32, #tpu.memory_space<hbm>>
    tpu.enqueue_dma source(%dma_start3A_94 : memref<9216xf32, #tpu.memory_space<hbm>>) target(%arg9 : memref<9216xf32, #tpu.memory_space<vmem>>) target_semaphore(%arg13 : memref<!tpu.dma_semaphore, #tpu.memory_space<semaphore_mem>>)
    %dma_start3A_95 = tpu.memref_slice %arg3[%add3A, %add3A_90] : memref<8x147456xf32, #tpu.memory_space<hbm>> -> memref<1x9216xf32, #tpu.memory_space<hbm>>
    %dma_start3A_96 = tpu.memref_squeeze %dma_start3A_95 : memref<1x9216xf32, #tpu.memory_space<hbm>> -> memref<9216xf32, #tpu.memory_space<hbm>>
    %dma_start3A_97 = tpu.memref_slice %arg3[%add3A, %add3A_90] : memref<8x147456xf32, #tpu.memory_space<hbm>> -> memref<1x9216xf32, #tpu.memory_space<hbm>>
    %dma_start3A_98 = tpu.memref_squeeze %dma_start3A_97 : memref<1x9216xf32, #tpu.memory_space<hbm>> -> memref<9216xf32, #tpu.memory_space<hbm>>
    tpu.enqueue_dma source(%dma_start3A_98 : memref<9216xf32, #tpu.memory_space<hbm>>) target(%arg10 : memref<9216xf32, #tpu.memory_space<vmem>>) target_semaphore(%arg13 : memref<!tpu.dma_semaphore, #tpu.memory_space<semaphore_mem>>)
    %dma_start3A_99 = tpu.memref_slice %arg4[%add3A, %add3A_90] : memref<8x147456xi32, #tpu.memory_space<hbm>> -> memref<1x9216xi32, #tpu.memory_space<hbm>>
    %dma_start3A_100 = tpu.memref_squeeze %dma_start3A_99 : memref<1x9216xi32, #tpu.memory_space<hbm>> -> memref<9216xi32, #tpu.memory_space<hbm>>
    %dma_start3A_101 = tpu.memref_slice %arg4[%add3A, %add3A_90] : memref<8x147456xi32, #tpu.memory_space<hbm>> -> memref<1x9216xi32, #tpu.memory_space<hbm>>
    %dma_start3A_102 = tpu.memref_squeeze %dma_start3A_101 : memref<1x9216xi32, #tpu.memory_space<hbm>> -> memref<9216xi32, #tpu.memory_space<hbm>>
    tpu.enqueue_dma source(%dma_start3A_102 : memref<9216xi32, #tpu.memory_space<hbm>>) target(%arg11 : memref<9216xi32, #tpu.memory_space<vmem>>) target_semaphore(%arg13 : memref<!tpu.dma_semaphore, #tpu.memory_space<semaphore_mem>>)
    %parallel_loop3A_103 = arith.constant 0 : i32
    %parallel_loop3A_104 = arith.constant 576 : i32
    %parallel_loop3A_105 = arith.constant 1 : i32
    scf.for %parallel_loop3A_289 = %parallel_loop3A_103 to %parallel_loop3A_104 step %parallel_loop3A_105  : i32 {
      %parallel_loop3A_290 = arith.constant 16 : i32
      %parallel_loop3A_291 = arith.muli %parallel_loop3A_289, %parallel_loop3A_290 : i32
      %parallel_loop3A_292 = arith.index_cast %parallel_loop3A_291 : i32 to index
      %parallel_loop3A_293 = tpu.vector_load %arg6[%parallel_loop3A_292] {strides = array<i32>} : memref<9216xf32, #tpu.memory_space<vmem>>, vector<16xf32>,
      %parallel_loop3A_294 = arith.index_cast %parallel_loop3A_291 : i32 to index
      %parallel_loop3A_295 = tpu.vector_load %arg7[%parallel_loop3A_294] {strides = array<i32>} : memref<9216xf32, #tpu.memory_space<vmem>>, vector<16xf32>,
      %parallel_loop3A_296 = arith.subf %parallel_loop3A_293, %parallel_loop3A_295 : vector<16xf32>
      %parallel_loop3A_297 = math.absf %parallel_loop3A_296 : vector<16xf32>
      %parallel_loop3A_298 = arith.index_cast %parallel_loop3A_291 : i32 to index
      %parallel_loop3A_299 = tpu.vector_load %arg8[%parallel_loop3A_298] {strides = array<i32>} : memref<9216xi32, #tpu.memory_space<vmem>>, vector<16xi32>,
      %parallel_loop3A_300 = arith.constant 0 : i32
      %parallel_loop3A_301 = vector.broadcast %parallel_loop3A_300 : i32 to vector<16xi32>
      %parallel_loop3A_302 = arith.cmpi sgt, %parallel_loop3A_299, %parallel_loop3A_301 : vector<16xi32>
      %parallel_loop3A_303 = tpu.bitcast %parallel_loop3A_297 : vector<16xf32> -> vector<16xi32>
      %parallel_loop3A_304 = arith.constant 2147483647 : i32
      %parallel_loop3A_305 = vector.broadcast %parallel_loop3A_304 : i32 to vector<16xi32>
      %parallel_loop3A_306 = arith.select %parallel_loop3A_302, %parallel_loop3A_303, %parallel_loop3A_305 : vector<16xi1>, vector<16xi32>
      %parallel_loop3A_307 = arith.constant 16 : i32
      %parallel_loop3A_308 = arith.muli %parallel_loop3A_289, %parallel_loop3A_307 : i32
      %parallel_loop3A_309 = arith.constant 0 : i32
      %parallel_loop3A_310 = arith.addi %parallel_loop3A_309, %parallel_loop3A_308 : i32
      %parallel_loop3A_311 = arith.index_cast %parallel_loop3A_310 : i32 to index
      %parallel_loop3A_312 = tpu.vector_load %arg14[%parallel_loop3A_311] {strides = array<i32>} : memref<36864xi32, #tpu.memory_space<vmem>>, vector<16xi32>,
      tpu.vector_store %arg14[%parallel_loop3A_311], %parallel_loop3A_306 {strides = array<i32>} : memref<36864xi32, #tpu.memory_space<vmem>>, vector<16xi32>,
      %parallel_loop3A_313 = arith.constant 21 : i32
      %parallel_loop3A_314 = vector.broadcast %parallel_loop3A_313 : i32 to vector<16xi32>
      %parallel_loop3A_315 = arith.shrui %parallel_loop3A_303, %parallel_loop3A_314 : vector<16xi32>
      %parallel_loop3A_316 = arith.addi %mul3A_61, %parallel_loop3A_315 : vector<16xi32>
      tpu.vector_store_idx %arg15[%parallel_loop3A_316], %broadcast_in_dim3A_62 masked %parallel_loop3A_302 {add = true} : memref<16384xi32, #tpu.memory_space<vmem>>[vector<16xi32>], vector<16xi32>, vector<16xi1>
      tpu.vector_store_idx %arg16[%parallel_loop3A_316], %parallel_loop3A_297 masked %parallel_loop3A_302 {add = true} : memref<16384xf32, #tpu.memory_space<vmem>>[vector<16xi32>], vector<16xf32>, vector<16xi1>
    } {sc.loop_unroll_factor = 4 : i64, sc.parallel_access}
    %dma_wait3A_106 = tpu.memref_slice %arg2[%add3A, %add3A_90] : memref<8x147456xf32, #tpu.memory_space<hbm>> -> memref<1x9216xf32, #tpu.memory_space<hbm>>
    %dma_wait3A_107 = tpu.memref_squeeze %dma_wait3A_106 : memref<1x9216xf32, #tpu.memory_space<hbm>> -> memref<9216xf32, #tpu.memory_space<hbm>>
    %dma_wait3A_108 = tpu.memref_slice %arg2[%add3A, %add3A_90] : memref<8x147456xf32, #tpu.memory_space<hbm>> -> memref<1x9216xf32, #tpu.memory_space<hbm>>
    %dma_wait3A_109 = tpu.memref_squeeze %dma_wait3A_108 : memref<1x9216xf32, #tpu.memory_space<hbm>> -> memref<9216xf32, #tpu.memory_space<hbm>>
    tpu.wait_dma2 semaphore(%arg13 : memref<!tpu.dma_semaphore, #tpu.memory_space<semaphore_mem>>) src(%dma_wait3A_109 : memref<9216xf32, #tpu.memory_space<hbm>>) dst(%arg9 : memref<9216xf32, #tpu.memory_space<vmem>>)
    %dma_wait3A_110 = tpu.memref_slice %arg3[%add3A, %add3A_90] : memref<8x147456xf32, #tpu.memory_space<hbm>> -> memref<1x9216xf32, #tpu.memory_space<hbm>>
    %dma_wait3A_111 = tpu.memref_squeeze %dma_wait3A_110 : memref<1x9216xf32, #tpu.memory_space<hbm>> -> memref<9216xf32, #tpu.memory_space<hbm>>
    %dma_wait3A_112 = tpu.memref_slice %arg3[%add3A, %add3A_90] : memref<8x147456xf32, #tpu.memory_space<hbm>> -> memref<1x9216xf32, #tpu.memory_space<hbm>>
    %dma_wait3A_113 = tpu.memref_squeeze %dma_wait3A_112 : memref<1x9216xf32, #tpu.memory_space<hbm>> -> memref<9216xf32, #tpu.memory_space<hbm>>
    tpu.wait_dma2 semaphore(%arg13 : memref<!tpu.dma_semaphore, #tpu.memory_space<semaphore_mem>>) src(%dma_wait3A_113 : memref<9216xf32, #tpu.memory_space<hbm>>) dst(%arg10 : memref<9216xf32, #tpu.memory_space<vmem>>)
    %dma_wait3A_114 = tpu.memref_slice %arg4[%add3A, %add3A_90] : memref<8x147456xi32, #tpu.memory_space<hbm>> -> memref<1x9216xi32, #tpu.memory_space<hbm>>
    %dma_wait3A_115 = tpu.memref_squeeze %dma_wait3A_114 : memref<1x9216xi32, #tpu.memory_space<hbm>> -> memref<9216xi32, #tpu.memory_space<hbm>>
    %dma_wait3A_116 = tpu.memref_slice %arg4[%add3A, %add3A_90] : memref<8x147456xi32, #tpu.memory_space<hbm>> -> memref<1x9216xi32, #tpu.memory_space<hbm>>
    %dma_wait3A_117 = tpu.memref_squeeze %dma_wait3A_116 : memref<1x9216xi32, #tpu.memory_space<hbm>> -> memref<9216xi32, #tpu.memory_space<hbm>>
    tpu.wait_dma2 semaphore(%arg13 : memref<!tpu.dma_semaphore, #tpu.memory_space<semaphore_mem>>) src(%dma_wait3A_117 : memref<9216xi32, #tpu.memory_space<hbm>>) dst(%arg11 : memref<9216xi32, #tpu.memory_space<vmem>>)
    %add3A_118 = arith.constant 18432 : i32
    %add3A_119 = arith.addi %mul3A_64, %add3A_118 : i32
    %dma_start3A_120 = tpu.memref_slice %arg2[%add3A, %add3A_119] : memref<8x147456xf32, #tpu.memory_space<hbm>> -> memref<1x9216xf32, #tpu.memory_space<hbm>>
    %dma_start3A_121 = tpu.memref_squeeze %dma_start3A_120 : memref<1x9216xf32, #tpu.memory_space<hbm>> -> memref<9216xf32, #tpu.memory_space<hbm>>
    %dma_start3A_122 = tpu.memref_slice %arg2[%add3A, %add3A_119] : memref<8x147456xf32, #tpu.memory_space<hbm>> -> memref<1x9216xf32, #tpu.memory_space<hbm>>
    %dma_start3A_123 = tpu.memref_squeeze %dma_start3A_122 : memref<1x9216xf32, #tpu.memory_space<hbm>> -> memref<9216xf32, #tpu.memory_space<hbm>>
    tpu.enqueue_dma source(%dma_start3A_123 : memref<9216xf32, #tpu.memory_space<hbm>>) target(%arg6 : memref<9216xf32, #tpu.memory_space<vmem>>) target_semaphore(%arg12 : memref<!tpu.dma_semaphore, #tpu.memory_space<semaphore_mem>>)
    %dma_start3A_124 = tpu.memref_slice %arg3[%add3A, %add3A_119] : memref<8x147456xf32, #tpu.memory_space<hbm>> -> memref<1x9216xf32, #tpu.memory_space<hbm>>
    %dma_start3A_125 = tpu.memref_squeeze %dma_start3A_124 : memref<1x9216xf32, #tpu.memory_space<hbm>> -> memref<9216xf32, #tpu.memory_space<hbm>>
    %dma_start3A_126 = tpu.memref_slice %arg3[%add3A, %add3A_119] : memref<8x147456xf32, #tpu.memory_space<hbm>> -> memref<1x9216xf32, #tpu.memory_space<hbm>>
    %dma_start3A_127 = tpu.memref_squeeze %dma_start3A_126 : memref<1x9216xf32, #tpu.memory_space<hbm>> -> memref<9216xf32, #tpu.memory_space<hbm>>
    tpu.enqueue_dma source(%dma_start3A_127 : memref<9216xf32, #tpu.memory_space<hbm>>) target(%arg7 : memref<9216xf32, #tpu.memory_space<vmem>>) target_semaphore(%arg12 : memref<!tpu.dma_semaphore, #tpu.memory_space<semaphore_mem>>)
    %dma_start3A_128 = tpu.memref_slice %arg4[%add3A, %add3A_119] : memref<8x147456xi32, #tpu.memory_space<hbm>> -> memref<1x9216xi32, #tpu.memory_space<hbm>>
    %dma_start3A_129 = tpu.memref_squeeze %dma_start3A_128 : memref<1x9216xi32, #tpu.memory_space<hbm>> -> memref<9216xi32, #tpu.memory_space<hbm>>
    %dma_start3A_130 = tpu.memref_slice %arg4[%add3A, %add3A_119] : memref<8x147456xi32, #tpu.memory_space<hbm>> -> memref<1x9216xi32, #tpu.memory_space<hbm>>
    %dma_start3A_131 = tpu.memref_squeeze %dma_start3A_130 : memref<1x9216xi32, #tpu.memory_space<hbm>> -> memref<9216xi32, #tpu.memory_space<hbm>>
    tpu.enqueue_dma source(%dma_start3A_131 : memref<9216xi32, #tpu.memory_space<hbm>>) target(%arg8 : memref<9216xi32, #tpu.memory_space<vmem>>) target_semaphore(%arg12 : memref<!tpu.dma_semaphore, #tpu.memory_space<semaphore_mem>>)
    %parallel_loop3A_132 = arith.constant 0 : i32
    %parallel_loop3A_133 = arith.constant 576 : i32
    %parallel_loop3A_134 = arith.constant 1 : i32
    scf.for %parallel_loop3A_289 = %parallel_loop3A_132 to %parallel_loop3A_133 step %parallel_loop3A_134  : i32 {
      %parallel_loop3A_290 = arith.constant 16 : i32
      %parallel_loop3A_291 = arith.muli %parallel_loop3A_289, %parallel_loop3A_290 : i32
      %parallel_loop3A_292 = arith.index_cast %parallel_loop3A_291 : i32 to index
      %parallel_loop3A_293 = tpu.vector_load %arg9[%parallel_loop3A_292] {strides = array<i32>} : memref<9216xf32, #tpu.memory_space<vmem>>, vector<16xf32>,
      %parallel_loop3A_294 = arith.index_cast %parallel_loop3A_291 : i32 to index
      %parallel_loop3A_295 = tpu.vector_load %arg10[%parallel_loop3A_294] {strides = array<i32>} : memref<9216xf32, #tpu.memory_space<vmem>>, vector<16xf32>,
      %parallel_loop3A_296 = arith.subf %parallel_loop3A_293, %parallel_loop3A_295 : vector<16xf32>
      %parallel_loop3A_297 = math.absf %parallel_loop3A_296 : vector<16xf32>
      %parallel_loop3A_298 = arith.index_cast %parallel_loop3A_291 : i32 to index
      %parallel_loop3A_299 = tpu.vector_load %arg11[%parallel_loop3A_298] {strides = array<i32>} : memref<9216xi32, #tpu.memory_space<vmem>>, vector<16xi32>,
      %parallel_loop3A_300 = arith.constant 0 : i32
      %parallel_loop3A_301 = vector.broadcast %parallel_loop3A_300 : i32 to vector<16xi32>
      %parallel_loop3A_302 = arith.cmpi sgt, %parallel_loop3A_299, %parallel_loop3A_301 : vector<16xi32>
      %parallel_loop3A_303 = tpu.bitcast %parallel_loop3A_297 : vector<16xf32> -> vector<16xi32>
      %parallel_loop3A_304 = arith.constant 2147483647 : i32
      %parallel_loop3A_305 = vector.broadcast %parallel_loop3A_304 : i32 to vector<16xi32>
      %parallel_loop3A_306 = arith.select %parallel_loop3A_302, %parallel_loop3A_303, %parallel_loop3A_305 : vector<16xi1>, vector<16xi32>
      %parallel_loop3A_307 = arith.constant 16 : i32
      %parallel_loop3A_308 = arith.muli %parallel_loop3A_289, %parallel_loop3A_307 : i32
      %parallel_loop3A_309 = arith.constant 9216 : i32
      %parallel_loop3A_310 = arith.addi %parallel_loop3A_309, %parallel_loop3A_308 : i32
      %parallel_loop3A_311 = arith.index_cast %parallel_loop3A_310 : i32 to index
      %parallel_loop3A_312 = tpu.vector_load %arg14[%parallel_loop3A_311] {strides = array<i32>} : memref<36864xi32, #tpu.memory_space<vmem>>, vector<16xi32>,
      tpu.vector_store %arg14[%parallel_loop3A_311], %parallel_loop3A_306 {strides = array<i32>} : memref<36864xi32, #tpu.memory_space<vmem>>, vector<16xi32>,
      %parallel_loop3A_313 = arith.constant 21 : i32
      %parallel_loop3A_314 = vector.broadcast %parallel_loop3A_313 : i32 to vector<16xi32>
      %parallel_loop3A_315 = arith.shrui %parallel_loop3A_303, %parallel_loop3A_314 : vector<16xi32>
      %parallel_loop3A_316 = arith.addi %mul3A_61, %parallel_loop3A_315 : vector<16xi32>
      tpu.vector_store_idx %arg15[%parallel_loop3A_316], %broadcast_in_dim3A_62 masked %parallel_loop3A_302 {add = true} : memref<16384xi32, #tpu.memory_space<vmem>>[vector<16xi32>], vector<16xi32>, vector<16xi1>
      tpu.vector_store_idx %arg16[%parallel_loop3A_316], %parallel_loop3A_297 masked %parallel_loop3A_302 {add = true} : memref<16384xf32, #tpu.memory_space<vmem>>[vector<16xi32>], vector<16xf32>, vector<16xi1>
    } {sc.loop_unroll_factor = 4 : i64, sc.parallel_access}
    %dma_wait3A_135 = tpu.memref_slice %arg2[%add3A, %add3A_119] : memref<8x147456xf32, #tpu.memory_space<hbm>> -> memref<1x9216xf32, #tpu.memory_space<hbm>>
    %dma_wait3A_136 = tpu.memref_squeeze %dma_wait3A_135 : memref<1x9216xf32, #tpu.memory_space<hbm>> -> memref<9216xf32, #tpu.memory_space<hbm>>
    %dma_wait3A_137 = tpu.memref_slice %arg2[%add3A, %add3A_119] : memref<8x147456xf32, #tpu.memory_space<hbm>> -> memref<1x9216xf32, #tpu.memory_space<hbm>>
    %dma_wait3A_138 = tpu.memref_squeeze %dma_wait3A_137 : memref<1x9216xf32, #tpu.memory_space<hbm>> -> memref<9216xf32, #tpu.memory_space<hbm>>
    tpu.wait_dma2 semaphore(%arg12 : memref<!tpu.dma_semaphore, #tpu.memory_space<semaphore_mem>>) src(%dma_wait3A_138 : memref<9216xf32, #tpu.memory_space<hbm>>) dst(%arg6 : memref<9216xf32, #tpu.memory_space<vmem>>)
    %dma_wait3A_139 = tpu.memref_slice %arg3[%add3A, %add3A_119] : memref<8x147456xf32, #tpu.memory_space<hbm>> -> memref<1x9216xf32, #tpu.memory_space<hbm>>
    %dma_wait3A_140 = tpu.memref_squeeze %dma_wait3A_139 : memref<1x9216xf32, #tpu.memory_space<hbm>> -> memref<9216xf32, #tpu.memory_space<hbm>>
    %dma_wait3A_141 = tpu.memref_slice %arg3[%add3A, %add3A_119] : memref<8x147456xf32, #tpu.memory_space<hbm>> -> memref<1x9216xf32, #tpu.memory_space<hbm>>
    %dma_wait3A_142 = tpu.memref_squeeze %dma_wait3A_141 : memref<1x9216xf32, #tpu.memory_space<hbm>> -> memref<9216xf32, #tpu.memory_space<hbm>>
    tpu.wait_dma2 semaphore(%arg12 : memref<!tpu.dma_semaphore, #tpu.memory_space<semaphore_mem>>) src(%dma_wait3A_142 : memref<9216xf32, #tpu.memory_space<hbm>>) dst(%arg7 : memref<9216xf32, #tpu.memory_space<vmem>>)
    %dma_wait3A_143 = tpu.memref_slice %arg4[%add3A, %add3A_119] : memref<8x147456xi32, #tpu.memory_space<hbm>> -> memref<1x9216xi32, #tpu.memory_space<hbm>>
    %dma_wait3A_144 = tpu.memref_squeeze %dma_wait3A_143 : memref<1x9216xi32, #tpu.memory_space<hbm>> -> memref<9216xi32, #tpu.memory_space<hbm>>
    %dma_wait3A_145 = tpu.memref_slice %arg4[%add3A, %add3A_119] : memref<8x147456xi32, #tpu.memory_space<hbm>> -> memref<1x9216xi32, #tpu.memory_space<hbm>>
    %dma_wait3A_146 = tpu.memref_squeeze %dma_wait3A_145 : memref<1x9216xi32, #tpu.memory_space<hbm>> -> memref<9216xi32, #tpu.memory_space<hbm>>
    tpu.wait_dma2 semaphore(%arg12 : memref<!tpu.dma_semaphore, #tpu.memory_space<semaphore_mem>>) src(%dma_wait3A_146 : memref<9216xi32, #tpu.memory_space<hbm>>) dst(%arg8 : memref<9216xi32, #tpu.memory_space<vmem>>)
    %add3A_147 = arith.constant 27648 : i32
    %add3A_148 = arith.addi %mul3A_64, %add3A_147 : i32
    %dma_start3A_149 = tpu.memref_slice %arg2[%add3A, %add3A_148] : memref<8x147456xf32, #tpu.memory_space<hbm>> -> memref<1x9216xf32, #tpu.memory_space<hbm>>
    %dma_start3A_150 = tpu.memref_squeeze %dma_start3A_149 : memref<1x9216xf32, #tpu.memory_space<hbm>> -> memref<9216xf32, #tpu.memory_space<hbm>>
    %dma_start3A_151 = tpu.memref_slice %arg2[%add3A, %add3A_148] : memref<8x147456xf32, #tpu.memory_space<hbm>> -> memref<1x9216xf32, #tpu.memory_space<hbm>>
    %dma_start3A_152 = tpu.memref_squeeze %dma_start3A_151 : memref<1x9216xf32, #tpu.memory_space<hbm>> -> memref<9216xf32, #tpu.memory_space<hbm>>
    tpu.enqueue_dma source(%dma_start3A_152 : memref<9216xf32, #tpu.memory_space<hbm>>) target(%arg9 : memref<9216xf32, #tpu.memory_space<vmem>>) target_semaphore(%arg13 : memref<!tpu.dma_semaphore, #tpu.memory_space<semaphore_mem>>)
    %dma_start3A_153 = tpu.memref_slice %arg3[%add3A, %add3A_148] : memref<8x147456xf32, #tpu.memory_space<hbm>> -> memref<1x9216xf32, #tpu.memory_space<hbm>>
    %dma_start3A_154 = tpu.memref_squeeze %dma_start3A_153 : memref<1x9216xf32, #tpu.memory_space<hbm>> -> memref<9216xf32, #tpu.memory_space<hbm>>
    %dma_start3A_155 = tpu.memref_slice %arg3[%add3A, %add3A_148] : memref<8x147456xf32, #tpu.memory_space<hbm>> -> memref<1x9216xf32, #tpu.memory_space<hbm>>
    %dma_start3A_156 = tpu.memref_squeeze %dma_start3A_155 : memref<1x9216xf32, #tpu.memory_space<hbm>> -> memref<9216xf32, #tpu.memory_space<hbm>>
    tpu.enqueue_dma source(%dma_start3A_156 : memref<9216xf32, #tpu.memory_space<hbm>>) target(%arg10 : memref<9216xf32, #tpu.memory_space<vmem>>) target_semaphore(%arg13 : memref<!tpu.dma_semaphore, #tpu.memory_space<semaphore_mem>>)
    %dma_start3A_157 = tpu.memref_slice %arg4[%add3A, %add3A_148] : memref<8x147456xi32, #tpu.memory_space<hbm>> -> memref<1x9216xi32, #tpu.memory_space<hbm>>
    %dma_start3A_158 = tpu.memref_squeeze %dma_start3A_157 : memref<1x9216xi32, #tpu.memory_space<hbm>> -> memref<9216xi32, #tpu.memory_space<hbm>>
    %dma_start3A_159 = tpu.memref_slice %arg4[%add3A, %add3A_148] : memref<8x147456xi32, #tpu.memory_space<hbm>> -> memref<1x9216xi32, #tpu.memory_space<hbm>>
    %dma_start3A_160 = tpu.memref_squeeze %dma_start3A_159 : memref<1x9216xi32, #tpu.memory_space<hbm>> -> memref<9216xi32, #tpu.memory_space<hbm>>
    tpu.enqueue_dma source(%dma_start3A_160 : memref<9216xi32, #tpu.memory_space<hbm>>) target(%arg11 : memref<9216xi32, #tpu.memory_space<vmem>>) target_semaphore(%arg13 : memref<!tpu.dma_semaphore, #tpu.memory_space<semaphore_mem>>)
    %parallel_loop3A_161 = arith.constant 0 : i32
    %parallel_loop3A_162 = arith.constant 576 : i32
    %parallel_loop3A_163 = arith.constant 1 : i32
    scf.for %parallel_loop3A_289 = %parallel_loop3A_161 to %parallel_loop3A_162 step %parallel_loop3A_163  : i32 {
      %parallel_loop3A_290 = arith.constant 16 : i32
      %parallel_loop3A_291 = arith.muli %parallel_loop3A_289, %parallel_loop3A_290 : i32
      %parallel_loop3A_292 = arith.index_cast %parallel_loop3A_291 : i32 to index
      %parallel_loop3A_293 = tpu.vector_load %arg6[%parallel_loop3A_292] {strides = array<i32>} : memref<9216xf32, #tpu.memory_space<vmem>>, vector<16xf32>,
      %parallel_loop3A_294 = arith.index_cast %parallel_loop3A_291 : i32 to index
      %parallel_loop3A_295 = tpu.vector_load %arg7[%parallel_loop3A_294] {strides = array<i32>} : memref<9216xf32, #tpu.memory_space<vmem>>, vector<16xf32>,
      %parallel_loop3A_296 = arith.subf %parallel_loop3A_293, %parallel_loop3A_295 : vector<16xf32>
      %parallel_loop3A_297 = math.absf %parallel_loop3A_296 : vector<16xf32>
      %parallel_loop3A_298 = arith.index_cast %parallel_loop3A_291 : i32 to index
      %parallel_loop3A_299 = tpu.vector_load %arg8[%parallel_loop3A_298] {strides = array<i32>} : memref<9216xi32, #tpu.memory_space<vmem>>, vector<16xi32>,
      %parallel_loop3A_300 = arith.constant 0 : i32
      %parallel_loop3A_301 = vector.broadcast %parallel_loop3A_300 : i32 to vector<16xi32>
      %parallel_loop3A_302 = arith.cmpi sgt, %parallel_loop3A_299, %parallel_loop3A_301 : vector<16xi32>
      %parallel_loop3A_303 = tpu.bitcast %parallel_loop3A_297 : vector<16xf32> -> vector<16xi32>
      %parallel_loop3A_304 = arith.constant 2147483647 : i32
      %parallel_loop3A_305 = vector.broadcast %parallel_loop3A_304 : i32 to vector<16xi32>
      %parallel_loop3A_306 = arith.select %parallel_loop3A_302, %parallel_loop3A_303, %parallel_loop3A_305 : vector<16xi1>, vector<16xi32>
      %parallel_loop3A_307 = arith.constant 16 : i32
      %parallel_loop3A_308 = arith.muli %parallel_loop3A_289, %parallel_loop3A_307 : i32
      %parallel_loop3A_309 = arith.constant 18432 : i32
      %parallel_loop3A_310 = arith.addi %parallel_loop3A_309, %parallel_loop3A_308 : i32
      %parallel_loop3A_311 = arith.index_cast %parallel_loop3A_310 : i32 to index
      %parallel_loop3A_312 = tpu.vector_load %arg14[%parallel_loop3A_311] {strides = array<i32>} : memref<36864xi32, #tpu.memory_space<vmem>>, vector<16xi32>,
      tpu.vector_store %arg14[%parallel_loop3A_311], %parallel_loop3A_306 {strides = array<i32>} : memref<36864xi32, #tpu.memory_space<vmem>>, vector<16xi32>,
      %parallel_loop3A_313 = arith.constant 21 : i32
      %parallel_loop3A_314 = vector.broadcast %parallel_loop3A_313 : i32 to vector<16xi32>
      %parallel_loop3A_315 = arith.shrui %parallel_loop3A_303, %parallel_loop3A_314 : vector<16xi32>
      %parallel_loop3A_316 = arith.addi %mul3A_61, %parallel_loop3A_315 : vector<16xi32>
      tpu.vector_store_idx %arg15[%parallel_loop3A_316], %broadcast_in_dim3A_62 masked %parallel_loop3A_302 {add = true} : memref<16384xi32, #tpu.memory_space<vmem>>[vector<16xi32>], vector<16xi32>, vector<16xi1>
      tpu.vector_store_idx %arg16[%parallel_loop3A_316], %parallel_loop3A_297 masked %parallel_loop3A_302 {add = true} : memref<16384xf32, #tpu.memory_space<vmem>>[vector<16xi32>], vector<16xf32>, vector<16xi1>
    } {sc.loop_unroll_factor = 4 : i64, sc.parallel_access}
    %dma_wait3A_164 = tpu.memref_slice %arg2[%add3A, %add3A_148] : memref<8x147456xf32, #tpu.memory_space<hbm>> -> memref<1x9216xf32, #tpu.memory_space<hbm>>
    %dma_wait3A_165 = tpu.memref_squeeze %dma_wait3A_164 : memref<1x9216xf32, #tpu.memory_space<hbm>> -> memref<9216xf32, #tpu.memory_space<hbm>>
    %dma_wait3A_166 = tpu.memref_slice %arg2[%add3A, %add3A_148] : memref<8x147456xf32, #tpu.memory_space<hbm>> -> memref<1x9216xf32, #tpu.memory_space<hbm>>
    %dma_wait3A_167 = tpu.memref_squeeze %dma_wait3A_166 : memref<1x9216xf32, #tpu.memory_space<hbm>> -> memref<9216xf32, #tpu.memory_space<hbm>>
    tpu.wait_dma2 semaphore(%arg13 : memref<!tpu.dma_semaphore, #tpu.memory_space<semaphore_mem>>) src(%dma_wait3A_167 : memref<9216xf32, #tpu.memory_space<hbm>>) dst(%arg9 : memref<9216xf32, #tpu.memory_space<vmem>>)
    %dma_wait3A_168 = tpu.memref_slice %arg3[%add3A, %add3A_148] : memref<8x147456xf32, #tpu.memory_space<hbm>> -> memref<1x9216xf32, #tpu.memory_space<hbm>>
    %dma_wait3A_169 = tpu.memref_squeeze %dma_wait3A_168 : memref<1x9216xf32, #tpu.memory_space<hbm>> -> memref<9216xf32, #tpu.memory_space<hbm>>
    %dma_wait3A_170 = tpu.memref_slice %arg3[%add3A, %add3A_148] : memref<8x147456xf32, #tpu.memory_space<hbm>> -> memref<1x9216xf32, #tpu.memory_space<hbm>>
    %dma_wait3A_171 = tpu.memref_squeeze %dma_wait3A_170 : memref<1x9216xf32, #tpu.memory_space<hbm>> -> memref<9216xf32, #tpu.memory_space<hbm>>
    tpu.wait_dma2 semaphore(%arg13 : memref<!tpu.dma_semaphore, #tpu.memory_space<semaphore_mem>>) src(%dma_wait3A_171 : memref<9216xf32, #tpu.memory_space<hbm>>) dst(%arg10 : memref<9216xf32, #tpu.memory_space<vmem>>)
    %dma_wait3A_172 = tpu.memref_slice %arg4[%add3A, %add3A_148] : memref<8x147456xi32, #tpu.memory_space<hbm>> -> memref<1x9216xi32, #tpu.memory_space<hbm>>
    %dma_wait3A_173 = tpu.memref_squeeze %dma_wait3A_172 : memref<1x9216xi32, #tpu.memory_space<hbm>> -> memref<9216xi32, #tpu.memory_space<hbm>>
    %dma_wait3A_174 = tpu.memref_slice %arg4[%add3A, %add3A_148] : memref<8x147456xi32, #tpu.memory_space<hbm>> -> memref<1x9216xi32, #tpu.memory_space<hbm>>
    %dma_wait3A_175 = tpu.memref_squeeze %dma_wait3A_174 : memref<1x9216xi32, #tpu.memory_space<hbm>> -> memref<9216xi32, #tpu.memory_space<hbm>>
    tpu.wait_dma2 semaphore(%arg13 : memref<!tpu.dma_semaphore, #tpu.memory_space<semaphore_mem>>) src(%dma_wait3A_175 : memref<9216xi32, #tpu.memory_space<hbm>>) dst(%arg11 : memref<9216xi32, #tpu.memory_space<vmem>>)
    %parallel_loop3A_176 = arith.constant 0 : i32
    %parallel_loop3A_177 = arith.constant 576 : i32
    %parallel_loop3A_178 = arith.constant 1 : i32
    scf.for %parallel_loop3A_289 = %parallel_loop3A_176 to %parallel_loop3A_177 step %parallel_loop3A_178  : i32 {
      %parallel_loop3A_290 = arith.constant 16 : i32
      %parallel_loop3A_291 = arith.muli %parallel_loop3A_289, %parallel_loop3A_290 : i32
      %parallel_loop3A_292 = arith.index_cast %parallel_loop3A_291 : i32 to index
      %parallel_loop3A_293 = tpu.vector_load %arg9[%parallel_loop3A_292] {strides = array<i32>} : memref<9216xf32, #tpu.memory_space<vmem>>, vector<16xf32>,
      %parallel_loop3A_294 = arith.index_cast %parallel_loop3A_291 : i32 to index
      %parallel_loop3A_295 = tpu.vector_load %arg10[%parallel_loop3A_294] {strides = array<i32>} : memref<9216xf32, #tpu.memory_space<vmem>>, vector<16xf32>,
      %parallel_loop3A_296 = arith.subf %parallel_loop3A_293, %parallel_loop3A_295 : vector<16xf32>
      %parallel_loop3A_297 = math.absf %parallel_loop3A_296 : vector<16xf32>
      %parallel_loop3A_298 = arith.index_cast %parallel_loop3A_291 : i32 to index
      %parallel_loop3A_299 = tpu.vector_load %arg11[%parallel_loop3A_298] {strides = array<i32>} : memref<9216xi32, #tpu.memory_space<vmem>>, vector<16xi32>,
      %parallel_loop3A_300 = arith.constant 0 : i32
      %parallel_loop3A_301 = vector.broadcast %parallel_loop3A_300 : i32 to vector<16xi32>
      %parallel_loop3A_302 = arith.cmpi sgt, %parallel_loop3A_299, %parallel_loop3A_301 : vector<16xi32>
      %parallel_loop3A_303 = tpu.bitcast %parallel_loop3A_297 : vector<16xf32> -> vector<16xi32>
      %parallel_loop3A_304 = arith.constant 2147483647 : i32
      %parallel_loop3A_305 = vector.broadcast %parallel_loop3A_304 : i32 to vector<16xi32>
      %parallel_loop3A_306 = arith.select %parallel_loop3A_302, %parallel_loop3A_303, %parallel_loop3A_305 : vector<16xi1>, vector<16xi32>
      %parallel_loop3A_307 = arith.constant 16 : i32
      %parallel_loop3A_308 = arith.muli %parallel_loop3A_289, %parallel_loop3A_307 : i32
      %parallel_loop3A_309 = arith.constant 27648 : i32
      %parallel_loop3A_310 = arith.addi %parallel_loop3A_309, %parallel_loop3A_308 : i32
      %parallel_loop3A_311 = arith.index_cast %parallel_loop3A_310 : i32 to index
      %parallel_loop3A_312 = tpu.vector_load %arg14[%parallel_loop3A_311] {strides = array<i32>} : memref<36864xi32, #tpu.memory_space<vmem>>, vector<16xi32>,
      tpu.vector_store %arg14[%parallel_loop3A_311], %parallel_loop3A_306 {strides = array<i32>} : memref<36864xi32, #tpu.memory_space<vmem>>, vector<16xi32>,
      %parallel_loop3A_313 = arith.constant 21 : i32
      %parallel_loop3A_314 = vector.broadcast %parallel_loop3A_313 : i32 to vector<16xi32>
      %parallel_loop3A_315 = arith.shrui %parallel_loop3A_303, %parallel_loop3A_314 : vector<16xi32>
      %parallel_loop3A_316 = arith.addi %mul3A_61, %parallel_loop3A_315 : vector<16xi32>
      tpu.vector_store_idx %arg15[%parallel_loop3A_316], %broadcast_in_dim3A_62 masked %parallel_loop3A_302 {add = true} : memref<16384xi32, #tpu.memory_space<vmem>>[vector<16xi32>], vector<16xi32>, vector<16xi1>
      tpu.vector_store_idx %arg16[%parallel_loop3A_316], %parallel_loop3A_297 masked %parallel_loop3A_302 {add = true} : memref<16384xf32, #tpu.memory_space<vmem>>[vector<16xi32>], vector<16xf32>, vector<16xi1>
    } {sc.loop_unroll_factor = 4 : i64, sc.parallel_access}
    %parallel_loop3A_179 = arith.constant 0 : i32
    %parallel_loop3A_180 = arith.constant 64 : i32
    %parallel_loop3A_181 = arith.constant 1 : i32
    scf.for %parallel_loop3A_289 = %parallel_loop3A_179 to %parallel_loop3A_180 step %parallel_loop3A_181  : i32 {
      %parallel_loop3A_290 = arith.constant 0 : i32
      %parallel_loop3A_291 = vector.broadcast %parallel_loop3A_290 : i32 to vector<16xi32>
      %parallel_loop3A_292 = arith.constant 0.000000e+00 : f32
      %parallel_loop3A_293 = vector.broadcast %parallel_loop3A_292 : f32 to vector<16xf32>
      %parallel_loop3A_294 = arith.constant 16 : i32
      %parallel_loop3A_295 = arith.muli %parallel_loop3A_289, %parallel_loop3A_294 : i32
      %parallel_loop3A_296 = arith.constant 0 : i32
      %parallel_loop3A_297 = arith.addi %parallel_loop3A_296, %parallel_loop3A_295 : i32
      %parallel_loop3A_298 = arith.index_cast %parallel_loop3A_297 : i32 to index
      %parallel_loop3A_299 = tpu.vector_load %arg15[%parallel_loop3A_298] {strides = array<i32>} : memref<16384xi32, #tpu.memory_space<vmem>>, vector<16xi32>,
      %parallel_loop3A_300 = arith.addi %parallel_loop3A_291, %parallel_loop3A_299 : vector<16xi32>
      %parallel_loop3A_301 = arith.index_cast %parallel_loop3A_297 : i32 to index
      %parallel_loop3A_302 = tpu.vector_load %arg16[%parallel_loop3A_301] {strides = array<i32>} : memref<16384xf32, #tpu.memory_space<vmem>>, vector<16xf32>,
      %parallel_loop3A_303 = arith.addf %parallel_loop3A_293, %parallel_loop3A_302 : vector<16xf32>
      %parallel_loop3A_304 = arith.constant 16 : i32
      %parallel_loop3A_305 = arith.muli %parallel_loop3A_289, %parallel_loop3A_304 : i32
      %parallel_loop3A_306 = arith.constant 1024 : i32
      %parallel_loop3A_307 = arith.addi %parallel_loop3A_306, %parallel_loop3A_305 : i32
      %parallel_loop3A_308 = arith.index_cast %parallel_loop3A_307 : i32 to index
      %parallel_loop3A_309 = tpu.vector_load %arg15[%parallel_loop3A_308] {strides = array<i32>} : memref<16384xi32, #tpu.memory_space<vmem>>, vector<16xi32>,
      %parallel_loop3A_310 = arith.addi %parallel_loop3A_300, %parallel_loop3A_309 : vector<16xi32>
      %parallel_loop3A_311 = arith.index_cast %parallel_loop3A_307 : i32 to index
      %parallel_loop3A_312 = tpu.vector_load %arg16[%parallel_loop3A_311] {strides = array<i32>} : memref<16384xf32, #tpu.memory_space<vmem>>, vector<16xf32>,
      %parallel_loop3A_313 = arith.addf %parallel_loop3A_303, %parallel_loop3A_312 : vector<16xf32>
      %parallel_loop3A_314 = arith.constant 16 : i32
      %parallel_loop3A_315 = arith.muli %parallel_loop3A_289, %parallel_loop3A_314 : i32
      %parallel_loop3A_316 = arith.constant 2048 : i32
      %parallel_loop3A_317 = arith.addi %parallel_loop3A_316, %parallel_loop3A_315 : i32
      %parallel_loop3A_318 = arith.index_cast %parallel_loop3A_317 : i32 to index
      %parallel_loop3A_319 = tpu.vector_load %arg15[%parallel_loop3A_318] {strides = array<i32>} : memref<16384xi32, #tpu.memory_space<vmem>>, vector<16xi32>,
      %parallel_loop3A_320 = arith.addi %parallel_loop3A_310, %parallel_loop3A_319 : vector<16xi32>
      %parallel_loop3A_321 = arith.index_cast %parallel_loop3A_317 : i32 to index
      %parallel_loop3A_322 = tpu.vector_load %arg16[%parallel_loop3A_321] {strides = array<i32>} : memref<16384xf32, #tpu.memory_space<vmem>>, vector<16xf32>,
      %parallel_loop3A_323 = arith.addf %parallel_loop3A_313, %parallel_loop3A_322 : vector<16xf32>
      %parallel_loop3A_324 = arith.constant 16 : i32
      %parallel_loop3A_325 = arith.muli %parallel_loop3A_289, %parallel_loop3A_324 : i32
      %parallel_loop3A_326 = arith.constant 3072 : i32
      %parallel_loop3A_327 = arith.addi %parallel_loop3A_326, %parallel_loop3A_325 : i32
      %parallel_loop3A_328 = arith.index_cast %parallel_loop3A_327 : i32 to index
      %parallel_loop3A_329 = tpu.vector_load %arg15[%parallel_loop3A_328] {strides = array<i32>} : memref<16384xi32, #tpu.memory_space<vmem>>, vector<16xi32>,
      %parallel_loop3A_330 = arith.addi %parallel_loop3A_320, %parallel_loop3A_329 : vector<16xi32>
      %parallel_loop3A_331 = arith.index_cast %parallel_loop3A_327 : i32 to index
      %parallel_loop3A_332 = tpu.vector_load %arg16[%parallel_loop3A_331] {strides = array<i32>} : memref<16384xf32, #tpu.memory_space<vmem>>, vector<16xf32>,
      %parallel_loop3A_333 = arith.addf %parallel_loop3A_323, %parallel_loop3A_332 : vector<16xf32>
      %parallel_loop3A_334 = arith.constant 16 : i32
      %parallel_loop3A_335 = arith.muli %parallel_loop3A_289, %parallel_loop3A_334 : i32
      %parallel_loop3A_336 = arith.constant 4096 : i32
      %parallel_loop3A_337 = arith.addi %parallel_loop3A_336, %parallel_loop3A_335 : i32
      %parallel_loop3A_338 = arith.index_cast %parallel_loop3A_337 : i32 to index
      %parallel_loop3A_339 = tpu.vector_load %arg15[%parallel_loop3A_338] {strides = array<i32>} : memref<16384xi32, #tpu.memory_space<vmem>>, vector<16xi32>,
      %parallel_loop3A_340 = arith.addi %parallel_loop3A_330, %parallel_loop3A_339 : vector<16xi32>
      %parallel_loop3A_341 = arith.index_cast %parallel_loop3A_337 : i32 to index
      %parallel_loop3A_342 = tpu.vector_load %arg16[%parallel_loop3A_341] {strides = array<i32>} : memref<16384xf32, #tpu.memory_space<vmem>>, vector<16xf32>,
      %parallel_loop3A_343 = arith.addf %parallel_loop3A_333, %parallel_loop3A_342 : vector<16xf32>
      %parallel_loop3A_344 = arith.constant 16 : i32
      %parallel_loop3A_345 = arith.muli %parallel_loop3A_289, %parallel_loop3A_344 : i32
      %parallel_loop3A_346 = arith.constant 5120 : i32
      %parallel_loop3A_347 = arith.addi %parallel_loop3A_346, %parallel_loop3A_345 : i32
      %parallel_loop3A_348 = arith.index_cast %parallel_loop3A_347 : i32 to index
      %parallel_loop3A_349 = tpu.vector_load %arg15[%parallel_loop3A_348] {strides = array<i32>} : memref<16384xi32, #tpu.memory_space<vmem>>, vector<16xi32>,
      %parallel_loop3A_350 = arith.addi %parallel_loop3A_340, %parallel_loop3A_349 : vector<16xi32>
      %parallel_loop3A_351 = arith.index_cast %parallel_loop3A_347 : i32 to index
      %parallel_loop3A_352 = tpu.vector_load %arg16[%parallel_loop3A_351] {strides = array<i32>} : memref<16384xf32, #tpu.memory_space<vmem>>, vector<16xf32>,
      %parallel_loop3A_353 = arith.addf %parallel_loop3A_343, %parallel_loop3A_352 : vector<16xf32>
      %parallel_loop3A_354 = arith.constant 16 : i32
      %parallel_loop3A_355 = arith.muli %parallel_loop3A_289, %parallel_loop3A_354 : i32
      %parallel_loop3A_356 = arith.constant 6144 : i32
      %parallel_loop3A_357 = arith.addi %parallel_loop3A_356, %parallel_loop3A_355 : i32
      %parallel_loop3A_358 = arith.index_cast %parallel_loop3A_357 : i32 to index
      %parallel_loop3A_359 = tpu.vector_load %arg15[%parallel_loop3A_358] {strides = array<i32>} : memref<16384xi32, #tpu.memory_space<vmem>>, vector<16xi32>,
      %parallel_loop3A_360 = arith.addi %parallel_loop3A_350, %parallel_loop3A_359 : vector<16xi32>
      %parallel_loop3A_361 = arith.index_cast %parallel_loop3A_357 : i32 to index
      %parallel_loop3A_362 = tpu.vector_load %arg16[%parallel_loop3A_361] {strides = array<i32>} : memref<16384xf32, #tpu.memory_space<vmem>>, vector<16xf32>,
      %parallel_loop3A_363 = arith.addf %parallel_loop3A_353, %parallel_loop3A_362 : vector<16xf32>
      %parallel_loop3A_364 = arith.constant 16 : i32
      %parallel_loop3A_365 = arith.muli %parallel_loop3A_289, %parallel_loop3A_364 : i32
      %parallel_loop3A_366 = arith.constant 7168 : i32
      %parallel_loop3A_367 = arith.addi %parallel_loop3A_366, %parallel_loop3A_365 : i32
      %parallel_loop3A_368 = arith.index_cast %parallel_loop3A_367 : i32 to index
      %parallel_loop3A_369 = tpu.vector_load %arg15[%parallel_loop3A_368] {strides = array<i32>} : memref<16384xi32, #tpu.memory_space<vmem>>, vector<16xi32>,
      %parallel_loop3A_370 = arith.addi %parallel_loop3A_360, %parallel_loop3A_369 : vector<16xi32>
      %parallel_loop3A_371 = arith.index_cast %parallel_loop3A_367 : i32 to index
      %parallel_loop3A_372 = tpu.vector_load %arg16[%parallel_loop3A_371] {strides = array<i32>} : memref<16384xf32, #tpu.memory_space<vmem>>, vector<16xf32>,
      %parallel_loop3A_373 = arith.addf %parallel_loop3A_363, %parallel_loop3A_372 : vector<16xf32>
      %parallel_loop3A_374 = arith.constant 16 : i32
      %parallel_loop3A_375 = arith.muli %parallel_loop3A_289, %parallel_loop3A_374 : i32
      %parallel_loop3A_376 = arith.constant 8192 : i32
      %parallel_loop3A_377 = arith.addi %parallel_loop3A_376, %parallel_loop3A_375 : i32
      %parallel_loop3A_378 = arith.index_cast %parallel_loop3A_377 : i32 to index
      %parallel_loop3A_379 = tpu.vector_load %arg15[%parallel_loop3A_378] {strides = array<i32>} : memref<16384xi32, #tpu.memory_space<vmem>>, vector<16xi32>,
      %parallel_loop3A_380 = arith.addi %parallel_loop3A_370, %parallel_loop3A_379 : vector<16xi32>
      %parallel_loop3A_381 = arith.index_cast %parallel_loop3A_377 : i32 to index
      %parallel_loop3A_382 = tpu.vector_load %arg16[%parallel_loop3A_381] {strides = array<i32>} : memref<16384xf32, #tpu.memory_space<vmem>>, vector<16xf32>,
      %parallel_loop3A_383 = arith.addf %parallel_loop3A_373, %parallel_loop3A_382 : vector<16xf32>
      %parallel_loop3A_384 = arith.constant 16 : i32
      %parallel_loop3A_385 = arith.muli %parallel_loop3A_289, %parallel_loop3A_384 : i32
      %parallel_loop3A_386 = arith.constant 9216 : i32
      %parallel_loop3A_387 = arith.addi %parallel_loop3A_386, %parallel_loop3A_385 : i32
      %parallel_loop3A_388 = arith.index_cast %parallel_loop3A_387 : i32 to index
      %parallel_loop3A_389 = tpu.vector_load %arg15[%parallel_loop3A_388] {strides = array<i32>} : memref<16384xi32, #tpu.memory_space<vmem>>, vector<16xi32>,
      %parallel_loop3A_390 = arith.addi %parallel_loop3A_380, %parallel_loop3A_389 : vector<16xi32>
      %parallel_loop3A_391 = arith.index_cast %parallel_loop3A_387 : i32 to index
      %parallel_loop3A_392 = tpu.vector_load %arg16[%parallel_loop3A_391] {strides = array<i32>} : memref<16384xf32, #tpu.memory_space<vmem>>, vector<16xf32>,
      %parallel_loop3A_393 = arith.addf %parallel_loop3A_383, %parallel_loop3A_392 : vector<16xf32>
      %parallel_loop3A_394 = arith.constant 16 : i32
      %parallel_loop3A_395 = arith.muli %parallel_loop3A_289, %parallel_loop3A_394 : i32
      %parallel_loop3A_396 = arith.constant 10240 : i32
      %parallel_loop3A_397 = arith.addi %parallel_loop3A_396, %parallel_loop3A_395 : i32
      %parallel_loop3A_398 = arith.index_cast %parallel_loop3A_397 : i32 to index
      %parallel_loop3A_399 = tpu.vector_load %arg15[%parallel_loop3A_398] {strides = array<i32>} : memref<16384xi32, #tpu.memory_space<vmem>>, vector<16xi32>,
      %parallel_loop3A_400 = arith.addi %parallel_loop3A_390, %parallel_loop3A_399 : vector<16xi32>
      %parallel_loop3A_401 = arith.index_cast %parallel_loop3A_397 : i32 to index
      %parallel_loop3A_402 = tpu.vector_load %arg16[%parallel_loop3A_401] {strides = array<i32>} : memref<16384xf32, #tpu.memory_space<vmem>>, vector<16xf32>,
      %parallel_loop3A_403 = arith.addf %parallel_loop3A_393, %parallel_loop3A_402 : vector<16xf32>
      %parallel_loop3A_404 = arith.constant 16 : i32
      %parallel_loop3A_405 = arith.muli %parallel_loop3A_289, %parallel_loop3A_404 : i32
      %parallel_loop3A_406 = arith.constant 11264 : i32
      %parallel_loop3A_407 = arith.addi %parallel_loop3A_406, %parallel_loop3A_405 : i32
      %parallel_loop3A_408 = arith.index_cast %parallel_loop3A_407 : i32 to index
      %parallel_loop3A_409 = tpu.vector_load %arg15[%parallel_loop3A_408] {strides = array<i32>} : memref<16384xi32, #tpu.memory_space<vmem>>, vector<16xi32>,
      %parallel_loop3A_410 = arith.addi %parallel_loop3A_400, %parallel_loop3A_409 : vector<16xi32>
      %parallel_loop3A_411 = arith.index_cast %parallel_loop3A_407 : i32 to index
      %parallel_loop3A_412 = tpu.vector_load %arg16[%parallel_loop3A_411] {strides = array<i32>} : memref<16384xf32, #tpu.memory_space<vmem>>, vector<16xf32>,
      %parallel_loop3A_413 = arith.addf %parallel_loop3A_403, %parallel_loop3A_412 : vector<16xf32>
      %parallel_loop3A_414 = arith.constant 16 : i32
      %parallel_loop3A_415 = arith.muli %parallel_loop3A_289, %parallel_loop3A_414 : i32
      %parallel_loop3A_416 = arith.constant 12288 : i32
      %parallel_loop3A_417 = arith.addi %parallel_loop3A_416, %parallel_loop3A_415 : i32
      %parallel_loop3A_418 = arith.index_cast %parallel_loop3A_417 : i32 to index
      %parallel_loop3A_419 = tpu.vector_load %arg15[%parallel_loop3A_418] {strides = array<i32>} : memref<16384xi32, #tpu.memory_space<vmem>>, vector<16xi32>,
      %parallel_loop3A_420 = arith.addi %parallel_loop3A_410, %parallel_loop3A_419 : vector<16xi32>
      %parallel_loop3A_421 = arith.index_cast %parallel_loop3A_417 : i32 to index
      %parallel_loop3A_422 = tpu.vector_load %arg16[%parallel_loop3A_421] {strides = array<i32>} : memref<16384xf32, #tpu.memory_space<vmem>>, vector<16xf32>,
      %parallel_loop3A_423 = arith.addf %parallel_loop3A_413, %parallel_loop3A_422 : vector<16xf32>
      %parallel_loop3A_424 = arith.constant 16 : i32
      %parallel_loop3A_425 = arith.muli %parallel_loop3A_289, %parallel_loop3A_424 : i32
      %parallel_loop3A_426 = arith.constant 13312 : i32
      %parallel_loop3A_427 = arith.addi %parallel_loop3A_426, %parallel_loop3A_425 : i32
      %parallel_loop3A_428 = arith.index_cast %parallel_loop3A_427 : i32 to index
      %parallel_loop3A_429 = tpu.vector_load %arg15[%parallel_loop3A_428] {strides = array<i32>} : memref<16384xi32, #tpu.memory_space<vmem>>, vector<16xi32>,
      %parallel_loop3A_430 = arith.addi %parallel_loop3A_420, %parallel_loop3A_429 : vector<16xi32>
      %parallel_loop3A_431 = arith.index_cast %parallel_loop3A_427 : i32 to index
      %parallel_loop3A_432 = tpu.vector_load %arg16[%parallel_loop3A_431] {strides = array<i32>} : memref<16384xf32, #tpu.memory_space<vmem>>, vector<16xf32>,
      %parallel_loop3A_433 = arith.addf %parallel_loop3A_423, %parallel_loop3A_432 : vector<16xf32>
      %parallel_loop3A_434 = arith.constant 16 : i32
      %parallel_loop3A_435 = arith.muli %parallel_loop3A_289, %parallel_loop3A_434 : i32
      %parallel_loop3A_436 = arith.constant 14336 : i32
      %parallel_loop3A_437 = arith.addi %parallel_loop3A_436, %parallel_loop3A_435 : i32
      %parallel_loop3A_438 = arith.index_cast %parallel_loop3A_437 : i32 to index
      %parallel_loop3A_439 = tpu.vector_load %arg15[%parallel_loop3A_438] {strides = array<i32>} : memref<16384xi32, #tpu.memory_space<vmem>>, vector<16xi32>,
      %parallel_loop3A_440 = arith.addi %parallel_loop3A_430, %parallel_loop3A_439 : vector<16xi32>
      %parallel_loop3A_441 = arith.index_cast %parallel_loop3A_437 : i32 to index
      %parallel_loop3A_442 = tpu.vector_load %arg16[%parallel_loop3A_441] {strides = array<i32>} : memref<16384xf32, #tpu.memory_space<vmem>>, vector<16xf32>,
      %parallel_loop3A_443 = arith.addf %parallel_loop3A_433, %parallel_loop3A_442 : vector<16xf32>
      %parallel_loop3A_444 = arith.constant 16 : i32
      %parallel_loop3A_445 = arith.muli %parallel_loop3A_289, %parallel_loop3A_444 : i32
      %parallel_loop3A_446 = arith.constant 15360 : i32
      %parallel_loop3A_447 = arith.addi %parallel_loop3A_446, %parallel_loop3A_445 : i32
      %parallel_loop3A_448 = arith.index_cast %parallel_loop3A_447 : i32 to index
      %parallel_loop3A_449 = tpu.vector_load %arg15[%parallel_loop3A_448] {strides = array<i32>} : memref<16384xi32, #tpu.memory_space<vmem>>, vector<16xi32>,
      %parallel_loop3A_450 = arith.addi %parallel_loop3A_440, %parallel_loop3A_449 : vector<16xi32>
      %parallel_loop3A_451 = arith.index_cast %parallel_loop3A_447 : i32 to index
      %parallel_loop3A_452 = tpu.vector_load %arg16[%parallel_loop3A_451] {strides = array<i32>} : memref<16384xf32, #tpu.memory_space<vmem>>, vector<16xf32>,
      %parallel_loop3A_453 = arith.addf %parallel_loop3A_443, %parallel_loop3A_452 : vector<16xf32>
      %parallel_loop3A_454 = arith.constant 16 : i32
      %parallel_loop3A_455 = arith.muli %parallel_loop3A_289, %parallel_loop3A_454 : i32
      %parallel_loop3A_456 = arith.index_cast %parallel_loop3A_455 : i32 to index
      %parallel_loop3A_457 = tpu.vector_load %arg17[%parallel_loop3A_456] {strides = array<i32>} : memref<1024xi32, #tpu.memory_space<vmem>>, vector<16xi32>,
      tpu.vector_store %arg17[%parallel_loop3A_456], %parallel_loop3A_450 {strides = array<i32>} : memref<1024xi32, #tpu.memory_space<vmem>>, vector<16xi32>,
      %parallel_loop3A_458 = arith.constant 16 : i32
      %parallel_loop3A_459 = arith.muli %parallel_loop3A_289, %parallel_loop3A_458 : i32
      %parallel_loop3A_460 = arith.index_cast %parallel_loop3A_459 : i32 to index
      %parallel_loop3A_461 = tpu.vector_load %arg18[%parallel_loop3A_460] {strides = array<i32>} : memref<1024xf32, #tpu.memory_space<vmem>>, vector<16xf32>,
      tpu.vector_store %arg18[%parallel_loop3A_460], %parallel_loop3A_453 {strides = array<i32>} : memref<1024xf32, #tpu.memory_space<vmem>>, vector<16xf32>,
    } {sc.loop_unroll_factor = 2 : i64, sc.parallel_access}
    "tpu.region"() ({
      %run_scoped3A = tpu.sem_alloc : memref<!tpu.dma_semaphore, #tpu.memory_space<semaphore_mem>>
      %dma_start3A_289 = arith.constant 0 : i32
      %dma_start3A_290 = tpu.memref_slice %arg20[%arg1, %dma_start3A_289] : memref<16x1024xi32, #tpu.memory_space<vmem_shared>> -> memref<1x1024xi32, #tpu.memory_space<vmem_shared>>
      %dma_start3A_291 = tpu.memref_squeeze %dma_start3A_290 : memref<1x1024xi32, #tpu.memory_space<vmem_shared>> -> memref<1024xi32, #tpu.memory_space<vmem_shared>>
      %dma_start3A_292 = arith.constant 0 : i32
      %dma_start3A_293 = tpu.memref_slice %arg20[%arg1, %dma_start3A_292] : memref<16x1024xi32, #tpu.memory_space<vmem_shared>> -> memref<1x1024xi32, #tpu.memory_space<vmem_shared>>
      %dma_start3A_294 = tpu.memref_squeeze %dma_start3A_293 : memref<1x1024xi32, #tpu.memory_space<vmem_shared>> -> memref<1024xi32, #tpu.memory_space<vmem_shared>>
      tpu.enqueue_dma source(%arg17 : memref<1024xi32, #tpu.memory_space<vmem>>) target(%dma_start3A_294 : memref<1024xi32, #tpu.memory_space<vmem_shared>>) target_semaphore(%run_scoped3A : memref<!tpu.dma_semaphore, #tpu.memory_space<semaphore_mem>>)
      %dma_wait3A_295 = arith.constant 0 : i32
      %dma_wait3A_296 = tpu.memref_slice %arg20[%arg1, %dma_wait3A_295] : memref<16x1024xi32, #tpu.memory_space<vmem_shared>> -> memref<1x1024xi32, #tpu.memory_space<vmem_shared>>
      %dma_wait3A_297 = tpu.memref_squeeze %dma_wait3A_296 : memref<1x1024xi32, #tpu.memory_space<vmem_shared>> -> memref<1024xi32, #tpu.memory_space<vmem_shared>>
      %dma_wait3A_298 = arith.constant 0 : i32
      %dma_wait3A_299 = tpu.memref_slice %arg20[%arg1, %dma_wait3A_298] : memref<16x1024xi32, #tpu.memory_space<vmem_shared>> -> memref<1x1024xi32, #tpu.memory_space<vmem_shared>>
      %dma_wait3A_300 = tpu.memref_squeeze %dma_wait3A_299 : memref<1x1024xi32, #tpu.memory_space<vmem_shared>> -> memref<1024xi32, #tpu.memory_space<vmem_shared>>
      tpu.wait_dma2 semaphore(%run_scoped3A : memref<!tpu.dma_semaphore, #tpu.memory_space<semaphore_mem>>) src(%arg17 : memref<1024xi32, #tpu.memory_space<vmem>>) dst(%dma_wait3A_300 : memref<1024xi32, #tpu.memory_space<vmem_shared>>)
      tpu.yield
    }) : () -> ()
    "tpu.region"() ({
      %run_scoped3A = tpu.sem_alloc : memref<!tpu.dma_semaphore, #tpu.memory_space<semaphore_mem>>
      %dma_start3A_289 = arith.constant 0 : i32
      %dma_start3A_290 = tpu.memref_slice %arg21[%arg1, %dma_start3A_289] : memref<16x1024xf32, #tpu.memory_space<vmem_shared>> -> memref<1x1024xf32, #tpu.memory_space<vmem_shared>>
      %dma_start3A_291 = tpu.memref_squeeze %dma_start3A_290 : memref<1x1024xf32, #tpu.memory_space<vmem_shared>> -> memref<1024xf32, #tpu.memory_space<vmem_shared>>
      %dma_start3A_292 = arith.constant 0 : i32
      %dma_start3A_293 = tpu.memref_slice %arg21[%arg1, %dma_start3A_292] : memref<16x1024xf32, #tpu.memory_space<vmem_shared>> -> memref<1x1024xf32, #tpu.memory_space<vmem_shared>>
      %dma_start3A_294 = tpu.memref_squeeze %dma_start3A_293 : memref<1x1024xf32, #tpu.memory_space<vmem_shared>> -> memref<1024xf32, #tpu.memory_space<vmem_shared>>
      tpu.enqueue_dma source(%arg18 : memref<1024xf32, #tpu.memory_space<vmem>>) target(%dma_start3A_294 : memref<1024xf32, #tpu.memory_space<vmem_shared>>) target_semaphore(%run_scoped3A : memref<!tpu.dma_semaphore, #tpu.memory_space<semaphore_mem>>)
      %dma_wait3A_295 = arith.constant 0 : i32
      %dma_wait3A_296 = tpu.memref_slice %arg21[%arg1, %dma_wait3A_295] : memref<16x1024xf32, #tpu.memory_space<vmem_shared>> -> memref<1x1024xf32, #tpu.memory_space<vmem_shared>>
      %dma_wait3A_297 = tpu.memref_squeeze %dma_wait3A_296 : memref<1x1024xf32, #tpu.memory_space<vmem_shared>> -> memref<1024xf32, #tpu.memory_space<vmem_shared>>
      %dma_wait3A_298 = arith.constant 0 : i32
      %dma_wait3A_299 = tpu.memref_slice %arg21[%arg1, %dma_wait3A_298] : memref<16x1024xf32, #tpu.memory_space<vmem_shared>> -> memref<1x1024xf32, #tpu.memory_space<vmem_shared>>
      %dma_wait3A_300 = tpu.memref_squeeze %dma_wait3A_299 : memref<1x1024xf32, #tpu.memory_space<vmem_shared>> -> memref<1024xf32, #tpu.memory_space<vmem_shared>>
      tpu.wait_dma2 semaphore(%run_scoped3A : memref<!tpu.dma_semaphore, #tpu.memory_space<semaphore_mem>>) src(%arg18 : memref<1024xf32, #tpu.memory_space<vmem>>) dst(%dma_wait3A_300 : memref<1024xf32, #tpu.memory_space<vmem_shared>>)
      tpu.yield
    }) : () -> ()
    %barrier3A = arith.constant 0 : index
    tpu.barrier barrier_id(%barrier3A)
    %jit3A_182 = arith.constant 4 : i32
    %div3A_183 = arith.divsi %arg1, %jit3A_182 : i32
    %sign3A_184 = arith.constant 0 : i32
    %sign3A_185 = arith.cmpi sgt, %arg1, %sign3A_184 : i32
    %sign3A_186 = arith.extui %sign3A_185 : i1 to i32
    %sign3A_187 = arith.constant 0 : i32
    %sign3A_188 = arith.cmpi slt, %arg1, %sign3A_187 : i32
    %sign3A_189 = arith.extui %sign3A_188 : i1 to i32
    %sign3A_190 = arith.subi %sign3A_186, %sign3A_189 : i32
    %sign3A_191 = arith.constant 0 : i32
    %sign3A_192 = arith.cmpi sgt, %jit3A_182, %sign3A_191 : i32
    %sign3A_193 = arith.extui %sign3A_192 : i1 to i32
    %sign3A_194 = arith.constant 0 : i32
    %sign3A_195 = arith.cmpi slt, %jit3A_182, %sign3A_194 : i32
    %sign3A_196 = arith.extui %sign3A_195 : i1 to i32
    %sign3A_197 = arith.subi %sign3A_193, %sign3A_196 : i32
    %ne3A_198 = arith.cmpi ne, %sign3A_190, %sign3A_197 : i32
    %rem3A_199 = arith.remsi %arg1, %jit3A_182 : i32
    %ne3A_200 = arith.constant 0 : i32
    %ne3A_201 = arith.cmpi ne, %rem3A_199, %ne3A_200 : i32
    %and3A_202 = arith.andi %ne3A_198, %ne3A_201 : i1
    %sub3A_203 = arith.constant 1 : i32
    %sub3A_204 = arith.subi %div3A_183, %sub3A_203 : i32
    %select_n3A_205 = arith.select %and3A_202, %sub3A_204, %div3A_183 : i32
    %mul3A_206 = arith.constant 4 : i32
    %mul3A_207 = arith.muli %select_n3A_205, %mul3A_206 : i32
    %add3A_208 = arith.constant 0 : i32
    %add3A_209 = arith.addi %mul3A_207, %add3A_208 : i32
    "tpu.region"() ({
      %run_scoped3A = tpu.sem_alloc : memref<!tpu.dma_semaphore, #tpu.memory_space<semaphore_mem>>
      %dma_start3A_289 = arith.constant 0 : i32
      %dma_start3A_290 = tpu.memref_slice %arg15[%dma_start3A_289] : memref<16384xi32, #tpu.memory_space<vmem>> -> memref<1024xi32, #tpu.memory_space<vmem>>
      %dma_start3A_291 = arith.constant 0 : i32
      %dma_start3A_292 = tpu.memref_slice %arg20[%add3A_209, %dma_start3A_291] : memref<16x1024xi32, #tpu.memory_space<vmem_shared>> -> memref<1x1024xi32, #tpu.memory_space<vmem_shared>>
      %dma_start3A_293 = tpu.memref_squeeze %dma_start3A_292 : memref<1x1024xi32, #tpu.memory_space<vmem_shared>> -> memref<1024xi32, #tpu.memory_space<vmem_shared>>
      %dma_start3A_294 = arith.constant 0 : i32
      %dma_start3A_295 = tpu.memref_slice %arg15[%dma_start3A_294] : memref<16384xi32, #tpu.memory_space<vmem>> -> memref<1024xi32, #tpu.memory_space<vmem>>
      %dma_start3A_296 = arith.constant 0 : i32
      %dma_start3A_297 = tpu.memref_slice %arg20[%add3A_209, %dma_start3A_296] : memref<16x1024xi32, #tpu.memory_space<vmem_shared>> -> memref<1x1024xi32, #tpu.memory_space<vmem_shared>>
      %dma_start3A_298 = tpu.memref_squeeze %dma_start3A_297 : memref<1x1024xi32, #tpu.memory_space<vmem_shared>> -> memref<1024xi32, #tpu.memory_space<vmem_shared>>
      tpu.enqueue_dma source(%dma_start3A_298 : memref<1024xi32, #tpu.memory_space<vmem_shared>>) target(%dma_start3A_295 : memref<1024xi32, #tpu.memory_space<vmem>>) target_semaphore(%run_scoped3A : memref<!tpu.dma_semaphore, #tpu.memory_space<semaphore_mem>>)
      %dma_wait3A_299 = arith.constant 0 : i32
      %dma_wait3A_300 = tpu.memref_slice %arg15[%dma_wait3A_299] : memref<16384xi32, #tpu.memory_space<vmem>> -> memref<1024xi32, #tpu.memory_space<vmem>>
      %dma_wait3A_301 = arith.constant 0 : i32
      %dma_wait3A_302 = tpu.memref_slice %arg20[%add3A_209, %dma_wait3A_301] : memref<16x1024xi32, #tpu.memory_space<vmem_shared>> -> memref<1x1024xi32, #tpu.memory_space<vmem_shared>>
      %dma_wait3A_303 = tpu.memref_squeeze %dma_wait3A_302 : memref<1x1024xi32, #tpu.memory_space<vmem_shared>> -> memref<1024xi32, #tpu.memory_space<vmem_shared>>
      %dma_wait3A_304 = arith.constant 0 : i32
      %dma_wait3A_305 = tpu.memref_slice %arg15[%dma_wait3A_304] : memref<16384xi32, #tpu.memory_space<vmem>> -> memref<1024xi32, #tpu.memory_space<vmem>>
      %dma_wait3A_306 = arith.constant 0 : i32
      %dma_wait3A_307 = tpu.memref_slice %arg20[%add3A_209, %dma_wait3A_306] : memref<16x1024xi32, #tpu.memory_space<vmem_shared>> -> memref<1x1024xi32, #tpu.memory_space<vmem_shared>>
      %dma_wait3A_308 = tpu.memref_squeeze %dma_wait3A_307 : memref<1x1024xi32, #tpu.memory_space<vmem_shared>> -> memref<1024xi32, #tpu.memory_space<vmem_shared>>
      tpu.wait_dma2 semaphore(%run_scoped3A : memref<!tpu.dma_semaphore, #tpu.memory_space<semaphore_mem>>) src(%dma_wait3A_308 : memref<1024xi32, #tpu.memory_space<vmem_shared>>) dst(%dma_wait3A_305 : memref<1024xi32, #tpu.memory_space<vmem>>)
      tpu.yield
    }) : () -> ()
    %add3A_210 = arith.constant 0 : i32
    %add3A_211 = arith.addi %mul3A_207, %add3A_210 : i32
    "tpu.region"() ({
      %run_scoped3A = tpu.sem_alloc : memref<!tpu.dma_semaphore, #tpu.memory_space<semaphore_mem>>
      %dma_start3A_289 = arith.constant 0 : i32
      %dma_start3A_290 = tpu.memref_slice %arg16[%dma_start3A_289] : memref<16384xf32, #tpu.memory_space<vmem>> -> memref<1024xf32, #tpu.memory_space<vmem>>
      %dma_start3A_291 = arith.constant 0 : i32
      %dma_start3A_292 = tpu.memref_slice %arg21[%add3A_211, %dma_start3A_291] : memref<16x1024xf32, #tpu.memory_space<vmem_shared>> -> memref<1x1024xf32, #tpu.memory_space<vmem_shared>>
      %dma_start3A_293 = tpu.memref_squeeze %dma_start3A_292 : memref<1x1024xf32, #tpu.memory_space<vmem_shared>> -> memref<1024xf32, #tpu.memory_space<vmem_shared>>
      %dma_start3A_294 = arith.constant 0 : i32
      %dma_start3A_295 = tpu.memref_slice %arg16[%dma_start3A_294] : memref<16384xf32, #tpu.memory_space<vmem>> -> memref<1024xf32, #tpu.memory_space<vmem>>
      %dma_start3A_296 = arith.constant 0 : i32
      %dma_start3A_297 = tpu.memref_slice %arg21[%add3A_211, %dma_start3A_296] : memref<16x1024xf32, #tpu.memory_space<vmem_shared>> -> memref<1x1024xf32, #tpu.memory_space<vmem_shared>>
      %dma_start3A_298 = tpu.memref_squeeze %dma_start3A_297 : memref<1x1024xf32, #tpu.memory_space<vmem_shared>> -> memref<1024xf32, #tpu.memory_space<vmem_shared>>
      tpu.enqueue_dma source(%dma_start3A_298 : memref<1024xf32, #tpu.memory_space<vmem_shared>>) target(%dma_start3A_295 : memref<1024xf32, #tpu.memory_space<vmem>>) target_semaphore(%run_scoped3A : memref<!tpu.dma_semaphore, #tpu.memory_space<semaphore_mem>>)
      %dma_wait3A_299 = arith.constant 0 : i32
      %dma_wait3A_300 = tpu.memref_slice %arg16[%dma_wait3A_299] : memref<16384xf32, #tpu.memory_space<vmem>> -> memref<1024xf32, #tpu.memory_space<vmem>>
      %dma_wait3A_301 = arith.constant 0 : i32
      %dma_wait3A_302 = tpu.memref_slice %arg21[%add3A_211, %dma_wait3A_301] : memref<16x1024xf32, #tpu.memory_space<vmem_shared>> -> memref<1x1024xf32, #tpu.memory_space<vmem_shared>>
      %dma_wait3A_303 = tpu.memref_squeeze %dma_wait3A_302 : memref<1x1024xf32, #tpu.memory_space<vmem_shared>> -> memref<1024xf32, #tpu.memory_space<vmem_shared>>
      %dma_wait3A_304 = arith.constant 0 : i32
      %dma_wait3A_305 = tpu.memref_slice %arg16[%dma_wait3A_304] : memref<16384xf32, #tpu.memory_space<vmem>> -> memref<1024xf32, #tpu.memory_space<vmem>>
      %dma_wait3A_306 = arith.constant 0 : i32
      %dma_wait3A_307 = tpu.memref_slice %arg21[%add3A_211, %dma_wait3A_306] : memref<16x1024xf32, #tpu.memory_space<vmem_shared>> -> memref<1x1024xf32, #tpu.memory_space<vmem_shared>>
      %dma_wait3A_308 = tpu.memref_squeeze %dma_wait3A_307 : memref<1x1024xf32, #tpu.memory_space<vmem_shared>> -> memref<1024xf32, #tpu.memory_space<vmem_shared>>
      tpu.wait_dma2 semaphore(%run_scoped3A : memref<!tpu.dma_semaphore, #tpu.memory_space<semaphore_mem>>) src(%dma_wait3A_308 : memref<1024xf32, #tpu.memory_space<vmem_shared>>) dst(%dma_wait3A_305 : memref<1024xf32, #tpu.memory_space<vmem>>)
      tpu.yield
    }) : () -> ()
    %add3A_212 = arith.constant 1 : i32
    %add3A_213 = arith.addi %mul3A_207, %add3A_212 : i32
    "tpu.region"() ({
      %run_scoped3A = tpu.sem_alloc : memref<!tpu.dma_semaphore, #tpu.memory_space<semaphore_mem>>
      %dma_start3A_289 = arith.constant 1024 : i32
      %dma_start3A_290 = tpu.memref_slice %arg15[%dma_start3A_289] : memref<16384xi32, #tpu.memory_space<vmem>> -> memref<1024xi32, #tpu.memory_space<vmem>>
      %dma_start3A_291 = arith.constant 0 : i32
      %dma_start3A_292 = tpu.memref_slice %arg20[%add3A_213, %dma_start3A_291] : memref<16x1024xi32, #tpu.memory_space<vmem_shared>> -> memref<1x1024xi32, #tpu.memory_space<vmem_shared>>
      %dma_start3A_293 = tpu.memref_squeeze %dma_start3A_292 : memref<1x1024xi32, #tpu.memory_space<vmem_shared>> -> memref<1024xi32, #tpu.memory_space<vmem_shared>>
      %dma_start3A_294 = arith.constant 1024 : i32
      %dma_start3A_295 = tpu.memref_slice %arg15[%dma_start3A_294] : memref<16384xi32, #tpu.memory_space<vmem>> -> memref<1024xi32, #tpu.memory_space<vmem>>
      %dma_start3A_296 = arith.constant 0 : i32
      %dma_start3A_297 = tpu.memref_slice %arg20[%add3A_213, %dma_start3A_296] : memref<16x1024xi32, #tpu.memory_space<vmem_shared>> -> memref<1x1024xi32, #tpu.memory_space<vmem_shared>>
      %dma_start3A_298 = tpu.memref_squeeze %dma_start3A_297 : memref<1x1024xi32, #tpu.memory_space<vmem_shared>> -> memref<1024xi32, #tpu.memory_space<vmem_shared>>
      tpu.enqueue_dma source(%dma_start3A_298 : memref<1024xi32, #tpu.memory_space<vmem_shared>>) target(%dma_start3A_295 : memref<1024xi32, #tpu.memory_space<vmem>>) target_semaphore(%run_scoped3A : memref<!tpu.dma_semaphore, #tpu.memory_space<semaphore_mem>>)
      %dma_wait3A_299 = arith.constant 1024 : i32
      %dma_wait3A_300 = tpu.memref_slice %arg15[%dma_wait3A_299] : memref<16384xi32, #tpu.memory_space<vmem>> -> memref<1024xi32, #tpu.memory_space<vmem>>
      %dma_wait3A_301 = arith.constant 0 : i32
      %dma_wait3A_302 = tpu.memref_slice %arg20[%add3A_213, %dma_wait3A_301] : memref<16x1024xi32, #tpu.memory_space<vmem_shared>> -> memref<1x1024xi32, #tpu.memory_space<vmem_shared>>
      %dma_wait3A_303 = tpu.memref_squeeze %dma_wait3A_302 : memref<1x1024xi32, #tpu.memory_space<vmem_shared>> -> memref<1024xi32, #tpu.memory_space<vmem_shared>>
      %dma_wait3A_304 = arith.constant 1024 : i32
      %dma_wait3A_305 = tpu.memref_slice %arg15[%dma_wait3A_304] : memref<16384xi32, #tpu.memory_space<vmem>> -> memref<1024xi32, #tpu.memory_space<vmem>>
      %dma_wait3A_306 = arith.constant 0 : i32
      %dma_wait3A_307 = tpu.memref_slice %arg20[%add3A_213, %dma_wait3A_306] : memref<16x1024xi32, #tpu.memory_space<vmem_shared>> -> memref<1x1024xi32, #tpu.memory_space<vmem_shared>>
      %dma_wait3A_308 = tpu.memref_squeeze %dma_wait3A_307 : memref<1x1024xi32, #tpu.memory_space<vmem_shared>> -> memref<1024xi32, #tpu.memory_space<vmem_shared>>
      tpu.wait_dma2 semaphore(%run_scoped3A : memref<!tpu.dma_semaphore, #tpu.memory_space<semaphore_mem>>) src(%dma_wait3A_308 : memref<1024xi32, #tpu.memory_space<vmem_shared>>) dst(%dma_wait3A_305 : memref<1024xi32, #tpu.memory_space<vmem>>)
      tpu.yield
    }) : () -> ()
    %add3A_214 = arith.constant 1 : i32
    %add3A_215 = arith.addi %mul3A_207, %add3A_214 : i32
    "tpu.region"() ({
      %run_scoped3A = tpu.sem_alloc : memref<!tpu.dma_semaphore, #tpu.memory_space<semaphore_mem>>
      %dma_start3A_289 = arith.constant 1024 : i32
      %dma_start3A_290 = tpu.memref_slice %arg16[%dma_start3A_289] : memref<16384xf32, #tpu.memory_space<vmem>> -> memref<1024xf32, #tpu.memory_space<vmem>>
      %dma_start3A_291 = arith.constant 0 : i32
      %dma_start3A_292 = tpu.memref_slice %arg21[%add3A_215, %dma_start3A_291] : memref<16x1024xf32, #tpu.memory_space<vmem_shared>> -> memref<1x1024xf32, #tpu.memory_space<vmem_shared>>
      %dma_start3A_293 = tpu.memref_squeeze %dma_start3A_292 : memref<1x1024xf32, #tpu.memory_space<vmem_shared>> -> memref<1024xf32, #tpu.memory_space<vmem_shared>>
      %dma_start3A_294 = arith.constant 1024 : i32
      %dma_start3A_295 = tpu.memref_slice %arg16[%dma_start3A_294] : memref<16384xf32, #tpu.memory_space<vmem>> -> memref<1024xf32, #tpu.memory_space<vmem>>
      %dma_start3A_296 = arith.constant 0 : i32
      %dma_start3A_297 = tpu.memref_slice %arg21[%add3A_215, %dma_start3A_296] : memref<16x1024xf32, #tpu.memory_space<vmem_shared>> -> memref<1x1024xf32, #tpu.memory_space<vmem_shared>>
      %dma_start3A_298 = tpu.memref_squeeze %dma_start3A_297 : memref<1x1024xf32, #tpu.memory_space<vmem_shared>> -> memref<1024xf32, #tpu.memory_space<vmem_shared>>
      tpu.enqueue_dma source(%dma_start3A_298 : memref<1024xf32, #tpu.memory_space<vmem_shared>>) target(%dma_start3A_295 : memref<1024xf32, #tpu.memory_space<vmem>>) target_semaphore(%run_scoped3A : memref<!tpu.dma_semaphore, #tpu.memory_space<semaphore_mem>>)
      %dma_wait3A_299 = arith.constant 1024 : i32
      %dma_wait3A_300 = tpu.memref_slice %arg16[%dma_wait3A_299] : memref<16384xf32, #tpu.memory_space<vmem>> -> memref<1024xf32, #tpu.memory_space<vmem>>
      %dma_wait3A_301 = arith.constant 0 : i32
      %dma_wait3A_302 = tpu.memref_slice %arg21[%add3A_215, %dma_wait3A_301] : memref<16x1024xf32, #tpu.memory_space<vmem_shared>> -> memref<1x1024xf32, #tpu.memory_space<vmem_shared>>
      %dma_wait3A_303 = tpu.memref_squeeze %dma_wait3A_302 : memref<1x1024xf32, #tpu.memory_space<vmem_shared>> -> memref<1024xf32, #tpu.memory_space<vmem_shared>>
      %dma_wait3A_304 = arith.constant 1024 : i32
      %dma_wait3A_305 = tpu.memref_slice %arg16[%dma_wait3A_304] : memref<16384xf32, #tpu.memory_space<vmem>> -> memref<1024xf32, #tpu.memory_space<vmem>>
      %dma_wait3A_306 = arith.constant 0 : i32
      %dma_wait3A_307 = tpu.memref_slice %arg21[%add3A_215, %dma_wait3A_306] : memref<16x1024xf32, #tpu.memory_space<vmem_shared>> -> memref<1x1024xf32, #tpu.memory_space<vmem_shared>>
      %dma_wait3A_308 = tpu.memref_squeeze %dma_wait3A_307 : memref<1x1024xf32, #tpu.memory_space<vmem_shared>> -> memref<1024xf32, #tpu.memory_space<vmem_shared>>
      tpu.wait_dma2 semaphore(%run_scoped3A : memref<!tpu.dma_semaphore, #tpu.memory_space<semaphore_mem>>) src(%dma_wait3A_308 : memref<1024xf32, #tpu.memory_space<vmem_shared>>) dst(%dma_wait3A_305 : memref<1024xf32, #tpu.memory_space<vmem>>)
      tpu.yield
    }) : () -> ()
    %add3A_216 = arith.constant 2 : i32
    %add3A_217 = arith.addi %mul3A_207, %add3A_216 : i32
    "tpu.region"() ({
      %run_scoped3A = tpu.sem_alloc : memref<!tpu.dma_semaphore, #tpu.memory_space<semaphore_mem>>
      %dma_start3A_289 = arith.constant 2048 : i32
      %dma_start3A_290 = tpu.memref_slice %arg15[%dma_start3A_289] : memref<16384xi32, #tpu.memory_space<vmem>> -> memref<1024xi32, #tpu.memory_space<vmem>>
      %dma_start3A_291 = arith.constant 0 : i32
      %dma_start3A_292 = tpu.memref_slice %arg20[%add3A_217, %dma_start3A_291] : memref<16x1024xi32, #tpu.memory_space<vmem_shared>> -> memref<1x1024xi32, #tpu.memory_space<vmem_shared>>
      %dma_start3A_293 = tpu.memref_squeeze %dma_start3A_292 : memref<1x1024xi32, #tpu.memory_space<vmem_shared>> -> memref<1024xi32, #tpu.memory_space<vmem_shared>>
      %dma_start3A_294 = arith.constant 2048 : i32
      %dma_start3A_295 = tpu.memref_slice %arg15[%dma_start3A_294] : memref<16384xi32, #tpu.memory_space<vmem>> -> memref<1024xi32, #tpu.memory_space<vmem>>
      %dma_start3A_296 = arith.constant 0 : i32
      %dma_start3A_297 = tpu.memref_slice %arg20[%add3A_217, %dma_start3A_296] : memref<16x1024xi32, #tpu.memory_space<vmem_shared>> -> memref<1x1024xi32, #tpu.memory_space<vmem_shared>>
      %dma_start3A_298 = tpu.memref_squeeze %dma_start3A_297 : memref<1x1024xi32, #tpu.memory_space<vmem_shared>> -> memref<1024xi32, #tpu.memory_space<vmem_shared>>
      tpu.enqueue_dma source(%dma_start3A_298 : memref<1024xi32, #tpu.memory_space<vmem_shared>>) target(%dma_start3A_295 : memref<1024xi32, #tpu.memory_space<vmem>>) target_semaphore(%run_scoped3A : memref<!tpu.dma_semaphore, #tpu.memory_space<semaphore_mem>>)
      %dma_wait3A_299 = arith.constant 2048 : i32
      %dma_wait3A_300 = tpu.memref_slice %arg15[%dma_wait3A_299] : memref<16384xi32, #tpu.memory_space<vmem>> -> memref<1024xi32, #tpu.memory_space<vmem>>
      %dma_wait3A_301 = arith.constant 0 : i32
      %dma_wait3A_302 = tpu.memref_slice %arg20[%add3A_217, %dma_wait3A_301] : memref<16x1024xi32, #tpu.memory_space<vmem_shared>> -> memref<1x1024xi32, #tpu.memory_space<vmem_shared>>
      %dma_wait3A_303 = tpu.memref_squeeze %dma_wait3A_302 : memref<1x1024xi32, #tpu.memory_space<vmem_shared>> -> memref<1024xi32, #tpu.memory_space<vmem_shared>>
      %dma_wait3A_304 = arith.constant 2048 : i32
      %dma_wait3A_305 = tpu.memref_slice %arg15[%dma_wait3A_304] : memref<16384xi32, #tpu.memory_space<vmem>> -> memref<1024xi32, #tpu.memory_space<vmem>>
      %dma_wait3A_306 = arith.constant 0 : i32
      %dma_wait3A_307 = tpu.memref_slice %arg20[%add3A_217, %dma_wait3A_306] : memref<16x1024xi32, #tpu.memory_space<vmem_shared>> -> memref<1x1024xi32, #tpu.memory_space<vmem_shared>>
      %dma_wait3A_308 = tpu.memref_squeeze %dma_wait3A_307 : memref<1x1024xi32, #tpu.memory_space<vmem_shared>> -> memref<1024xi32, #tpu.memory_space<vmem_shared>>
      tpu.wait_dma2 semaphore(%run_scoped3A : memref<!tpu.dma_semaphore, #tpu.memory_space<semaphore_mem>>) src(%dma_wait3A_308 : memref<1024xi32, #tpu.memory_space<vmem_shared>>) dst(%dma_wait3A_305 : memref<1024xi32, #tpu.memory_space<vmem>>)
      tpu.yield
    }) : () -> ()
    %add3A_218 = arith.constant 2 : i32
    %add3A_219 = arith.addi %mul3A_207, %add3A_218 : i32
    "tpu.region"() ({
      %run_scoped3A = tpu.sem_alloc : memref<!tpu.dma_semaphore, #tpu.memory_space<semaphore_mem>>
      %dma_start3A_289 = arith.constant 2048 : i32
      %dma_start3A_290 = tpu.memref_slice %arg16[%dma_start3A_289] : memref<16384xf32, #tpu.memory_space<vmem>> -> memref<1024xf32, #tpu.memory_space<vmem>>
      %dma_start3A_291 = arith.constant 0 : i32
      %dma_start3A_292 = tpu.memref_slice %arg21[%add3A_219, %dma_start3A_291] : memref<16x1024xf32, #tpu.memory_space<vmem_shared>> -> memref<1x1024xf32, #tpu.memory_space<vmem_shared>>
      %dma_start3A_293 = tpu.memref_squeeze %dma_start3A_292 : memref<1x1024xf32, #tpu.memory_space<vmem_shared>> -> memref<1024xf32, #tpu.memory_space<vmem_shared>>
      %dma_start3A_294 = arith.constant 2048 : i32
      %dma_start3A_295 = tpu.memref_slice %arg16[%dma_start3A_294] : memref<16384xf32, #tpu.memory_space<vmem>> -> memref<1024xf32, #tpu.memory_space<vmem>>
      %dma_start3A_296 = arith.constant 0 : i32
      %dma_start3A_297 = tpu.memref_slice %arg21[%add3A_219, %dma_start3A_296] : memref<16x1024xf32, #tpu.memory_space<vmem_shared>> -> memref<1x1024xf32, #tpu.memory_space<vmem_shared>>
      %dma_start3A_298 = tpu.memref_squeeze %dma_start3A_297 : memref<1x1024xf32, #tpu.memory_space<vmem_shared>> -> memref<1024xf32, #tpu.memory_space<vmem_shared>>
      tpu.enqueue_dma source(%dma_start3A_298 : memref<1024xf32, #tpu.memory_space<vmem_shared>>) target(%dma_start3A_295 : memref<1024xf32, #tpu.memory_space<vmem>>) target_semaphore(%run_scoped3A : memref<!tpu.dma_semaphore, #tpu.memory_space<semaphore_mem>>)
      %dma_wait3A_299 = arith.constant 2048 : i32
      %dma_wait3A_300 = tpu.memref_slice %arg16[%dma_wait3A_299] : memref<16384xf32, #tpu.memory_space<vmem>> -> memref<1024xf32, #tpu.memory_space<vmem>>
      %dma_wait3A_301 = arith.constant 0 : i32
      %dma_wait3A_302 = tpu.memref_slice %arg21[%add3A_219, %dma_wait3A_301] : memref<16x1024xf32, #tpu.memory_space<vmem_shared>> -> memref<1x1024xf32, #tpu.memory_space<vmem_shared>>
      %dma_wait3A_303 = tpu.memref_squeeze %dma_wait3A_302 : memref<1x1024xf32, #tpu.memory_space<vmem_shared>> -> memref<1024xf32, #tpu.memory_space<vmem_shared>>
      %dma_wait3A_304 = arith.constant 2048 : i32
      %dma_wait3A_305 = tpu.memref_slice %arg16[%dma_wait3A_304] : memref<16384xf32, #tpu.memory_space<vmem>> -> memref<1024xf32, #tpu.memory_space<vmem>>
      %dma_wait3A_306 = arith.constant 0 : i32
      %dma_wait3A_307 = tpu.memref_slice %arg21[%add3A_219, %dma_wait3A_306] : memref<16x1024xf32, #tpu.memory_space<vmem_shared>> -> memref<1x1024xf32, #tpu.memory_space<vmem_shared>>
      %dma_wait3A_308 = tpu.memref_squeeze %dma_wait3A_307 : memref<1x1024xf32, #tpu.memory_space<vmem_shared>> -> memref<1024xf32, #tpu.memory_space<vmem_shared>>
      tpu.wait_dma2 semaphore(%run_scoped3A : memref<!tpu.dma_semaphore, #tpu.memory_space<semaphore_mem>>) src(%dma_wait3A_308 : memref<1024xf32, #tpu.memory_space<vmem_shared>>) dst(%dma_wait3A_305 : memref<1024xf32, #tpu.memory_space<vmem>>)
      tpu.yield
    }) : () -> ()
    %add3A_220 = arith.constant 3 : i32
    %add3A_221 = arith.addi %mul3A_207, %add3A_220 : i32
    "tpu.region"() ({
      %run_scoped3A = tpu.sem_alloc : memref<!tpu.dma_semaphore, #tpu.memory_space<semaphore_mem>>
      %dma_start3A_289 = arith.constant 3072 : i32
      %dma_start3A_290 = tpu.memref_slice %arg15[%dma_start3A_289] : memref<16384xi32, #tpu.memory_space<vmem>> -> memref<1024xi32, #tpu.memory_space<vmem>>
      %dma_start3A_291 = arith.constant 0 : i32
      %dma_start3A_292 = tpu.memref_slice %arg20[%add3A_221, %dma_start3A_291] : memref<16x1024xi32, #tpu.memory_space<vmem_shared>> -> memref<1x1024xi32, #tpu.memory_space<vmem_shared>>
      %dma_start3A_293 = tpu.memref_squeeze %dma_start3A_292 : memref<1x1024xi32, #tpu.memory_space<vmem_shared>> -> memref<1024xi32, #tpu.memory_space<vmem_shared>>
      %dma_start3A_294 = arith.constant 3072 : i32
      %dma_start3A_295 = tpu.memref_slice %arg15[%dma_start3A_294] : memref<16384xi32, #tpu.memory_space<vmem>> -> memref<1024xi32, #tpu.memory_space<vmem>>
      %dma_start3A_296 = arith.constant 0 : i32
      %dma_start3A_297 = tpu.memref_slice %arg20[%add3A_221, %dma_start3A_296] : memref<16x1024xi32, #tpu.memory_space<vmem_shared>> -> memref<1x1024xi32, #tpu.memory_space<vmem_shared>>
      %dma_start3A_298 = tpu.memref_squeeze %dma_start3A_297 : memref<1x1024xi32, #tpu.memory_space<vmem_shared>> -> memref<1024xi32, #tpu.memory_space<vmem_shared>>
      tpu.enqueue_dma source(%dma_start3A_298 : memref<1024xi32, #tpu.memory_space<vmem_shared>>) target(%dma_start3A_295 : memref<1024xi32, #tpu.memory_space<vmem>>) target_semaphore(%run_scoped3A : memref<!tpu.dma_semaphore, #tpu.memory_space<semaphore_mem>>)
      %dma_wait3A_299 = arith.constant 3072 : i32
      %dma_wait3A_300 = tpu.memref_slice %arg15[%dma_wait3A_299] : memref<16384xi32, #tpu.memory_space<vmem>> -> memref<1024xi32, #tpu.memory_space<vmem>>
      %dma_wait3A_301 = arith.constant 0 : i32
      %dma_wait3A_302 = tpu.memref_slice %arg20[%add3A_221, %dma_wait3A_301] : memref<16x1024xi32, #tpu.memory_space<vmem_shared>> -> memref<1x1024xi32, #tpu.memory_space<vmem_shared>>
      %dma_wait3A_303 = tpu.memref_squeeze %dma_wait3A_302 : memref<1x1024xi32, #tpu.memory_space<vmem_shared>> -> memref<1024xi32, #tpu.memory_space<vmem_shared>>
      %dma_wait3A_304 = arith.constant 3072 : i32
      %dma_wait3A_305 = tpu.memref_slice %arg15[%dma_wait3A_304] : memref<16384xi32, #tpu.memory_space<vmem>> -> memref<1024xi32, #tpu.memory_space<vmem>>
      %dma_wait3A_306 = arith.constant 0 : i32
      %dma_wait3A_307 = tpu.memref_slice %arg20[%add3A_221, %dma_wait3A_306] : memref<16x1024xi32, #tpu.memory_space<vmem_shared>> -> memref<1x1024xi32, #tpu.memory_space<vmem_shared>>
      %dma_wait3A_308 = tpu.memref_squeeze %dma_wait3A_307 : memref<1x1024xi32, #tpu.memory_space<vmem_shared>> -> memref<1024xi32, #tpu.memory_space<vmem_shared>>
      tpu.wait_dma2 semaphore(%run_scoped3A : memref<!tpu.dma_semaphore, #tpu.memory_space<semaphore_mem>>) src(%dma_wait3A_308 : memref<1024xi32, #tpu.memory_space<vmem_shared>>) dst(%dma_wait3A_305 : memref<1024xi32, #tpu.memory_space<vmem>>)
      tpu.yield
    }) : () -> ()
    %add3A_222 = arith.constant 3 : i32
    %add3A_223 = arith.addi %mul3A_207, %add3A_222 : i32
    "tpu.region"() ({
      %run_scoped3A = tpu.sem_alloc : memref<!tpu.dma_semaphore, #tpu.memory_space<semaphore_mem>>
      %dma_start3A_289 = arith.constant 3072 : i32
      %dma_start3A_290 = tpu.memref_slice %arg16[%dma_start3A_289] : memref<16384xf32, #tpu.memory_space<vmem>> -> memref<1024xf32, #tpu.memory_space<vmem>>
      %dma_start3A_291 = arith.constant 0 : i32
      %dma_start3A_292 = tpu.memref_slice %arg21[%add3A_223, %dma_start3A_291] : memref<16x1024xf32, #tpu.memory_space<vmem_shared>> -> memref<1x1024xf32, #tpu.memory_space<vmem_shared>>
      %dma_start3A_293 = tpu.memref_squeeze %dma_start3A_292 : memref<1x1024xf32, #tpu.memory_space<vmem_shared>> -> memref<1024xf32, #tpu.memory_space<vmem_shared>>
      %dma_start3A_294 = arith.constant 3072 : i32
      %dma_start3A_295 = tpu.memref_slice %arg16[%dma_start3A_294] : memref<16384xf32, #tpu.memory_space<vmem>> -> memref<1024xf32, #tpu.memory_space<vmem>>
      %dma_start3A_296 = arith.constant 0 : i32
      %dma_start3A_297 = tpu.memref_slice %arg21[%add3A_223, %dma_start3A_296] : memref<16x1024xf32, #tpu.memory_space<vmem_shared>> -> memref<1x1024xf32, #tpu.memory_space<vmem_shared>>
      %dma_start3A_298 = tpu.memref_squeeze %dma_start3A_297 : memref<1x1024xf32, #tpu.memory_space<vmem_shared>> -> memref<1024xf32, #tpu.memory_space<vmem_shared>>
      tpu.enqueue_dma source(%dma_start3A_298 : memref<1024xf32, #tpu.memory_space<vmem_shared>>) target(%dma_start3A_295 : memref<1024xf32, #tpu.memory_space<vmem>>) target_semaphore(%run_scoped3A : memref<!tpu.dma_semaphore, #tpu.memory_space<semaphore_mem>>)
      %dma_wait3A_299 = arith.constant 3072 : i32
      %dma_wait3A_300 = tpu.memref_slice %arg16[%dma_wait3A_299] : memref<16384xf32, #tpu.memory_space<vmem>> -> memref<1024xf32, #tpu.memory_space<vmem>>
      %dma_wait3A_301 = arith.constant 0 : i32
      %dma_wait3A_302 = tpu.memref_slice %arg21[%add3A_223, %dma_wait3A_301] : memref<16x1024xf32, #tpu.memory_space<vmem_shared>> -> memref<1x1024xf32, #tpu.memory_space<vmem_shared>>
      %dma_wait3A_303 = tpu.memref_squeeze %dma_wait3A_302 : memref<1x1024xf32, #tpu.memory_space<vmem_shared>> -> memref<1024xf32, #tpu.memory_space<vmem_shared>>
      %dma_wait3A_304 = arith.constant 3072 : i32
      %dma_wait3A_305 = tpu.memref_slice %arg16[%dma_wait3A_304] : memref<16384xf32, #tpu.memory_space<vmem>> -> memref<1024xf32, #tpu.memory_space<vmem>>
      %dma_wait3A_306 = arith.constant 0 : i32
      %dma_wait3A_307 = tpu.memref_slice %arg21[%add3A_223, %dma_wait3A_306] : memref<16x1024xf32, #tpu.memory_space<vmem_shared>> -> memref<1x1024xf32, #tpu.memory_space<vmem_shared>>
      %dma_wait3A_308 = tpu.memref_squeeze %dma_wait3A_307 : memref<1x1024xf32, #tpu.memory_space<vmem_shared>> -> memref<1024xf32, #tpu.memory_space<vmem_shared>>
      tpu.wait_dma2 semaphore(%run_scoped3A : memref<!tpu.dma_semaphore, #tpu.memory_space<semaphore_mem>>) src(%dma_wait3A_308 : memref<1024xf32, #tpu.memory_space<vmem_shared>>) dst(%dma_wait3A_305 : memref<1024xf32, #tpu.memory_space<vmem>>)
      tpu.yield
    }) : () -> ()
    %parallel_loop3A_224 = arith.constant 0 : i32
    %parallel_loop3A_225 = arith.constant 64 : i32
    %parallel_loop3A_226 = arith.constant 1 : i32
    scf.for %parallel_loop3A_289 = %parallel_loop3A_224 to %parallel_loop3A_225 step %parallel_loop3A_226  : i32 {
      %parallel_loop3A_290 = arith.constant 0 : i32
      %parallel_loop3A_291 = vector.broadcast %parallel_loop3A_290 : i32 to vector<16xi32>
      %parallel_loop3A_292 = arith.constant 0.000000e+00 : f32
      %parallel_loop3A_293 = vector.broadcast %parallel_loop3A_292 : f32 to vector<16xf32>
      %parallel_loop3A_294 = arith.constant 16 : i32
      %parallel_loop3A_295 = arith.muli %parallel_loop3A_289, %parallel_loop3A_294 : i32
      %parallel_loop3A_296 = arith.constant 0 : i32
      %parallel_loop3A_297 = arith.addi %parallel_loop3A_296, %parallel_loop3A_295 : i32
      %parallel_loop3A_298 = arith.index_cast %parallel_loop3A_297 : i32 to index
      %parallel_loop3A_299 = tpu.vector_load %arg15[%parallel_loop3A_298] {strides = array<i32>} : memref<16384xi32, #tpu.memory_space<vmem>>, vector<16xi32>,
      %parallel_loop3A_300 = arith.addi %parallel_loop3A_291, %parallel_loop3A_299 : vector<16xi32>
      %parallel_loop3A_301 = arith.index_cast %parallel_loop3A_297 : i32 to index
      %parallel_loop3A_302 = tpu.vector_load %arg16[%parallel_loop3A_301] {strides = array<i32>} : memref<16384xf32, #tpu.memory_space<vmem>>, vector<16xf32>,
      %parallel_loop3A_303 = arith.addf %parallel_loop3A_293, %parallel_loop3A_302 : vector<16xf32>
      %parallel_loop3A_304 = arith.constant 16 : i32
      %parallel_loop3A_305 = arith.muli %parallel_loop3A_289, %parallel_loop3A_304 : i32
      %parallel_loop3A_306 = arith.constant 1024 : i32
      %parallel_loop3A_307 = arith.addi %parallel_loop3A_306, %parallel_loop3A_305 : i32
      %parallel_loop3A_308 = arith.index_cast %parallel_loop3A_307 : i32 to index
      %parallel_loop3A_309 = tpu.vector_load %arg15[%parallel_loop3A_308] {strides = array<i32>} : memref<16384xi32, #tpu.memory_space<vmem>>, vector<16xi32>,
      %parallel_loop3A_310 = arith.addi %parallel_loop3A_300, %parallel_loop3A_309 : vector<16xi32>
      %parallel_loop3A_311 = arith.index_cast %parallel_loop3A_307 : i32 to index
      %parallel_loop3A_312 = tpu.vector_load %arg16[%parallel_loop3A_311] {strides = array<i32>} : memref<16384xf32, #tpu.memory_space<vmem>>, vector<16xf32>,
      %parallel_loop3A_313 = arith.addf %parallel_loop3A_303, %parallel_loop3A_312 : vector<16xf32>
      %parallel_loop3A_314 = arith.constant 16 : i32
      %parallel_loop3A_315 = arith.muli %parallel_loop3A_289, %parallel_loop3A_314 : i32
      %parallel_loop3A_316 = arith.constant 2048 : i32
      %parallel_loop3A_317 = arith.addi %parallel_loop3A_316, %parallel_loop3A_315 : i32
      %parallel_loop3A_318 = arith.index_cast %parallel_loop3A_317 : i32 to index
      %parallel_loop3A_319 = tpu.vector_load %arg15[%parallel_loop3A_318] {strides = array<i32>} : memref<16384xi32, #tpu.memory_space<vmem>>, vector<16xi32>,
      %parallel_loop3A_320 = arith.addi %parallel_loop3A_310, %parallel_loop3A_319 : vector<16xi32>
      %parallel_loop3A_321 = arith.index_cast %parallel_loop3A_317 : i32 to index
      %parallel_loop3A_322 = tpu.vector_load %arg16[%parallel_loop3A_321] {strides = array<i32>} : memref<16384xf32, #tpu.memory_space<vmem>>, vector<16xf32>,
      %parallel_loop3A_323 = arith.addf %parallel_loop3A_313, %parallel_loop3A_322 : vector<16xf32>
      %parallel_loop3A_324 = arith.constant 16 : i32
      %parallel_loop3A_325 = arith.muli %parallel_loop3A_289, %parallel_loop3A_324 : i32
      %parallel_loop3A_326 = arith.constant 3072 : i32
      %parallel_loop3A_327 = arith.addi %parallel_loop3A_326, %parallel_loop3A_325 : i32
      %parallel_loop3A_328 = arith.index_cast %parallel_loop3A_327 : i32 to index
      %parallel_loop3A_329 = tpu.vector_load %arg15[%parallel_loop3A_328] {strides = array<i32>} : memref<16384xi32, #tpu.memory_space<vmem>>, vector<16xi32>,
      %parallel_loop3A_330 = arith.addi %parallel_loop3A_320, %parallel_loop3A_329 : vector<16xi32>
      %parallel_loop3A_331 = arith.index_cast %parallel_loop3A_327 : i32 to index
      %parallel_loop3A_332 = tpu.vector_load %arg16[%parallel_loop3A_331] {strides = array<i32>} : memref<16384xf32, #tpu.memory_space<vmem>>, vector<16xf32>,
      %parallel_loop3A_333 = arith.addf %parallel_loop3A_323, %parallel_loop3A_332 : vector<16xf32>
      %parallel_loop3A_334 = arith.constant 16 : i32
      %parallel_loop3A_335 = arith.muli %parallel_loop3A_289, %parallel_loop3A_334 : i32
      %parallel_loop3A_336 = arith.index_cast %parallel_loop3A_335 : i32 to index
      %parallel_loop3A_337 = tpu.vector_load %arg17[%parallel_loop3A_336] {strides = array<i32>} : memref<1024xi32, #tpu.memory_space<vmem>>, vector<16xi32>,
      tpu.vector_store %arg17[%parallel_loop3A_336], %parallel_loop3A_330 {strides = array<i32>} : memref<1024xi32, #tpu.memory_space<vmem>>, vector<16xi32>,
      %parallel_loop3A_338 = arith.constant 16 : i32
      %parallel_loop3A_339 = arith.muli %parallel_loop3A_289, %parallel_loop3A_338 : i32
      %parallel_loop3A_340 = arith.index_cast %parallel_loop3A_339 : i32 to index
      %parallel_loop3A_341 = tpu.vector_load %arg18[%parallel_loop3A_340] {strides = array<i32>} : memref<1024xf32, #tpu.memory_space<vmem>>, vector<16xf32>,
      tpu.vector_store %arg18[%parallel_loop3A_340], %parallel_loop3A_333 {strides = array<i32>} : memref<1024xf32, #tpu.memory_space<vmem>>, vector<16xf32>,
    } {sc.loop_unroll_factor = 4 : i64, sc.parallel_access}
    %scan3A = arith.constant 0 : i32
    %scan3A_227 = arith.constant 0 : i32
    %scan3A_228 = arith.constant 64 : i32
    %scan3A_229 = arith.addi %scan3A_227, %scan3A_228 : i32
    %scan3A_230 = arith.constant 1 : i32
    %scan3A_231 = scf.for %scan3A_289 = %scan3A_227 to %scan3A_229 step %scan3A_230 iter_args(%scan3A_290 = %scan3A) -> (i32)  : i32 {
      %mul3A_291 = arith.constant 16 : i32
      %mul3A_292 = arith.muli %scan3A_289, %mul3A_291 : i32
      %get3A = arith.index_cast %mul3A_292 : i32 to index
      %get3A_293 = tpu.vector_load %arg17[%get3A] {strides = array<i32>} : memref<1024xi32, #tpu.memory_space<vmem>>, vector<16xi32>,
      %reduce_sum3A_294 = arith.constant true
      %reduce_sum3A_295 = vector.broadcast %reduce_sum3A_294 : i1 to vector<16xi1>
      %reduce_sum3A_296 = tpu.scan <sum>, %get3A_293 masked %reduce_sum3A_295 : vector<16xi32>, vector<16xi1> -> vector<16xi32>
      %reduce_sum3A_297 = vector.extract %reduce_sum3A_296[15] : i32 from vector<16xi32>
      %add3A_298 = arith.addi %scan3A_290, %reduce_sum3A_297 : i32
      scf.yield %add3A_298 : i32
    }
    %scan3A_232 = arith.constant 64 : i32
    %broadcast_in_dim3A_233 = vector.broadcast %scan3A_231 : i32 to vector<16xi32>
    %convert_element_type3A = arith.sitofp %broadcast_in_dim3A_233 : vector<16xi32> to vector<16xf32>
    %mul3A_234 = arith.constant 8.000000e-01 : f32
    %mul3A_235 = vector.broadcast %mul3A_234 : f32 to vector<16xf32>
    %mul3A_236 = arith.mulf %convert_element_type3A, %mul3A_235 : vector<16xf32>
    %convert_element_type3A_237 = arith.fptosi %mul3A_236 : vector<16xf32> to vector<16xi32>
    %iota3A_238 = tpu.iota {dimensions = array<i32: 0>} : vector<16xi32>
    %eq3A_239 = arith.constant 0 : i32
    %eq3A_240 = vector.broadcast %eq3A_239 : i32 to vector<16xi32>
    %eq3A_241 = arith.cmpi eq, %iota3A_238, %eq3A_240 : vector<16xi32>
    %broadcast_in_dim3A_242 = arith.constant 0 : i32
    %broadcast_in_dim3A_243 = vector.broadcast %broadcast_in_dim3A_242 : i32 to vector<16xi32>
    %select_n3A_244 = arith.select %eq3A_241, %convert_element_type3A_237, %broadcast_in_dim3A_243 : vector<16xi1>, vector<16xi32>
    %reduce_sum3A = arith.constant true
    %reduce_sum3A_245 = vector.broadcast %reduce_sum3A : i1 to vector<16xi1>
    %reduce_sum3A_246 = tpu.scan <sum>, %select_n3A_244 masked %reduce_sum3A_245 : vector<16xi32>, vector<16xi1> -> vector<16xi32>
    %reduce_sum3A_247 = vector.extract %reduce_sum3A_246[15] : i32 from vector<16xi32>
    %broadcast_in_dim3A_248 = arith.constant 0 : i32
    %broadcast_in_dim3A_249 = vector.broadcast %broadcast_in_dim3A_248 : i32 to vector<16xi32>
    %broadcast_in_dim3A_250 = arith.constant 0.000000e+00 : f32
    %broadcast_in_dim3A_251 = vector.broadcast %broadcast_in_dim3A_250 : f32 to vector<16xf32>
    %scan3A_252 = arith.constant 0 : i32
    %scan3A_253 = arith.constant 0 : i32
    %scan3A_254 = arith.constant 64 : i32
    %scan3A_255 = arith.addi %scan3A_253, %scan3A_254 : i32
    %scan3A_256 = arith.constant 1 : i32
    %scan3A_257:4 = scf.for %scan3A_289 = %scan3A_253 to %scan3A_255 step %scan3A_256 iter_args(%scan3A_290 = %scan3A_252, %scan3A_291 = %broadcast_in_dim3A_249, %scan3A_292 = %broadcast_in_dim3A_249, %scan3A_293 = %broadcast_in_dim3A_251) -> (i32, vector<16xi32>, vector<16xi32>, vector<16xf32>)  : i32 {
      %mul3A_294 = arith.constant 16 : i32
      %mul3A_295 = arith.muli %scan3A_289, %mul3A_294 : i32
      %get3A = arith.index_cast %mul3A_295 : i32 to index
      %get3A_296 = tpu.vector_load %arg17[%get3A] {strides = array<i32>} : memref<1024xi32, #tpu.memory_space<vmem>>, vector<16xi32>,
      %mul3A_297 = arith.constant 16 : i32
      %mul3A_298 = arith.muli %scan3A_289, %mul3A_297 : i32
      %get3A_299 = arith.index_cast %mul3A_298 : i32 to index
      %get3A_300 = tpu.vector_load %arg18[%get3A_299] {strides = array<i32>} : memref<1024xf32, #tpu.memory_space<vmem>>, vector<16xf32>,
      %broadcast_in_dim3A_301 = arith.constant true
      %broadcast_in_dim3A_302 = vector.broadcast %broadcast_in_dim3A_301 : i1 to vector<16xi1>
      %masked_cumsum3A = tpu.scan <sum>, %get3A_296 masked %broadcast_in_dim3A_302 : vector<16xi32>, vector<16xi1> -> vector<16xi32>
      %add3A_303 = vector.broadcast %scan3A_290 : i32 to vector<16xi32>
      %add3A_304 = arith.addi %masked_cumsum3A, %add3A_303 : vector<16xi32>
      %lt3A_305 = vector.broadcast %reduce_sum3A_247 : i32 to vector<16xi32>
      %lt3A_306 = arith.cmpi slt, %add3A_304, %lt3A_305 : vector<16xi32>
      %jit3A_307 = arith.constant 1 : i32
      %jit3A_308 = arith.constant 0 : i32
      %broadcast_in_dim3A_309 = vector.broadcast %jit3A_307 : i32 to vector<16xi32>
      %broadcast_in_dim3A_310 = vector.broadcast %jit3A_308 : i32 to vector<16xi32>
      %select_n3A_311 = arith.select %lt3A_306, %broadcast_in_dim3A_309, %broadcast_in_dim3A_310 : vector<16xi1>, vector<16xi32>
      %add3A_312 = arith.addi %scan3A_291, %select_n3A_311 : vector<16xi32>
      %jit3A_313 = arith.constant 0 : i32
      %broadcast_in_dim3A_314 = vector.broadcast %jit3A_313 : i32 to vector<16xi32>
      %select_n3A_315 = arith.select %lt3A_306, %get3A_296, %broadcast_in_dim3A_314 : vector<16xi1>, vector<16xi32>
      %add3A_316 = arith.addi %scan3A_292, %select_n3A_315 : vector<16xi32>
      %jit3A_317 = arith.constant 0.000000e+00 : f32
      %broadcast_in_dim3A_318 = vector.broadcast %jit3A_317 : f32 to vector<16xf32>
      %select_n3A_319 = arith.select %lt3A_306, %get3A_300, %broadcast_in_dim3A_318 : vector<16xi1>, vector<16xf32>
      %add3A_320 = arith.addf %scan3A_293, %select_n3A_319 : vector<16xf32>
      %reduce_sum3A_321 = arith.constant true
      %reduce_sum3A_322 = vector.broadcast %reduce_sum3A_321 : i1 to vector<16xi1>
      %reduce_sum3A_323 = tpu.scan <sum>, %get3A_296 masked %reduce_sum3A_322 : vector<16xi32>, vector<16xi1> -> vector<16xi32>
      %reduce_sum3A_324 = vector.extract %reduce_sum3A_323[15] : i32 from vector<16xi32>
      %add3A_325 = arith.addi %scan3A_290, %reduce_sum3A_324 : i32
      scf.yield %add3A_325, %add3A_312, %add3A_316, %add3A_320 : i32, vector<16xi32>, vector<16xi32>, vector<16xf32>
    }
    %scan3A_258 = arith.constant 64 : i32
    %reduce_sum3A_259 = arith.constant true
    %reduce_sum3A_260 = vector.broadcast %reduce_sum3A_259 : i1 to vector<16xi1>
    %reduce_sum3A_261 = tpu.scan <sum>, %scan3A_257#1 masked %reduce_sum3A_260 : vector<16xi32>, vector<16xi1> -> vector<16xi32>
    %reduce_sum3A_262 = vector.extract %reduce_sum3A_261[15] : i32 from vector<16xi32>
    %reduce_sum3A_263 = arith.constant true
    %reduce_sum3A_264 = vector.broadcast %reduce_sum3A_263 : i1 to vector<16xi1>
    %reduce_sum3A_265 = tpu.scan <sum>, %scan3A_257#2 masked %reduce_sum3A_264 : vector<16xi32>, vector<16xi1> -> vector<16xi32>
    %reduce_sum3A_266 = vector.extract %reduce_sum3A_265[15] : i32 from vector<16xi32>
    %reduce_sum3A_267 = arith.constant true
    %reduce_sum3A_268 = vector.broadcast %reduce_sum3A_267 : i1 to vector<16xi1>
    %reduce_sum3A_269 = tpu.scan <sum>, %scan3A_257#3 masked %reduce_sum3A_268 : vector<16xf32>, vector<16xi1> -> vector<16xf32>
    %reduce_sum3A_270 = vector.extract %reduce_sum3A_269[15] : f32 from vector<16xf32>
    %parallel_loop3A_271 = arith.constant 0 : i32
    %parallel_loop3A_272 = arith.constant 1024 : i32
    %parallel_loop3A_273 = arith.constant 1 : i32
    scf.for %parallel_loop3A_289 = %parallel_loop3A_271 to %parallel_loop3A_272 step %parallel_loop3A_273  : i32 {
      %parallel_loop3A_290 = arith.constant 0 : i32
      %parallel_loop3A_291 = vector.broadcast %parallel_loop3A_290 : i32 to vector<16xi32>
      %parallel_loop3A_292 = arith.constant 16 : i32
      %parallel_loop3A_293 = arith.muli %parallel_loop3A_289, %parallel_loop3A_292 : i32
      %parallel_loop3A_294 = arith.index_cast %parallel_loop3A_293 : i32 to index
      %parallel_loop3A_295 = tpu.vector_load %arg15[%parallel_loop3A_294] {strides = array<i32>} : memref<16384xi32, #tpu.memory_space<vmem>>, vector<16xi32>,
      tpu.vector_store %arg15[%parallel_loop3A_294], %parallel_loop3A_291 {strides = array<i32>} : memref<16384xi32, #tpu.memory_space<vmem>>, vector<16xi32>,
    } {sc.loop_unroll_factor = 8 : i64, sc.parallel_access}
    %iota3A_274 = tpu.iota {dimensions = array<i32: 0>} : vector<16xi32>
    %mul3A_275 = arith.constant 1024 : i32
    %mul3A_276 = vector.broadcast %mul3A_275 : i32 to vector<16xi32>
    %mul3A_277 = arith.muli %iota3A_274, %mul3A_276 : vector<16xi32>
    %broadcast_in_dim3A_278 = arith.constant 1 : i32
    %broadcast_in_dim3A_279 = vector.broadcast %broadcast_in_dim3A_278 : i32 to vector<16xi32>
    %parallel_loop3A_280 = arith.constant 0 : i32
    %parallel_loop3A_281 = arith.constant 2304 : i32
    %parallel_loop3A_282 = arith.constant 1 : i32
    scf.for %parallel_loop3A_289 = %parallel_loop3A_280 to %parallel_loop3A_281 step %parallel_loop3A_282  : i32 {
      %parallel_loop3A_290 = arith.constant 16 : i32
      %parallel_loop3A_291 = arith.muli %parallel_loop3A_289, %parallel_loop3A_290 : i32
      %parallel_loop3A_292 = arith.index_cast %parallel_loop3A_291 : i32 to index
      %parallel_loop3A_293 = tpu.vector_load %arg14[%parallel_loop3A_292] {strides = array<i32>} : memref<36864xi32, #tpu.memory_space<vmem>>, vector<16xi32>,
      %parallel_loop3A_294 = arith.constant 21 : i32
      %parallel_loop3A_295 = vector.broadcast %parallel_loop3A_294 : i32 to vector<16xi32>
      %parallel_loop3A_296 = arith.shrui %parallel_loop3A_293, %parallel_loop3A_295 : vector<16xi32>
      %parallel_loop3A_297 = vector.broadcast %reduce_sum3A_262 : i32 to vector<16xi32>
      %parallel_loop3A_298 = arith.cmpi eq, %parallel_loop3A_296, %parallel_loop3A_297 : vector<16xi32>
      %parallel_loop3A_299 = arith.constant 11 : i32
      %parallel_loop3A_300 = vector.broadcast %parallel_loop3A_299 : i32 to vector<16xi32>
      %parallel_loop3A_301 = arith.shrui %parallel_loop3A_293, %parallel_loop3A_300 : vector<16xi32>
      %parallel_loop3A_302 = arith.constant 1023 : i32
      %parallel_loop3A_303 = vector.broadcast %parallel_loop3A_302 : i32 to vector<16xi32>
      %parallel_loop3A_304 = arith.andi %parallel_loop3A_301, %parallel_loop3A_303 : vector<16xi32>
      %parallel_loop3A_305 = arith.addi %mul3A_277, %parallel_loop3A_304 : vector<16xi32>
      tpu.vector_store_idx %arg15[%parallel_loop3A_305], %broadcast_in_dim3A_279 masked %parallel_loop3A_298 {add = true} : memref<16384xi32, #tpu.memory_space<vmem>>[vector<16xi32>], vector<16xi32>, vector<16xi1>
    } {sc.loop_unroll_factor = 4 : i64, sc.parallel_access}
    %parallel_loop3A_283 = arith.constant 0 : i32
    %parallel_loop3A_284 = arith.constant 64 : i32
    %parallel_loop3A_285 = arith.constant 1 : i32
    scf.for %parallel_loop3A_289 = %parallel_loop3A_283 to %parallel_loop3A_284 step %parallel_loop3A_285  : i32 {
      %parallel_loop3A_290 = arith.constant 0 : i32
      %parallel_loop3A_291 = vector.broadcast %parallel_loop3A_290 : i32 to vector<16xi32>
      %parallel_loop3A_292 = arith.constant 16 : i32
      %parallel_loop3A_293 = arith.muli %parallel_loop3A_289, %parallel_loop3A_292 : i32
      %parallel_loop3A_294 = arith.constant 0 : i32
      %parallel_loop3A_295 = arith.addi %parallel_loop3A_294, %parallel_loop3A_293 : i32
      %parallel_loop3A_296 = arith.index_cast %parallel_loop3A_295 : i32 to index
      %parallel_loop3A_297 = tpu.vector_load %arg15[%parallel_loop3A_296] {strides = array<i32>} : memref<16384xi32, #tpu.memory_space<vmem>>, vector<16xi32>,
      %parallel_loop3A_298 = arith.addi %parallel_loop3A_291, %parallel_loop3A_297 : vector<16xi32>
      %parallel_loop3A_299 = arith.constant 16 : i32
      %parallel_loop3A_300 = arith.muli %parallel_loop3A_289, %parallel_loop3A_299 : i32
      %parallel_loop3A_301 = arith.constant 1024 : i32
      %parallel_loop3A_302 = arith.addi %parallel_loop3A_301, %parallel_loop3A_300 : i32
      %parallel_loop3A_303 = arith.index_cast %parallel_loop3A_302 : i32 to index
      %parallel_loop3A_304 = tpu.vector_load %arg15[%parallel_loop3A_303] {strides = array<i32>} : memref<16384xi32, #tpu.memory_space<vmem>>, vector<16xi32>,
      %parallel_loop3A_305 = arith.addi %parallel_loop3A_298, %parallel_loop3A_304 : vector<16xi32>
      %parallel_loop3A_306 = arith.constant 16 : i32
      %parallel_loop3A_307 = arith.muli %parallel_loop3A_289, %parallel_loop3A_306 : i32
      %parallel_loop3A_308 = arith.constant 2048 : i32
      %parallel_loop3A_309 = arith.addi %parallel_loop3A_308, %parallel_loop3A_307 : i32
      %parallel_loop3A_310 = arith.index_cast %parallel_loop3A_309 : i32 to index
      %parallel_loop3A_311 = tpu.vector_load %arg15[%parallel_loop3A_310] {strides = array<i32>} : memref<16384xi32, #tpu.memory_space<vmem>>, vector<16xi32>,
      %parallel_loop3A_312 = arith.addi %parallel_loop3A_305, %parallel_loop3A_311 : vector<16xi32>
      %parallel_loop3A_313 = arith.constant 16 : i32
      %parallel_loop3A_314 = arith.muli %parallel_loop3A_289, %parallel_loop3A_313 : i32
      %parallel_loop3A_315 = arith.constant 3072 : i32
      %parallel_loop3A_316 = arith.addi %parallel_loop3A_315, %parallel_loop3A_314 : i32
      %parallel_loop3A_317 = arith.index_cast %parallel_loop3A_316 : i32 to index
      %parallel_loop3A_318 = tpu.vector_load %arg15[%parallel_loop3A_317] {strides = array<i32>} : memref<16384xi32, #tpu.memory_space<vmem>>, vector<16xi32>,
      %parallel_loop3A_319 = arith.addi %parallel_loop3A_312, %parallel_loop3A_318 : vector<16xi32>
      %parallel_loop3A_320 = arith.constant 16 : i32
      %parallel_loop3A_321 = arith.muli %parallel_loop3A_289, %parallel_loop3A_320 : i32
      %parallel_loop3A_322 = arith.constant 4096 : i32
      %parallel_loop3A_323 = arith.addi %parallel_loop3A_322, %parallel_loop3A_321 : i32
      %parallel_loop3A_324 = arith.index_cast %parallel_loop3A_323 : i32 to index
      %parallel_loop3A_325 = tpu.vector_load %arg15[%parallel_loop3A_324] {strides = array<i32>} : memref<16384xi32, #tpu.memory_space<vmem>>, vector<16xi32>,
      %parallel_loop3A_326 = arith.addi %parallel_loop3A_319, %parallel_loop3A_325 : vector<16xi32>
      %parallel_loop3A_327 = arith.constant 16 : i32
      %parallel_loop3A_328 = arith.muli %parallel_loop3A_289, %parallel_loop3A_327 : i32
      %parallel_loop3A_329 = arith.constant 5120 : i32
      %parallel_loop3A_330 = arith.addi %parallel_loop3A_329, %parallel_loop3A_328 : i32
      %parallel_loop3A_331 = arith.index_cast %parallel_loop3A_330 : i32 to index
      %parallel_loop3A_332 = tpu.vector_load %arg15[%parallel_loop3A_331] {strides = array<i32>} : memref<16384xi32, #tpu.memory_space<vmem>>, vector<16xi32>,
      %parallel_loop3A_333 = arith.addi %parallel_loop3A_326, %parallel_loop3A_332 : vector<16xi32>
      %parallel_loop3A_334 = arith.constant 16 : i32
      %parallel_loop3A_335 = arith.muli %parallel_loop3A_289, %parallel_loop3A_334 : i32
      %parallel_loop3A_336 = arith.constant 6144 : i32
      %parallel_loop3A_337 = arith.addi %parallel_loop3A_336, %parallel_loop3A_335 : i32
      %parallel_loop3A_338 = arith.index_cast %parallel_loop3A_337 : i32 to index
      %parallel_loop3A_339 = tpu.vector_load %arg15[%parallel_loop3A_338] {strides = array<i32>} : memref<16384xi32, #tpu.memory_space<vmem>>, vector<16xi32>,
      %parallel_loop3A_340 = arith.addi %parallel_loop3A_333, %parallel_loop3A_339 : vector<16xi32>
      %parallel_loop3A_341 = arith.constant 16 : i32
      %parallel_loop3A_342 = arith.muli %parallel_loop3A_289, %parallel_loop3A_341 : i32
      %parallel_loop3A_343 = arith.constant 7168 : i32
      %parallel_loop3A_344 = arith.addi %parallel_loop3A_343, %parallel_loop3A_342 : i32
      %parallel_loop3A_345 = arith.index_cast %parallel_loop3A_344 : i32 to index
      %parallel_loop3A_346 = tpu.vector_load %arg15[%parallel_loop3A_345] {strides = array<i32>} : memref<16384xi32, #tpu.memory_space<vmem>>, vector<16xi32>,
      %parallel_loop3A_347 = arith.addi %parallel_loop3A_340, %parallel_loop3A_346 : vector<16xi32>
      %parallel_loop3A_348 = arith.constant 16 : i32
      %parallel_loop3A_349 = arith.muli %parallel_loop3A_289, %parallel_loop3A_348 : i32
      %parallel_loop3A_350 = arith.constant 8192 : i32
      %parallel_loop3A_351 = arith.addi %parallel_loop3A_350, %parallel_loop3A_349 : i32
      %parallel_loop3A_352 = arith.index_cast %parallel_loop3A_351 : i32 to index
      %parallel_loop3A_353 = tpu.vector_load %arg15[%parallel_loop3A_352] {strides = array<i32>} : memref<16384xi32, #tpu.memory_space<vmem>>, vector<16xi32>,
      %parallel_loop3A_354 = arith.addi %parallel_loop3A_347, %parallel_loop3A_353 : vector<16xi32>
      %parallel_loop3A_355 = arith.constant 16 : i32
      %parallel_loop3A_356 = arith.muli %parallel_loop3A_289, %parallel_loop3A_355 : i32
      %parallel_loop3A_357 = arith.constant 9216 : i32
      %parallel_loop3A_358 = arith.addi %parallel_loop3A_357, %parallel_loop3A_356 : i32
      %parallel_loop3A_359 = arith.index_cast %parallel_loop3A_358 : i32 to index
      %parallel_loop3A_360 = tpu.vector_load %arg15[%parallel_loop3A_359] {strides = array<i32>} : memref<16384xi32, #tpu.memory_space<vmem>>, vector<16xi32>,
      %parallel_loop3A_361 = arith.addi %parallel_loop3A_354, %parallel_loop3A_360 : vector<16xi32>
      %parallel_loop3A_362 = arith.constant 16 : i32
      %parallel_loop3A_363 = arith.muli %parallel_loop3A_289, %parallel_loop3A_362 : i32
      %parallel_loop3A_364 = arith.constant 10240 : i32
      %parallel_loop3A_365 = arith.addi %parallel_loop3A_364, %parallel_loop3A_363 : i32
      %parallel_loop3A_366 = arith.index_cast %parallel_loop3A_365 : i32 to index
      %parallel_loop3A_367 = tpu.vector_load %arg15[%parallel_loop3A_366] {strides = array<i32>} : memref<16384xi32, #tpu.memory_space<vmem>>, vector<16xi32>,
      %parallel_loop3A_368 = arith.addi %parallel_loop3A_361, %parallel_loop3A_367 : vector<16xi32>
      %parallel_loop3A_369 = arith.constant 16 : i32
      %parallel_loop3A_370 = arith.muli %parallel_loop3A_289, %parallel_loop3A_369 : i32
      %parallel_loop3A_371 = arith.constant 11264 : i32
      %parallel_loop3A_372 = arith.addi %parallel_loop3A_371, %parallel_loop3A_370 : i32
      %parallel_loop3A_373 = arith.index_cast %parallel_loop3A_372 : i32 to index
      %parallel_loop3A_374 = tpu.vector_load %arg15[%parallel_loop3A_373] {strides = array<i32>} : memref<16384xi32, #tpu.memory_space<vmem>>, vector<16xi32>,
      %parallel_loop3A_375 = arith.addi %parallel_loop3A_368, %parallel_loop3A_374 : vector<16xi32>
      %parallel_loop3A_376 = arith.constant 16 : i32
      %parallel_loop3A_377 = arith.muli %parallel_loop3A_289, %parallel_loop3A_376 : i32
      %parallel_loop3A_378 = arith.constant 12288 : i32
      %parallel_loop3A_379 = arith.addi %parallel_loop3A_378, %parallel_loop3A_377 : i32
      %parallel_loop3A_380 = arith.index_cast %parallel_loop3A_379 : i32 to index
      %parallel_loop3A_381 = tpu.vector_load %arg15[%parallel_loop3A_380] {strides = array<i32>} : memref<16384xi32, #tpu.memory_space<vmem>>, vector<16xi32>,
      %parallel_loop3A_382 = arith.addi %parallel_loop3A_375, %parallel_loop3A_381 : vector<16xi32>
      %parallel_loop3A_383 = arith.constant 16 : i32
      %parallel_loop3A_384 = arith.muli %parallel_loop3A_289, %parallel_loop3A_383 : i32
      %parallel_loop3A_385 = arith.constant 13312 : i32
      %parallel_loop3A_386 = arith.addi %parallel_loop3A_385, %parallel_loop3A_384 : i32
      %parallel_loop3A_387 = arith.index_cast %parallel_loop3A_386 : i32 to index
      %parallel_loop3A_388 = tpu.vector_load %arg15[%parallel_loop3A_387] {strides = array<i32>} : memref<16384xi32, #tpu.memory_space<vmem>>, vector<16xi32>,
      %parallel_loop3A_389 = arith.addi %parallel_loop3A_382, %parallel_loop3A_388 : vector<16xi32>
      %parallel_loop3A_390 = arith.constant 16 : i32
      %parallel_loop3A_391 = arith.muli %parallel_loop3A_289, %parallel_loop3A_390 : i32
      %parallel_loop3A_392 = arith.constant 14336 : i32
      %parallel_loop3A_393 = arith.addi %parallel_loop3A_392, %parallel_loop3A_391 : i32
      %parallel_loop3A_394 = arith.index_cast %parallel_loop3A_393 : i32 to index
      %parallel_loop3A_395 = tpu.vector_load %arg15[%parallel_loop3A_394] {strides = array<i32>} : memref<16384xi32, #tpu.memory_space<vmem>>, vector<16xi32>,
      %parallel_loop3A_396 = arith.addi %parallel_loop3A_389, %parallel_loop3A_395 : vector<16xi32>
      %parallel_loop3A_397 = arith.constant 16 : i32
      %parallel_loop3A_398 = arith.muli %parallel_loop3A_289, %parallel_loop3A_397 : i32
      %parallel_loop3A_399 = arith.constant 15360 : i32
      %parallel_loop3A_400 = arith.addi %parallel_loop3A_399, %parallel_loop3A_398 : i32
      %parallel_loop3A_401 = arith.index_cast %parallel_loop3A_400 : i32 to index
      %parallel_loop3A_402 = tpu.vector_load %arg15[%parallel_loop3A_401] {strides = array<i32>} : memref<16384xi32, #tpu.memory_space<vmem>>, vector<16xi32>,
      %parallel_loop3A_403 = arith.addi %parallel_loop3A_396, %parallel_loop3A_402 : vector<16xi32>
      %parallel_loop3A_404 = arith.constant 16 : i32
      %parallel_loop3A_405 = arith.muli %parallel_loop3A_289, %parallel_loop3A_404 : i32
      %parallel_loop3A_406 = arith.index_cast %parallel_loop3A_405 : i32 to index
      %parallel_loop3A_407 = tpu.vector_load %arg17[%parallel_loop3A_406] {strides = array<i32>} : memref<1024xi32, #tpu.memory_space<vmem>>, vector<16xi32>,
      tpu.vector_store %arg17[%parallel_loop3A_406], %parallel_loop3A_403 {strides = array<i32>} : memref<1024xi32, #tpu.memory_space<vmem>>, vector<16xi32>,
    } {sc.loop_unroll_factor = 2 : i64, sc.parallel_access}
    "tpu.region"() ({
      %run_scoped3A = tpu.sem_alloc : memref<!tpu.dma_semaphore, #tpu.memory_space<semaphore_mem>>
      %dma_start3A_289 = arith.constant 0 : i32
      %dma_start3A_290 = tpu.memref_slice %arg20[%arg1, %dma_start3A_289] : memref<16x1024xi32, #tpu.memory_space<vmem_shared>> -> memref<1x1024xi32, #tpu.memory_space<vmem_shared>>
      %dma_start3A_291 = tpu.memref_squeeze %dma_start3A_290 : memref<1x1024xi32, #tpu.memory_space<vmem_shared>> -> memref<1024xi32, #tpu.memory_space<vmem_shared>>
      %dma_start3A_292 = arith.constant 0 : i32
      %dma_start3A_293 = tpu.memref_slice %arg20[%arg1, %dma_start3A_292] : memref<16x1024xi32, #tpu.memory_space<vmem_shared>> -> memref<1x1024xi32, #tpu.memory_space<vmem_shared>>
      %dma_start3A_294 = tpu.memref_squeeze %dma_start3A_293 : memref<1x1024xi32, #tpu.memory_space<vmem_shared>> -> memref<1024xi32, #tpu.memory_space<vmem_shared>>
      tpu.enqueue_dma source(%arg17 : memref<1024xi32, #tpu.memory_space<vmem>>) target(%dma_start3A_294 : memref<1024xi32, #tpu.memory_space<vmem_shared>>) target_semaphore(%run_scoped3A : memref<!tpu.dma_semaphore, #tpu.memory_space<semaphore_mem>>)
      %dma_wait3A_295 = arith.constant 0 : i32
      %dma_wait3A_296 = tpu.memref_slice %arg20[%arg1, %dma_wait3A_295] : memref<16x1024xi32, #tpu.memory_space<vmem_shared>> -> memref<1x1024xi32, #tpu.memory_space<vmem_shared>>
      %dma_wait3A_297 = tpu.memref_squeeze %dma_wait3A_296 : memref<1x1024xi32, #tpu.memory_space<vmem_shared>> -> memref<1024xi32, #tpu.memory_space<vmem_shared>>
      %dma_wait3A_298 = arith.constant 0 : i32
      %dma_wait3A_299 = tpu.memref_slice %arg20[%arg1, %dma_wait3A_298] : memref<16x1024xi32, #tpu.memory_space<vmem_shared>> -> memref<1x1024xi32, #tpu.memory_space<vmem_shared>>
      %dma_wait3A_300 = tpu.memref_squeeze %dma_wait3A_299 : memref<1x1024xi32, #tpu.memory_space<vmem_shared>> -> memref<1024xi32, #tpu.memory_space<vmem_shared>>
      tpu.wait_dma2 semaphore(%run_scoped3A : memref<!tpu.dma_semaphore, #tpu.memory_space<semaphore_mem>>) src(%arg17 : memref<1024xi32, #tpu.memory_space<vmem>>) dst(%dma_wait3A_300 : memref<1024xi32, #tpu.memory_space<vmem_shared>>)
      tpu.yield
    }) : () -> ()
    %barrier3A_286 = arith.constant 0 : index
    tpu.barrier barrier_id(%barrier3A_286)
    %convert_element_type3A_287 = arith.extui %eq3A_56 : i1 to i32
    %cond3A = arith.constant 0 : i32
    %cond3A_288 = arith.cmpi ne, %convert_element_type3A_287, %cond3A : i32
    scf.if %cond3A_288 {
      %add3A_289 = arith.constant 0 : i32
      %add3A_290 = arith.addi %arg1, %add3A_289 : i32
      "tpu.region"() ({
        %run_scoped3A = tpu.sem_alloc : memref<!tpu.dma_semaphore, #tpu.memory_space<semaphore_mem>>
        %dma_start3A_382 = arith.constant 0 : i32
        %dma_start3A_383 = tpu.memref_slice %arg15[%dma_start3A_382] : memref<16384xi32, #tpu.memory_space<vmem>> -> memref<1024xi32, #tpu.memory_space<vmem>>
        %dma_start3A_384 = arith.constant 0 : i32
        %dma_start3A_385 = tpu.memref_slice %arg20[%add3A_290, %dma_start3A_384] : memref<16x1024xi32, #tpu.memory_space<vmem_shared>> -> memref<1x1024xi32, #tpu.memory_space<vmem_shared>>
        %dma_start3A_386 = tpu.memref_squeeze %dma_start3A_385 : memref<1x1024xi32, #tpu.memory_space<vmem_shared>> -> memref<1024xi32, #tpu.memory_space<vmem_shared>>
        %dma_start3A_387 = arith.constant 0 : i32
        %dma_start3A_388 = tpu.memref_slice %arg15[%dma_start3A_387] : memref<16384xi32, #tpu.memory_space<vmem>> -> memref<1024xi32, #tpu.memory_space<vmem>>
        %dma_start3A_389 = arith.constant 0 : i32
        %dma_start3A_390 = tpu.memref_slice %arg20[%add3A_290, %dma_start3A_389] : memref<16x1024xi32, #tpu.memory_space<vmem_shared>> -> memref<1x1024xi32, #tpu.memory_space<vmem_shared>>
        %dma_start3A_391 = tpu.memref_squeeze %dma_start3A_390 : memref<1x1024xi32, #tpu.memory_space<vmem_shared>> -> memref<1024xi32, #tpu.memory_space<vmem_shared>>
        tpu.enqueue_dma source(%dma_start3A_391 : memref<1024xi32, #tpu.memory_space<vmem_shared>>) target(%dma_start3A_388 : memref<1024xi32, #tpu.memory_space<vmem>>) target_semaphore(%run_scoped3A : memref<!tpu.dma_semaphore, #tpu.memory_space<semaphore_mem>>)
        %dma_wait3A_392 = arith.constant 0 : i32
        %dma_wait3A_393 = tpu.memref_slice %arg15[%dma_wait3A_392] : memref<16384xi32, #tpu.memory_space<vmem>> -> memref<1024xi32, #tpu.memory_space<vmem>>
        %dma_wait3A_394 = arith.constant 0 : i32
        %dma_wait3A_395 = tpu.memref_slice %arg20[%add3A_290, %dma_wait3A_394] : memref<16x1024xi32, #tpu.memory_space<vmem_shared>> -> memref<1x1024xi32, #tpu.memory_space<vmem_shared>>
        %dma_wait3A_396 = tpu.memref_squeeze %dma_wait3A_395 : memref<1x1024xi32, #tpu.memory_space<vmem_shared>> -> memref<1024xi32, #tpu.memory_space<vmem_shared>>
        %dma_wait3A_397 = arith.constant 0 : i32
        %dma_wait3A_398 = tpu.memref_slice %arg15[%dma_wait3A_397] : memref<16384xi32, #tpu.memory_space<vmem>> -> memref<1024xi32, #tpu.memory_space<vmem>>
        %dma_wait3A_399 = arith.constant 0 : i32
        %dma_wait3A_400 = tpu.memref_slice %arg20[%add3A_290, %dma_wait3A_399] : memref<16x1024xi32, #tpu.memory_space<vmem_shared>> -> memref<1x1024xi32, #tpu.memory_space<vmem_shared>>
        %dma_wait3A_401 = tpu.memref_squeeze %dma_wait3A_400 : memref<1x1024xi32, #tpu.memory_space<vmem_shared>> -> memref<1024xi32, #tpu.memory_space<vmem_shared>>
        tpu.wait_dma2 semaphore(%run_scoped3A : memref<!tpu.dma_semaphore, #tpu.memory_space<semaphore_mem>>) src(%dma_wait3A_401 : memref<1024xi32, #tpu.memory_space<vmem_shared>>) dst(%dma_wait3A_398 : memref<1024xi32, #tpu.memory_space<vmem>>)
        tpu.yield
      }) : () -> ()
      %add3A_291 = arith.constant 1 : i32
      %add3A_292 = arith.addi %arg1, %add3A_291 : i32
      "tpu.region"() ({
        %run_scoped3A = tpu.sem_alloc : memref<!tpu.dma_semaphore, #tpu.memory_space<semaphore_mem>>
        %dma_start3A_382 = arith.constant 1024 : i32
        %dma_start3A_383 = tpu.memref_slice %arg15[%dma_start3A_382] : memref<16384xi32, #tpu.memory_space<vmem>> -> memref<1024xi32, #tpu.memory_space<vmem>>
        %dma_start3A_384 = arith.constant 0 : i32
        %dma_start3A_385 = tpu.memref_slice %arg20[%add3A_292, %dma_start3A_384] : memref<16x1024xi32, #tpu.memory_space<vmem_shared>> -> memref<1x1024xi32, #tpu.memory_space<vmem_shared>>
        %dma_start3A_386 = tpu.memref_squeeze %dma_start3A_385 : memref<1x1024xi32, #tpu.memory_space<vmem_shared>> -> memref<1024xi32, #tpu.memory_space<vmem_shared>>
        %dma_start3A_387 = arith.constant 1024 : i32
        %dma_start3A_388 = tpu.memref_slice %arg15[%dma_start3A_387] : memref<16384xi32, #tpu.memory_space<vmem>> -> memref<1024xi32, #tpu.memory_space<vmem>>
        %dma_start3A_389 = arith.constant 0 : i32
        %dma_start3A_390 = tpu.memref_slice %arg20[%add3A_292, %dma_start3A_389] : memref<16x1024xi32, #tpu.memory_space<vmem_shared>> -> memref<1x1024xi32, #tpu.memory_space<vmem_shared>>
        %dma_start3A_391 = tpu.memref_squeeze %dma_start3A_390 : memref<1x1024xi32, #tpu.memory_space<vmem_shared>> -> memref<1024xi32, #tpu.memory_space<vmem_shared>>
        tpu.enqueue_dma source(%dma_start3A_391 : memref<1024xi32, #tpu.memory_space<vmem_shared>>) target(%dma_start3A_388 : memref<1024xi32, #tpu.memory_space<vmem>>) target_semaphore(%run_scoped3A : memref<!tpu.dma_semaphore, #tpu.memory_space<semaphore_mem>>)
        %dma_wait3A_392 = arith.constant 1024 : i32
        %dma_wait3A_393 = tpu.memref_slice %arg15[%dma_wait3A_392] : memref<16384xi32, #tpu.memory_space<vmem>> -> memref<1024xi32, #tpu.memory_space<vmem>>
        %dma_wait3A_394 = arith.constant 0 : i32
        %dma_wait3A_395 = tpu.memref_slice %arg20[%add3A_292, %dma_wait3A_394] : memref<16x1024xi32, #tpu.memory_space<vmem_shared>> -> memref<1x1024xi32, #tpu.memory_space<vmem_shared>>
        %dma_wait3A_396 = tpu.memref_squeeze %dma_wait3A_395 : memref<1x1024xi32, #tpu.memory_space<vmem_shared>> -> memref<1024xi32, #tpu.memory_space<vmem_shared>>
        %dma_wait3A_397 = arith.constant 1024 : i32
        %dma_wait3A_398 = tpu.memref_slice %arg15[%dma_wait3A_397] : memref<16384xi32, #tpu.memory_space<vmem>> -> memref<1024xi32, #tpu.memory_space<vmem>>
        %dma_wait3A_399 = arith.constant 0 : i32
        %dma_wait3A_400 = tpu.memref_slice %arg20[%add3A_292, %dma_wait3A_399] : memref<16x1024xi32, #tpu.memory_space<vmem_shared>> -> memref<1x1024xi32, #tpu.memory_space<vmem_shared>>
        %dma_wait3A_401 = tpu.memref_squeeze %dma_wait3A_400 : memref<1x1024xi32, #tpu.memory_space<vmem_shared>> -> memref<1024xi32, #tpu.memory_space<vmem_shared>>
        tpu.wait_dma2 semaphore(%run_scoped3A : memref<!tpu.dma_semaphore, #tpu.memory_space<semaphore_mem>>) src(%dma_wait3A_401 : memref<1024xi32, #tpu.memory_space<vmem_shared>>) dst(%dma_wait3A_398 : memref<1024xi32, #tpu.memory_space<vmem>>)
        tpu.yield
      }) : () -> ()
      %add3A_293 = arith.constant 2 : i32
      %add3A_294 = arith.addi %arg1, %add3A_293 : i32
      "tpu.region"() ({
        %run_scoped3A = tpu.sem_alloc : memref<!tpu.dma_semaphore, #tpu.memory_space<semaphore_mem>>
        %dma_start3A_382 = arith.constant 2048 : i32
        %dma_start3A_383 = tpu.memref_slice %arg15[%dma_start3A_382] : memref<16384xi32, #tpu.memory_space<vmem>> -> memref<1024xi32, #tpu.memory_space<vmem>>
        %dma_start3A_384 = arith.constant 0 : i32
        %dma_start3A_385 = tpu.memref_slice %arg20[%add3A_294, %dma_start3A_384] : memref<16x1024xi32, #tpu.memory_space<vmem_shared>> -> memref<1x1024xi32, #tpu.memory_space<vmem_shared>>
        %dma_start3A_386 = tpu.memref_squeeze %dma_start3A_385 : memref<1x1024xi32, #tpu.memory_space<vmem_shared>> -> memref<1024xi32, #tpu.memory_space<vmem_shared>>
        %dma_start3A_387 = arith.constant 2048 : i32
        %dma_start3A_388 = tpu.memref_slice %arg15[%dma_start3A_387] : memref<16384xi32, #tpu.memory_space<vmem>> -> memref<1024xi32, #tpu.memory_space<vmem>>
        %dma_start3A_389 = arith.constant 0 : i32
        %dma_start3A_390 = tpu.memref_slice %arg20[%add3A_294, %dma_start3A_389] : memref<16x1024xi32, #tpu.memory_space<vmem_shared>> -> memref<1x1024xi32, #tpu.memory_space<vmem_shared>>
        %dma_start3A_391 = tpu.memref_squeeze %dma_start3A_390 : memref<1x1024xi32, #tpu.memory_space<vmem_shared>> -> memref<1024xi32, #tpu.memory_space<vmem_shared>>
        tpu.enqueue_dma source(%dma_start3A_391 : memref<1024xi32, #tpu.memory_space<vmem_shared>>) target(%dma_start3A_388 : memref<1024xi32, #tpu.memory_space<vmem>>) target_semaphore(%run_scoped3A : memref<!tpu.dma_semaphore, #tpu.memory_space<semaphore_mem>>)
        %dma_wait3A_392 = arith.constant 2048 : i32
        %dma_wait3A_393 = tpu.memref_slice %arg15[%dma_wait3A_392] : memref<16384xi32, #tpu.memory_space<vmem>> -> memref<1024xi32, #tpu.memory_space<vmem>>
        %dma_wait3A_394 = arith.constant 0 : i32
        %dma_wait3A_395 = tpu.memref_slice %arg20[%add3A_294, %dma_wait3A_394] : memref<16x1024xi32, #tpu.memory_space<vmem_shared>> -> memref<1x1024xi32, #tpu.memory_space<vmem_shared>>
        %dma_wait3A_396 = tpu.memref_squeeze %dma_wait3A_395 : memref<1x1024xi32, #tpu.memory_space<vmem_shared>> -> memref<1024xi32, #tpu.memory_space<vmem_shared>>
        %dma_wait3A_397 = arith.constant 2048 : i32
        %dma_wait3A_398 = tpu.memref_slice %arg15[%dma_wait3A_397] : memref<16384xi32, #tpu.memory_space<vmem>> -> memref<1024xi32, #tpu.memory_space<vmem>>
        %dma_wait3A_399 = arith.constant 0 : i32
        %dma_wait3A_400 = tpu.memref_slice %arg20[%add3A_294, %dma_wait3A_399] : memref<16x1024xi32, #tpu.memory_space<vmem_shared>> -> memref<1x1024xi32, #tpu.memory_space<vmem_shared>>
        %dma_wait3A_401 = tpu.memref_squeeze %dma_wait3A_400 : memref<1x1024xi32, #tpu.memory_space<vmem_shared>> -> memref<1024xi32, #tpu.memory_space<vmem_shared>>
        tpu.wait_dma2 semaphore(%run_scoped3A : memref<!tpu.dma_semaphore, #tpu.memory_space<semaphore_mem>>) src(%dma_wait3A_401 : memref<1024xi32, #tpu.memory_space<vmem_shared>>) dst(%dma_wait3A_398 : memref<1024xi32, #tpu.memory_space<vmem>>)
        tpu.yield
      }) : () -> ()
      %add3A_295 = arith.constant 3 : i32
      %add3A_296 = arith.addi %arg1, %add3A_295 : i32
      "tpu.region"() ({
        %run_scoped3A = tpu.sem_alloc : memref<!tpu.dma_semaphore, #tpu.memory_space<semaphore_mem>>
        %dma_start3A_382 = arith.constant 3072 : i32
        %dma_start3A_383 = tpu.memref_slice %arg15[%dma_start3A_382] : memref<16384xi32, #tpu.memory_space<vmem>> -> memref<1024xi32, #tpu.memory_space<vmem>>
        %dma_start3A_384 = arith.constant 0 : i32
        %dma_start3A_385 = tpu.memref_slice %arg20[%add3A_296, %dma_start3A_384] : memref<16x1024xi32, #tpu.memory_space<vmem_shared>> -> memref<1x1024xi32, #tpu.memory_space<vmem_shared>>
        %dma_start3A_386 = tpu.memref_squeeze %dma_start3A_385 : memref<1x1024xi32, #tpu.memory_space<vmem_shared>> -> memref<1024xi32, #tpu.memory_space<vmem_shared>>
        %dma_start3A_387 = arith.constant 3072 : i32
        %dma_start3A_388 = tpu.memref_slice %arg15[%dma_start3A_387] : memref<16384xi32, #tpu.memory_space<vmem>> -> memref<1024xi32, #tpu.memory_space<vmem>>
        %dma_start3A_389 = arith.constant 0 : i32
        %dma_start3A_390 = tpu.memref_slice %arg20[%add3A_296, %dma_start3A_389] : memref<16x1024xi32, #tpu.memory_space<vmem_shared>> -> memref<1x1024xi32, #tpu.memory_space<vmem_shared>>
        %dma_start3A_391 = tpu.memref_squeeze %dma_start3A_390 : memref<1x1024xi32, #tpu.memory_space<vmem_shared>> -> memref<1024xi32, #tpu.memory_space<vmem_shared>>
        tpu.enqueue_dma source(%dma_start3A_391 : memref<1024xi32, #tpu.memory_space<vmem_shared>>) target(%dma_start3A_388 : memref<1024xi32, #tpu.memory_space<vmem>>) target_semaphore(%run_scoped3A : memref<!tpu.dma_semaphore, #tpu.memory_space<semaphore_mem>>)
        %dma_wait3A_392 = arith.constant 3072 : i32
        %dma_wait3A_393 = tpu.memref_slice %arg15[%dma_wait3A_392] : memref<16384xi32, #tpu.memory_space<vmem>> -> memref<1024xi32, #tpu.memory_space<vmem>>
        %dma_wait3A_394 = arith.constant 0 : i32
        %dma_wait3A_395 = tpu.memref_slice %arg20[%add3A_296, %dma_wait3A_394] : memref<16x1024xi32, #tpu.memory_space<vmem_shared>> -> memref<1x1024xi32, #tpu.memory_space<vmem_shared>>
        %dma_wait3A_396 = tpu.memref_squeeze %dma_wait3A_395 : memref<1x1024xi32, #tpu.memory_space<vmem_shared>> -> memref<1024xi32, #tpu.memory_space<vmem_shared>>
        %dma_wait3A_397 = arith.constant 3072 : i32
        %dma_wait3A_398 = tpu.memref_slice %arg15[%dma_wait3A_397] : memref<16384xi32, #tpu.memory_space<vmem>> -> memref<1024xi32, #tpu.memory_space<vmem>>
        %dma_wait3A_399 = arith.constant 0 : i32
        %dma_wait3A_400 = tpu.memref_slice %arg20[%add3A_296, %dma_wait3A_399] : memref<16x1024xi32, #tpu.memory_space<vmem_shared>> -> memref<1x1024xi32, #tpu.memory_space<vmem_shared>>
        %dma_wait3A_401 = tpu.memref_squeeze %dma_wait3A_400 : memref<1x1024xi32, #tpu.memory_space<vmem_shared>> -> memref<1024xi32, #tpu.memory_space<vmem_shared>>
        tpu.wait_dma2 semaphore(%run_scoped3A : memref<!tpu.dma_semaphore, #tpu.memory_space<semaphore_mem>>) src(%dma_wait3A_401 : memref<1024xi32, #tpu.memory_space<vmem_shared>>) dst(%dma_wait3A_398 : memref<1024xi32, #tpu.memory_space<vmem>>)
        tpu.yield
      }) : () -> ()
      %parallel_loop3A_297 = arith.constant 0 : i32
      %parallel_loop3A_298 = arith.constant 64 : i32
      %parallel_loop3A_299 = arith.constant 1 : i32
      scf.for %parallel_loop3A_382 = %parallel_loop3A_297 to %parallel_loop3A_298 step %parallel_loop3A_299  : i32 {
        %parallel_loop3A_383 = arith.constant 0 : i32
        %parallel_loop3A_384 = vector.broadcast %parallel_loop3A_383 : i32 to vector<16xi32>
        %parallel_loop3A_385 = arith.constant 16 : i32
        %parallel_loop3A_386 = arith.muli %parallel_loop3A_382, %parallel_loop3A_385 : i32
        %parallel_loop3A_387 = arith.constant 0 : i32
        %parallel_loop3A_388 = arith.addi %parallel_loop3A_387, %parallel_loop3A_386 : i32
        %parallel_loop3A_389 = arith.index_cast %parallel_loop3A_388 : i32 to index
        %parallel_loop3A_390 = tpu.vector_load %arg15[%parallel_loop3A_389] {strides = array<i32>} : memref<16384xi32, #tpu.memory_space<vmem>>, vector<16xi32>,
        %parallel_loop3A_391 = arith.addi %parallel_loop3A_384, %parallel_loop3A_390 : vector<16xi32>
        %parallel_loop3A_392 = arith.constant 16 : i32
        %parallel_loop3A_393 = arith.muli %parallel_loop3A_382, %parallel_loop3A_392 : i32
        %parallel_loop3A_394 = arith.constant 1024 : i32
        %parallel_loop3A_395 = arith.addi %parallel_loop3A_394, %parallel_loop3A_393 : i32
        %parallel_loop3A_396 = arith.index_cast %parallel_loop3A_395 : i32 to index
        %parallel_loop3A_397 = tpu.vector_load %arg15[%parallel_loop3A_396] {strides = array<i32>} : memref<16384xi32, #tpu.memory_space<vmem>>, vector<16xi32>,
        %parallel_loop3A_398 = arith.addi %parallel_loop3A_391, %parallel_loop3A_397 : vector<16xi32>
        %parallel_loop3A_399 = arith.constant 16 : i32
        %parallel_loop3A_400 = arith.muli %parallel_loop3A_382, %parallel_loop3A_399 : i32
        %parallel_loop3A_401 = arith.constant 2048 : i32
        %parallel_loop3A_402 = arith.addi %parallel_loop3A_401, %parallel_loop3A_400 : i32
        %parallel_loop3A_403 = arith.index_cast %parallel_loop3A_402 : i32 to index
        %parallel_loop3A_404 = tpu.vector_load %arg15[%parallel_loop3A_403] {strides = array<i32>} : memref<16384xi32, #tpu.memory_space<vmem>>, vector<16xi32>,
        %parallel_loop3A_405 = arith.addi %parallel_loop3A_398, %parallel_loop3A_404 : vector<16xi32>
        %parallel_loop3A_406 = arith.constant 16 : i32
        %parallel_loop3A_407 = arith.muli %parallel_loop3A_382, %parallel_loop3A_406 : i32
        %parallel_loop3A_408 = arith.constant 3072 : i32
        %parallel_loop3A_409 = arith.addi %parallel_loop3A_408, %parallel_loop3A_407 : i32
        %parallel_loop3A_410 = arith.index_cast %parallel_loop3A_409 : i32 to index
        %parallel_loop3A_411 = tpu.vector_load %arg15[%parallel_loop3A_410] {strides = array<i32>} : memref<16384xi32, #tpu.memory_space<vmem>>, vector<16xi32>,
        %parallel_loop3A_412 = arith.addi %parallel_loop3A_405, %parallel_loop3A_411 : vector<16xi32>
        %parallel_loop3A_413 = arith.constant 16 : i32
        %parallel_loop3A_414 = arith.muli %parallel_loop3A_382, %parallel_loop3A_413 : i32
        %parallel_loop3A_415 = arith.index_cast %parallel_loop3A_414 : i32 to index
        %parallel_loop3A_416 = tpu.vector_load %arg17[%parallel_loop3A_415] {strides = array<i32>} : memref<1024xi32, #tpu.memory_space<vmem>>, vector<16xi32>,
        tpu.vector_store %arg17[%parallel_loop3A_415], %parallel_loop3A_412 {strides = array<i32>} : memref<1024xi32, #tpu.memory_space<vmem>>, vector<16xi32>,
      } {sc.loop_unroll_factor = 4 : i64, sc.parallel_access}
      %sub3A_300 = arith.subi %reduce_sum3A_247, %reduce_sum3A_266 : i32
      %iota3A_301 = tpu.iota {dimensions = array<i32: 0>} : vector<16xi32>
      %shift_left3A = arith.constant 21 : i32
      %shift_left3A_302 = arith.shli %reduce_sum3A_262, %shift_left3A : i32
      %add3A_303 = arith.constant 1024 : i32
      %add3A_304 = arith.addi %shift_left3A_302, %add3A_303 : i32
      %broadcast_in_dim3A_305 = arith.constant 0 : i32
      %broadcast_in_dim3A_306 = vector.broadcast %broadcast_in_dim3A_305 : i32 to vector<16xi32>
      %broadcast_in_dim3A_307 = arith.constant 0.000000e+00 : f32
      %broadcast_in_dim3A_308 = vector.broadcast %broadcast_in_dim3A_307 : f32 to vector<16xf32>
      %scan3A_309 = arith.constant 0 : i32
      %scan3A_310 = arith.constant 0 : i32
      %scan3A_311 = arith.constant 64 : i32
      %scan3A_312 = arith.addi %scan3A_310, %scan3A_311 : i32
      %scan3A_313 = arith.constant 1 : i32
      %scan3A_314:4 = scf.for %scan3A_382 = %scan3A_310 to %scan3A_312 step %scan3A_313 iter_args(%scan3A_383 = %scan3A_309, %scan3A_384 = %broadcast_in_dim3A_306, %scan3A_385 = %broadcast_in_dim3A_306, %scan3A_386 = %broadcast_in_dim3A_308) -> (i32, vector<16xi32>, vector<16xi32>, vector<16xf32>)  : i32 {
        %mul3A_387 = arith.constant 16 : i32
        %mul3A_388 = arith.muli %scan3A_382, %mul3A_387 : i32
        %get3A = arith.index_cast %mul3A_388 : i32 to index
        %get3A_389 = tpu.vector_load %arg17[%get3A] {strides = array<i32>} : memref<1024xi32, #tpu.memory_space<vmem>>, vector<16xi32>,
        %mul3A_390 = arith.constant 16 : i32
        %mul3A_391 = arith.muli %scan3A_382, %mul3A_390 : i32
        %add3A_392 = vector.broadcast %mul3A_391 : i32 to vector<16xi32>
        %add3A_393 = arith.addi %add3A_392, %iota3A_301 : vector<16xi32>
        %shift_left3A_394 = arith.constant 11 : i32
        %shift_left3A_395 = vector.broadcast %shift_left3A_394 : i32 to vector<16xi32>
        %shift_left3A_396 = arith.shli %add3A_393, %shift_left3A_395 : vector<16xi32>
        %add3A_397 = vector.broadcast %add3A_304 : i32 to vector<16xi32>
        %add3A_398 = arith.addi %add3A_397, %shift_left3A_396 : vector<16xi32>
        %bitcast_convert_type3A_399 = tpu.bitcast %add3A_398 : vector<16xi32> -> vector<16xf32>
        %broadcast_in_dim3A_400 = arith.constant true
        %broadcast_in_dim3A_401 = vector.broadcast %broadcast_in_dim3A_400 : i1 to vector<16xi1>
        %masked_cumsum3A = tpu.scan <sum>, %get3A_389 masked %broadcast_in_dim3A_401 : vector<16xi32>, vector<16xi1> -> vector<16xi32>
        %add3A_402 = vector.broadcast %scan3A_383 : i32 to vector<16xi32>
        %add3A_403 = arith.addi %masked_cumsum3A, %add3A_402 : vector<16xi32>
        %lt3A_404 = vector.broadcast %sub3A_300 : i32 to vector<16xi32>
        %lt3A_405 = arith.cmpi slt, %add3A_403, %lt3A_404 : vector<16xi32>
        %jit3A_406 = arith.constant 1 : i32
        %jit3A_407 = arith.constant 0 : i32
        %broadcast_in_dim3A_408 = vector.broadcast %jit3A_406 : i32 to vector<16xi32>
        %broadcast_in_dim3A_409 = vector.broadcast %jit3A_407 : i32 to vector<16xi32>
        %select_n3A_410 = arith.select %lt3A_405, %broadcast_in_dim3A_408, %broadcast_in_dim3A_409 : vector<16xi1>, vector<16xi32>
        %add3A_411 = arith.addi %scan3A_384, %select_n3A_410 : vector<16xi32>
        %jit3A_412 = arith.constant 0 : i32
        %broadcast_in_dim3A_413 = vector.broadcast %jit3A_412 : i32 to vector<16xi32>
        %select_n3A_414 = arith.select %lt3A_405, %get3A_389, %broadcast_in_dim3A_413 : vector<16xi1>, vector<16xi32>
        %add3A_415 = arith.addi %scan3A_385, %select_n3A_414 : vector<16xi32>
        %convert_element_type3A_416 = arith.sitofp %get3A_389 : vector<16xi32> to vector<16xf32>
        %mul3A_417 = arith.mulf %convert_element_type3A_416, %bitcast_convert_type3A_399 : vector<16xf32>
        %jit3A_418 = arith.constant 0.000000e+00 : f32
        %broadcast_in_dim3A_419 = vector.broadcast %jit3A_418 : f32 to vector<16xf32>
        %select_n3A_420 = arith.select %lt3A_405, %mul3A_417, %broadcast_in_dim3A_419 : vector<16xi1>, vector<16xf32>
        %add3A_421 = arith.addf %scan3A_386, %select_n3A_420 : vector<16xf32>
        %reduce_sum3A_422 = arith.constant true
        %reduce_sum3A_423 = vector.broadcast %reduce_sum3A_422 : i1 to vector<16xi1>
        %reduce_sum3A_424 = tpu.scan <sum>, %get3A_389 masked %reduce_sum3A_423 : vector<16xi32>, vector<16xi1> -> vector<16xi32>
        %reduce_sum3A_425 = vector.extract %reduce_sum3A_424[15] : i32 from vector<16xi32>
        %add3A_426 = arith.addi %scan3A_383, %reduce_sum3A_425 : i32
        scf.yield %add3A_426, %add3A_411, %add3A_415, %add3A_421 : i32, vector<16xi32>, vector<16xi32>, vector<16xf32>
      }
      %scan3A_315 = arith.constant 64 : i32
      %reduce_sum3A_316 = arith.constant true
      %reduce_sum3A_317 = vector.broadcast %reduce_sum3A_316 : i1 to vector<16xi1>
      %reduce_sum3A_318 = tpu.scan <sum>, %scan3A_314#1 masked %reduce_sum3A_317 : vector<16xi32>, vector<16xi1> -> vector<16xi32>
      %reduce_sum3A_319 = vector.extract %reduce_sum3A_318[15] : i32 from vector<16xi32>
      %reduce_sum3A_320 = arith.constant true
      %reduce_sum3A_321 = vector.broadcast %reduce_sum3A_320 : i1 to vector<16xi1>
      %reduce_sum3A_322 = tpu.scan <sum>, %scan3A_314#2 masked %reduce_sum3A_321 : vector<16xi32>, vector<16xi1> -> vector<16xi32>
      %reduce_sum3A_323 = vector.extract %reduce_sum3A_322[15] : i32 from vector<16xi32>
      %reduce_sum3A_324 = arith.constant true
      %reduce_sum3A_325 = vector.broadcast %reduce_sum3A_324 : i1 to vector<16xi1>
      %reduce_sum3A_326 = tpu.scan <sum>, %scan3A_314#3 masked %reduce_sum3A_325 : vector<16xf32>, vector<16xi1> -> vector<16xf32>
      %reduce_sum3A_327 = vector.extract %reduce_sum3A_326[15] : f32 from vector<16xf32>
      %sub3A_328 = arith.subi %sub3A_300, %reduce_sum3A_323 : i32
      %shift_left3A_329 = arith.constant 21 : i32
      %shift_left3A_330 = arith.shli %reduce_sum3A_262, %shift_left3A_329 : i32
      %add3A_331 = arith.constant 1024 : i32
      %add3A_332 = arith.addi %shift_left3A_330, %add3A_331 : i32
      %shift_left3A_333 = arith.constant 11 : i32
      %shift_left3A_334 = arith.shli %reduce_sum3A_319, %shift_left3A_333 : i32
      %add3A_335 = arith.addi %add3A_332, %shift_left3A_334 : i32
      %broadcast_in_dim3A_336 = vector.broadcast %add3A_335 : i32 to vector<16xi32>
      %bitcast_convert_type3A = tpu.bitcast %broadcast_in_dim3A_336 : vector<16xi32> -> vector<16xf32>
      %iota3A_337 = tpu.iota {dimensions = array<i32: 0>} : vector<16xi32>
      %eq3A_338 = arith.constant 0 : i32
      %eq3A_339 = vector.broadcast %eq3A_338 : i32 to vector<16xi32>
      %eq3A_340 = arith.cmpi eq, %iota3A_337, %eq3A_339 : vector<16xi32>
      %broadcast_in_dim3A_341 = arith.constant 0.000000e+00 : f32
      %broadcast_in_dim3A_342 = vector.broadcast %broadcast_in_dim3A_341 : f32 to vector<16xf32>
      %select_n3A_343 = arith.select %eq3A_340, %bitcast_convert_type3A, %broadcast_in_dim3A_342 : vector<16xi1>, vector<16xf32>
      %reduce_sum3A_344 = arith.constant true
      %reduce_sum3A_345 = vector.broadcast %reduce_sum3A_344 : i1 to vector<16xi1>
      %reduce_sum3A_346 = tpu.scan <sum>, %select_n3A_343 masked %reduce_sum3A_345 : vector<16xf32>, vector<16xi1> -> vector<16xf32>
      %reduce_sum3A_347 = vector.extract %reduce_sum3A_346[15] : f32 from vector<16xf32>
      %broadcast_in_dim3A_348 = arith.constant 0 : i32
      %broadcast_in_dim3A_349 = vector.broadcast %broadcast_in_dim3A_348 : i32 to vector<16xi32>
      %iota3A_350 = tpu.iota {dimensions = array<i32: 0>} : vector<16xi32>
      %eq3A_351 = arith.constant 2 : i32
      %eq3A_352 = vector.broadcast %eq3A_351 : i32 to vector<16xi32>
      %eq3A_353 = arith.cmpi eq, %iota3A_350, %eq3A_352 : vector<16xi32>
      %broadcast_in_dim3A_354 = vector.broadcast %sub3A_328 : i32 to vector<16xi32>
      %select_n3A_355 = arith.select %eq3A_353, %broadcast_in_dim3A_354, %broadcast_in_dim3A_349 : vector<16xi1>, vector<16xi32>
      %iota3A_356 = tpu.iota {dimensions = array<i32: 0>} : vector<16xi32>
      %eq3A_357 = arith.constant 5 : i32
      %eq3A_358 = vector.broadcast %eq3A_357 : i32 to vector<16xi32>
      %eq3A_359 = arith.cmpi eq, %iota3A_356, %eq3A_358 : vector<16xi32>
      %broadcast_in_dim3A_360 = vector.broadcast %scan3A_231 : i32 to vector<16xi32>
      %select_n3A_361 = arith.select %eq3A_359, %broadcast_in_dim3A_360, %select_n3A_355 : vector<16xi1>, vector<16xi32>
      %convert_element_type3A_362 = arith.sitofp %select_n3A_361 : vector<16xi32> to vector<16xf32>
      %iota3A_363 = tpu.iota {dimensions = array<i32: 0>} : vector<16xi32>
      %eq3A_364 = arith.constant 0 : i32
      %eq3A_365 = vector.broadcast %eq3A_364 : i32 to vector<16xi32>
      %eq3A_366 = arith.cmpi eq, %iota3A_363, %eq3A_365 : vector<16xi32>
      %broadcast_in_dim3A_367 = vector.broadcast %reduce_sum3A_270 : f32 to vector<16xf32>
      %select_n3A_368 = arith.select %eq3A_366, %broadcast_in_dim3A_367, %convert_element_type3A_362 : vector<16xi1>, vector<16xf32>
      %iota3A_369 = tpu.iota {dimensions = array<i32: 0>} : vector<16xi32>
      %eq3A_370 = arith.constant 1 : i32
      %eq3A_371 = vector.broadcast %eq3A_370 : i32 to vector<16xi32>
      %eq3A_372 = arith.cmpi eq, %iota3A_369, %eq3A_371 : vector<16xi32>
      %broadcast_in_dim3A_373 = vector.broadcast %reduce_sum3A_327 : f32 to vector<16xf32>
      %select_n3A_374 = arith.select %eq3A_372, %broadcast_in_dim3A_373, %select_n3A_368 : vector<16xi1>, vector<16xf32>
      %iota3A_375 = tpu.iota {dimensions = array<i32: 0>} : vector<16xi32>
      %eq3A_376 = arith.constant 4 : i32
      %eq3A_377 = vector.broadcast %eq3A_376 : i32 to vector<16xi32>
      %eq3A_378 = arith.cmpi eq, %iota3A_375, %eq3A_377 : vector<16xi32>
      %broadcast_in_dim3A_379 = vector.broadcast %reduce_sum3A_347 : f32 to vector<16xf32>
      %select_n3A_380 = arith.select %eq3A_378, %broadcast_in_dim3A_379, %select_n3A_374 : vector<16xi1>, vector<16xf32>
      %swap3A = arith.constant 0 : index
      %swap3A_381 = tpu.vector_load %arg19[%swap3A] {strides = array<i32>} : memref<16xf32, #tpu.memory_space<vmem>>, vector<16xf32>,
      tpu.vector_store %arg19[%swap3A], %select_n3A_380 {strides = array<i32>} : memref<16xf32, #tpu.memory_space<vmem>>, vector<16xf32>,
      "tpu.region"() ({
        %run_scoped3A = tpu.sem_alloc : memref<!tpu.dma_semaphore, #tpu.memory_space<semaphore_mem>>
        %dma_start3A_382 = arith.constant 0 : i32
        %dma_start3A_383 = tpu.memref_slice %arg5[%add3A, %dma_start3A_382] : memref<8x16xf32, #tpu.memory_space<hbm>> -> memref<1x16xf32, #tpu.memory_space<hbm>>
        %dma_start3A_384 = tpu.memref_squeeze %dma_start3A_383 : memref<1x16xf32, #tpu.memory_space<hbm>> -> memref<16xf32, #tpu.memory_space<hbm>>
        %dma_start3A_385 = arith.constant 0 : i32
        %dma_start3A_386 = tpu.memref_slice %arg5[%add3A, %dma_start3A_385] : memref<8x16xf32, #tpu.memory_space<hbm>> -> memref<1x16xf32, #tpu.memory_space<hbm>>
        %dma_start3A_387 = tpu.memref_squeeze %dma_start3A_386 : memref<1x16xf32, #tpu.memory_space<hbm>> -> memref<16xf32, #tpu.memory_space<hbm>>
        tpu.enqueue_dma source(%arg19 : memref<16xf32, #tpu.memory_space<vmem>>) target(%dma_start3A_387 : memref<16xf32, #tpu.memory_space<hbm>>) target_semaphore(%run_scoped3A : memref<!tpu.dma_semaphore, #tpu.memory_space<semaphore_mem>>)
        %dma_wait3A_388 = arith.constant 0 : i32
        %dma_wait3A_389 = tpu.memref_slice %arg5[%add3A, %dma_wait3A_388] : memref<8x16xf32, #tpu.memory_space<hbm>> -> memref<1x16xf32, #tpu.memory_space<hbm>>
        %dma_wait3A_390 = tpu.memref_squeeze %dma_wait3A_389 : memref<1x16xf32, #tpu.memory_space<hbm>> -> memref<16xf32, #tpu.memory_space<hbm>>
        %dma_wait3A_391 = arith.constant 0 : i32
        %dma_wait3A_392 = tpu.memref_slice %arg5[%add3A, %dma_wait3A_391] : memref<8x16xf32, #tpu.memory_space<hbm>> -> memref<1x16xf32, #tpu.memory_space<hbm>>
        %dma_wait3A_393 = tpu.memref_squeeze %dma_wait3A_392 : memref<1x16xf32, #tpu.memory_space<hbm>> -> memref<16xf32, #tpu.memory_space<hbm>>
        tpu.wait_dma2 semaphore(%run_scoped3A : memref<!tpu.dma_semaphore, #tpu.memory_space<semaphore_mem>>) src(%arg19 : memref<16xf32, #tpu.memory_space<vmem>>) dst(%dma_wait3A_393 : memref<16xf32, #tpu.memory_space<hbm>>)
        tpu.yield
      }) : () -> ()
    } else {
    }
    return
  }
}

module attributes {stable_mosaic.version = 14 : i64} {
  func.func @_finalize_kernel(%arg0: memref<8x16xf32, #tpu.memory_space<vmem>>, %arg1: memref<1x1xf32, #tpu.memory_space<vmem>>) attributes {dimension_semantics = [], scalar_prefetch = 0 : i64, scratch_operands = 0 : i64, tpu.core_type = #tpu.core_type<tc>} {
    %get3A = arith.constant 0 : index
    %get3A_0 = arith.constant 0 : index
    %get3A_1 = vector.load %arg0[%get3A, %get3A_0] : memref<8x16xf32, #tpu.memory_space<vmem>>, vector<8x16xf32>
    %slice3A = vector.extract_strided_slice %get3A_1 {offsets = [0, 0], sizes = [8, 1], strides = [1, 1]} : vector<8x16xf32> to vector<8x1xf32>
    %slice3A_2 = vector.extract_strided_slice %get3A_1 {offsets = [0, 1], sizes = [8, 1], strides = [1, 1]} : vector<8x16xf32> to vector<8x1xf32>
    %slice3A_3 = vector.extract_strided_slice %get3A_1 {offsets = [0, 2], sizes = [8, 1], strides = [1, 1]} : vector<8x16xf32> to vector<8x1xf32>
    %slice3A_4 = vector.extract_strided_slice %get3A_1 {offsets = [0, 4], sizes = [8, 1], strides = [1, 1]} : vector<8x16xf32> to vector<8x1xf32>
    %slice3A_5 = vector.extract_strided_slice %get3A_1 {offsets = [0, 5], sizes = [8, 1], strides = [1, 1]} : vector<8x16xf32> to vector<8x1xf32>
    %add3A = arith.addf %slice3A, %slice3A_2 : vector<8x1xf32>
    %mul3A = arith.mulf %slice3A_3, %slice3A_4 : vector<8x1xf32>
    %add3A_6 = arith.addf %add3A, %mul3A : vector<8x1xf32>
    %reduce_sum3A = arith.constant dense<0.000000e+00> : vector<1xf32>
    %reduce_sum3A_7 = vector.multi_reduction <add>, %add3A_6, %reduce_sum3A [0] : vector<8x1xf32> to vector<1xf32>
    %broadcast_in_dim3A = vector.shape_cast %reduce_sum3A_7 : vector<1xf32> to vector<1x1xf32>
    %mul3A_8 = arith.constant 8.000000e-01 : f32
    %mul3A_9 = vector.broadcast %mul3A_8 : f32 to vector<8x1xf32>
    %mul3A_10 = arith.mulf %slice3A_5, %mul3A_9 : vector<8x1xf32>
    %reduce_sum3A_11 = arith.constant dense<0.000000e+00> : vector<1xf32>
    %reduce_sum3A_12 = vector.multi_reduction <add>, %mul3A_10, %reduce_sum3A_11 [0] : vector<8x1xf32> to vector<1xf32>
    %broadcast_in_dim3A_13 = vector.shape_cast %reduce_sum3A_12 : vector<1xf32> to vector<1x1xf32>
    %eq3A = arith.constant 0.000000e+00 : f32
    %eq3A_14 = vector.broadcast %eq3A : f32 to vector<1x1xf32>
    %eq3A_15 = arith.cmpf oeq, %broadcast_in_dim3A_13, %eq3A_14 : vector<1x1xf32>
    %max3A = arith.constant 9.99999996E-13 : f32
    %max3A_16 = vector.broadcast %max3A : f32 to vector<1x1xf32>
    %max3A_17 = arith.maximumf %broadcast_in_dim3A_13, %max3A_16 : vector<1x1xf32>
    %div3A = arith.divf %broadcast_in_dim3A, %max3A_17 : vector<1x1xf32>
    %jit3A = arith.constant 0.000000e+00 : f32
    %broadcast_in_dim3A_18 = vector.broadcast %jit3A : f32 to vector<1x1xf32>
    %select_n3A = arith.select %eq3A_15, %broadcast_in_dim3A_18, %div3A : vector<1x1xi1>, vector<1x1xf32>
    %swap3A = arith.constant 0 : index
    %swap3A_19 = arith.constant 0 : index
    %swap3A_20 = vector.load %arg1[%swap3A, %swap3A_19] : memref<1x1xf32, #tpu.memory_space<vmem>>, vector<1x1xf32>
    tpu.vector_store %arg1[%swap3A, %swap3A_19], %select_n3A {strides = array<i32>} : memref<1x1xf32, #tpu.memory_space<vmem>>, vector<1x1xf32>,
    return
  }
}

</mosaic_0001>

<sc_bundles>
// kernel: kernel.4.cloned.1.call-start
scs
__scs_entry_jumppad:
0x0: {  	(pc) =	sbr.rel $0x88, $3  }
0x1: {  	(tag) =	ssettag $0x0;
	lr =	simm.s32 $0x1  }
0x2: {  	[smem:$0x3F9E] =	sst lr;
	_ =	strace $0xD0000000  }
0x3: {  	_ = 	snop  }
0x4: {  	_ = 	snop  }
0x5: {  	_ = 	snop  }
0x6: {  	_ = 	snop  }
0x7: {  	_ = 	snop  }
__scs_overlays_trampoline_lowered:
0x8: {  	[smem:$0x3FAD] =	sst s0  }
0x9: {  	[smem:$0x3FAE] =	sst s1  }
0xa: {  	[smem:$0x3FAF] =	sst s2  }
0xb: {  	[smem:$0x3FB0] =	sst s3  }
0xc: {  	[smem:$0x3FB1] =	sst s4  }
0xd: {  	[smem:$0x3FB2] =	sst s5  }
0xe: {  	[smem:$0x3FB3] =	sst s6  }
0xf: {  	[smem:$0x3FB4] =	sst s7  }
0x10: {  	[smem:$0x3FB5] =	sst s8  }
0x11: {  	[smem:$0x3FB6] =	sst s9;
	s0 =	simm.s32 @!p0 $0x0  }
0x12: {  	s1 =	sld [smem:$0x3F9C];
	s0 =	simm.s32 @p0 $0x1  }
0x13: {  	[smem:$0x3FB7] =	sst s0;
	s0 =	simm.s32 @!p1 $0x0  }
0x14: {  	s2 =	sld [smem:$0x3F9B];
	s0 =	simm.s32 @p1 $0x1  }
0x15: {  	[smem:$0x3FB8] =	sst s0;
	s0 =	simm.s32 @!p2 $0x0  }
0x16: {  	s3 =	sld [smem:$0x3FDB];
	s0 =	simm.s32 @p2 $0x1  }
0x17: {  	s4 =	simm.s32 $0x1BF5;
	[smem:$0x3FBA] =	sst s0  }
0x18: {  	s0 =	sld [smem:$0x3F9D];
	_ =	swait.ge [sflag:s4], $0x0  }
0x19: {  	s7 =	sld [smem:$0x3F9E]  }
0x1a: {  	s8 =	sadd.s32 $0xFFFFE003, lr  }
0x1b: {  	s9 =	sadd.s32 $0xFFFFFEF7, lr;
	s5 =	simm.s32 $0xFFFFFFFF;
	p2 =	slt.u32 s8, $0xFFFFF086  }
0x1c: {  	p1 =	slt.u32 s9, $0xF7A;
	s5 =	simm.s32 @!p2 $0x0  }
0x1d: {  	s5 =	simm.s32 @p1 $0x1;
	p0 =	seq.s32 s7, s2  }
0x1e: {  	s7 =	smul.u32 @!p0 $0xF7A, s2;
	p2 =	seq.s32 @!p0 s5, $0x0  }
0x1f: {  	s9 =	smul.u32 $0xF7A, s1;
	s8 =	simm.s32 @!p0 $0x1BF5;
	p2 =	por !p2, p0  }
0x20: {  	[sflag:s8] =	ssyncset.s32 @!p0 $0xFFFFF086;
	s6 =	sadd.s32 @!p0 s3, s7;
	s7 =	simm.s32 @!p0 $0x108  }
0x21: {  	s3 =	sadd.s32 s3, s9;
	s6 =	sadd.s32 @!p0 $0x88, s6;
	s7 =	simm.s32 @p2 $0x1082  }
0x22: {  	[simem:s7], [sflag:s8] =	dma.local @!p0 [hbm:s6], $0xF7A  }
0x23: {  	s9 =	sor.u32 $0xD0000000, s2;
	s6 =	simm.s32 $0x108;
	_ =	swait.ge @!p0 [sflag:s8], $0x0  }
0x24: {  	s3 =	sadd.s32 $0x88, s3;
	s6 =	simm.s32 @!p1 $0x1082;
	[sflag:s4] =	ssyncset.s32 $0xFFFFF086  }
0x25: {  	[simem:s6], [sflag:s4] =	dma.local [hbm:s3], $0xF7A  }
0x26: {  	[smem:$0x3F9E] =	sst s1;
	(tag) =	ssettag s2;
	_ =	strace s9  }
0x27: {  	s1 =	sld [smem:$0x3FAE]  }
0x28: {  	s2 =	sld [smem:$0x3FAF]  }
0x29: {  	s4 =	sld [smem:$0x3FB1]  }
0x2a: {  	p0 =	seq.s32 s5, $0x0;
	s5 =	sld [smem:$0x3FB2]  }
0x2b: {  	s6 =	sld [smem:$0x3FB3]  }
0x2c: {  	s7 =	sld [smem:$0x3FB4]  }
0x2d: {  	s3 =	simm.s32 $0x108;
	s8 =	sld [smem:$0x3FB5]  }
0x2e: {  	s3 =	simm.s32 @!p0 $0x1082;
	s9 =	sld [smem:$0x3FB6]  }
0x2f: {  	lr =	sadd.s32 s0, s3;
	s0 =	sld [smem:$0x3FAD]  }
0x30: {  	s3 =	sld [smem:$0x3FB0]  }
0x31: {  	[smem:$0x3FB9] =	sst s10  }
0x32: {  	s10 =	sld [smem:$0x3FB7];
	_ =	sdelay $0x3  }
0x33: {  	p0 =	seq.s32 s10, $0x1;
	s10 =	sld [smem:$0x3FB9];
	_ =	sdelay $0x3  }
0x34: {  	[smem:$0x3FB9] =	sst s10  }
0x35: {  	s10 =	sld [smem:$0x3FB8];
	_ =	sdelay $0x3  }
0x36: {  	p1 =	seq.s32 s10, $0x1;
	s10 =	sld [smem:$0x3FB9];
	_ =	sdelay $0x3  }
0x37: {  	[smem:$0x3FB9] =	sst s10  }
0x38: {  	s10 =	sld [smem:$0x3FBA]  }
0x39: {  	_ = 	snop;
	(pc) =	sbr.ind lr, $3  }
0x3a: {  	_ = 	snop  }
0x3b: {  	_ = 	snop  }
0x3c: {  	p2 =	seq.s32 s10, $0x1;
	s10 =	sld [smem:$0x3FB9]  }
0x3d: {  	_ =	shalt  }
0x3e: {  	_ =	shalt  }
0x3f: {  	_ =	shalt  }
0x40: {  	_ =	shalt  }
0x41: {  	_ =	shalt  }
0x42: {  	_ =	shalt  }
0x43: {  	_ =	shalt  }
0x44: {  	_ =	shalt  }
0x45: {  	_ =	shalt  }
0x46: {  	_ =	shalt  }
0x47: {  	_ =	shalt  }
0x48: {  	_ =	shalt  }
0x49: {  	_ =	shalt  }
0x4a: {  	_ =	shalt  }
0x4b: {  	_ =	shalt  }
0x4c: {  	_ =	shalt  }
0x4d: {  	_ =	shalt  }
0x4e: {  	_ =	shalt  }
0x4f: {  	_ =	shalt  }
0x50: {  	_ =	shalt  }
0x51: {  	_ =	shalt  }
0x52: {  	_ =	shalt  }
0x53: {  	_ =	shalt  }
0x54: {  	_ =	shalt  }
0x55: {  	_ =	shalt  }
0x56: {  	_ =	shalt  }
0x57: {  	_ =	shalt  }
0x58: {  	_ =	shalt  }
0x59: {  	_ =	shalt  }
0x5a: {  	_ =	shalt  }
0x5b: {  	_ =	shalt  }
0x5c: {  	_ =	shalt  }
0x5d: {  	_ =	shalt  }
0x5e: {  	_ =	shalt  }
0x5f: {  	_ =	shalt  }
0x60: {  	_ =	shalt  }
0x61: {  	_ =	shalt  }
0x62: {  	_ =	shalt  }
0x63: {  	_ =	shalt  }
0x64: {  	_ =	shalt  }
0x65: {  	_ =	shalt  }
0x66: {  	_ =	shalt  }
0x67: {  	_ =	shalt  }
0x68: {  	_ =	shalt  }
0x69: {  	_ =	shalt  }
0x6a: {  	_ =	shalt  }
0x6b: {  	_ =	shalt  }
0x6c: {  	_ =	shalt  }
0x6d: {  	_ =	shalt  }
0x6e: {  	_ =	shalt  }
0x6f: {  	_ =	shalt  }
0x70: {  	_ =	shalt  }
0x71: {  	_ =	shalt  }
0x72: {  	_ =	shalt  }
0x73: {  	_ =	shalt  }
0x74: {  	_ =	shalt  }
0x75: {  	_ =	shalt  }
0x76: {  	_ =	shalt  }
0x77: {  	_ =	shalt  }
0x78: {  	_ =	shalt  }
0x79: {  	_ =	shalt  }
0x7a: {  	_ =	shalt  }
0x7b: {  	_ =	shalt  }
0x7c: {  	_ =	shalt  }
0x7d: {  	_ =	shalt  }
0x7e: {  	_ =	shalt  }
0x7f: {  	_ =	shalt  }
0x80: {  	_ =	shalt  }
0x81: {  	_ =	shalt  }
0x82: {  	_ =	shalt  }
0x83: {  	_ =	shalt  }
0x84: {  	_ =	shalt  }
0x85: {  	_ =	shalt  }
0x86: {  	_ =	shalt  }
0x87: {  	_ =	shalt  }
.Lfunc_end0:
.L_simem_size_0:
called_computation_lowered:
.L_overlay_start_0:
0x88: {  	s2 =	sld [smem:$0x3FD9]  }
0x89: {  	s3 =	sld [smem:$0x3FFE];
	_ =	sdelay $0x1  }
0x8a: {  	s1 =	srdreg.scid  }
0x8b: {  	s0 =	sand.u32 $0x1, s1  }
0x8c: {  	s16 =	sshll.u32 s0, $0xA;
	s2 =	sadd.s32 s3, s2  }
0x8d: {  	s2 =	sadd.s32 s2, s16  }
0x8e: {  	[smem:$0x3FC5] =	sst s2  }
0x8f: {  	_ = 	snop  }
0x90: {  	(tm) =	ssettm $0x1  }
0x91: {  	s17 =	sld [smem:$0x3FFB];
	_ =	sdelay $0x3  }
0x92: {  	_ =	strace s17  }
0x93: {  	s2 =	sld [smem:$0x3FFC];
	_ =	sdelay $0x3  }
0x94: {  	_ =	strace s2  }
0x95: {  	s2 =	sld [smem:$0x3FFD];
	_ =	sdelay $0x3  }
0x96: {  	_ =	strace s2  }
0x97: {  	_ =	strace $0x8FFFFFFF  }
0x98: {  	s18 =	sld [smem:$0x3FDB];
	_ =	sdelay $0x1  }
0x99: {  	s19 =	simm.s32 $_scs_section_size  }
0x9a: {  	s4 =	simm.s32 $_size__tile_overlayer_lowered;
	s5 =	simm.s32 $_tile_overlayer_lowered  }
0x9b: {  	s22 =	simm.s32 $0x1BFF;
	s21 =	sshll.u32 s5, $0x1;
	s2 =	sadd.s32 s19, s18  }
0x9c: {  	s6 =	simm.s32 $0x0;
	s20 =	sshll.u32 s4, $0x1;
	s4 =	sadd.s32 s21, s2  }
0x9d: {  	[timem:s6], [sflag:s22] =	dma.local [hbm:s4], s20  }
0x9e: {  	_ =	swait.ge [sflag:s22], s20  }
0x9f: {  	s3 =	ssub.s32 $0x0, s20;
	[sflag:s22] =	ssyncset.done $0x0  }
0xa0: {  	[sflag:s22] =	ssyncadd.s32 s3;
	_ =	sdelay $0x1  }
0xa1: {  	s23 =	simm.s32 $0x1B8B  }
0xa2: {  	_ =	swait.ge [sflag:s23], $0x1  }
0xa3: {  	[sflag:s23] =	ssyncset.done $0x0  }
0xa4: {  	s25 =	simm.s32 $0x1B8E;
	s24 =	sld [smem:$0x3FFE];
	[sflag:s23] =	ssyncadd.s32 $0xFFFFFFFF  }
0xa5: {  	s26 =	simm.s32 $execute0_lowered;
	[smem:$0x3FD2] =	sst s25  }
0xa6: {  	s4 =	sshll.u32 s26, $0x1;
	_ =	strace $0x80000046;
	[dreg:$0x1] =	wrdreg $0xFFFFFFFF  }
0xa7: {  	s28 =	simm.s32 $_size_execute0_lowered;
	s2 =	sadd.s32 s2, s4;
	[dreg:$0x0] =	wrdreg $0x0  }
0xa8: {  	s4 =	sshll.u32 s28, $0x1;
	[dreg:$0x2] =	wrdreg s2  }
0xa9: {  	[dreg:$0x3] =	wrdreg s4  }
0xaa: {  	[dreg:$0x4] =	wrdreg $0xC0  }
0xab: {  	_ =	task [dreg:s6], $0x5FFFF  }
0xac: {  	[dreg:$0x1] =	wrdreg $0xFFFFFFFF  }
0xad: {  	[dreg:$0x0] =	wrdreg $0x60  }
0xae: {  	[dreg:$0x2] =	wrdreg s24  }
0xaf: {  	[dreg:$0x3] =	wrdreg $0x1F0800  }
0xb0: {  	[dreg:$0x4] =	wrdreg $0x1F4800  }
0xb1: {  	[dreg:$0x5] =	wrdreg $0x9  }
0xb2: {  	_ =	task.clear_ibuf [dreg:s6], $0x6FFFF;
	_ =	strace $0x90000046  }
0xb3: {  	s29 =	simm.s32 $0x9;
	_ =	strace $0x80000048  }
0xb4: {  	_ =	swait.ge [sflag:s29], $0x1  }
0xb5: {  	[sflag:s29] =	ssyncadd.s32 $0xFFFFFFFF  }
0xb6: {  	_ =	strace $0x90000048  }
0xb7: {  	_ =	sfence  }
0xb8: {  	s30 =	sld [smem:$0x0];
	_ =	sdelay $0x2  }
0xb9: {  	s31 =	sshll.u32 s1, $0xD;
	s1 =	sshrl.u32 s1, $0x2  }
0xba: {  	s3 =	sand.u32 $0x4000, s31;
	s1 =	sadd.s32 s1, s30  }
0xbb: {  	s0 =	sor.u32 s3, s0;
	s1 =	sshll.u32 s1, $0x11  }
0xbc: {  	s0 =	sor.u32 s1, s0  }
0xbd: {  	s0 =	sadd.s32 $0x8F2B, s0  }
0xbe: {  	[sflag:s0] =	ssyncadd.remote.s32 $0x1  }
0xbf: {  	_ =	sfence.sel $0xFFFF  }
0xc0: {  	[dreg:$0x0] =	wrdreg $0xFFFFFFFF;
	(pc) =	sbr.abs _section_cstart, $3  }
0xc1: {  	[dreg:$0x1] =	wrdreg $0xFFFFFFFF  }
0xc2: {  	_ =	task.clear_ibuf [dreg:s6], $0x2FFFF;
	_ =	strace $0x9FFFFFFF  }
0xc3: {  	(tm) =	ssettm $0x7FFFFFFF  }
tec
execute0_lowered:
.L_overlay_start_1:
0x0: {  	(tag) =	ssettag $0x1  }
0x1: {  	s0 =	rddreg [dreg:$0x0]  }
0x2: {  	s1 =	rddreg [dreg:$0x1]  }
0x3: {  	s2 =	rddreg [dreg:$0x2]  }
0x4: {  	s4 =	srdreg.scid;
	s12 =	stileid.u32  }
0x5: {  	s31 =	simm.s32 $0x80;
	s28 =	simm.s32 $0x9000;
	s29 =	simm.s32 $0xB400  }
0x6: {  	s3 =	sadd.s32 $0x1000, s0;
	s4 =	sand.u32 $0x1, s4;
	s5 =	sshll.u32 s12, $0x5  }
0x7: {  	s6 =	sand.u32 $0x3, s12;
	s9 =	sadd.s32 $0x25000, s0;
	s10 =	sadd.s32 $0x49000, s0  }
0x8: {  	s15 =	sshll.u32 s12, $0xA;
	s16 =	sshll.u32 s12, $0x7;
	s7 =	sshll.u32 s4, $0x9  }
0x9: {  	s5 =	sand.u32 $0x180, s5;
	s8 =	smul.u32 $0x48000, s6;
	s4 =	ssub.s32 $0x2, s4  }
0xa: {  	s18 =	sor.u32 s16, s15;
	p0 =	sne.s32 s6, $0x0;
	s5 =	sor.u32 s7, s5  }
0xb: {  	s20 =	sshrl.u32 s4, $0x1;
	s7 =	sshrl.u32 s5, $0x3;
	s5 =	sor.u32 s8, s5  }
0xc: {  	s6 =	simm.s32 $0x0;
	s4 =	ssub.s32 s4, s20;
	s8 =	sshrl.u32 s5, $0x3  }
0xd: {  	s0 =	sadd.s32 s7, s0;
	s22 =	sadd.s32 $0x12000, s5;
	s21 =	sadd.s32 s3, s8  }
0xe: {  	s23 =	sadd.s32 $0x24000, s5;
	s11 =	sadd.s32 s9, s8;
	[dreg:$0x4] =	wrdreg s21  }
0xf: {  	s7 =	sshrl.u32 s22, $0x3;
	s8 =	sadd.s32 s10, s8;
	[dreg:$0x5] =	wrdreg s11  }
0x10: {  	s25 =	sshrl.u32 s23, $0x3;
	s23 =	simm.s32 $0x0;
	[dreg:$0x6] =	wrdreg s8  }
0x11: {  	s5 =	sadd.s32 $0x36000, s5;
	s24 =	sadd.s32 s3, s7;
	[smem:$0x7FF] =	sst s23  }
0x12: {  	s30 =	smax.u32 s4, $0x1;
	s26 =	sadd.s32 s9, s7;
	[dreg:$0x7] =	wrdreg s24  }
0x13: {  	s4 =	simm.s32 $0x1E800;
	s7 =	sadd.s32 s10, s7;
	[dreg:$0x8] =	wrdreg s26  }
0x14: {  	s5 =	sshrl.u32 s5, $0x3;
	s11 =	sadd.s32 s3, s25;
	[dreg:$0x9] =	wrdreg s7  }
0x15: {  	s0 =	sadd.s32 $0x6D000, s0;
	s13 =	sadd.s32 s9, s25;
	[dreg:$0xa] =	wrdreg s11  }
0x16: {  	s14 =	sadd.s32 s10, s25;
	s3 =	sadd.s32 s3, s5;
	[dreg:$0xb] =	wrdreg s13  }
0x17: {  	s17 =	sadd.s32 s9, s5;
	s8 =	sand.u32 $0x200, s16;
	[dreg:$0xc] =	wrdreg s14  }
0x18: {  	s5 =	sadd.s32 s10, s5;
	s23 =	simm.s32 $0x4800;
	[dreg:$0xd] =	wrdreg s3  }
0x19: {  	[dreg:$0xe] =	wrdreg s17;
	s7 =	sand.u32 $0x2000, s15;
	s3 =	sand.u32 $0x2380, s18  }
0x1a: {  	[dreg:$0xf] =	wrdreg s5;
	s13 =	sadd.s32 s3, s1;
	s3 =	sadd.s32 s3, s2  }
0x1b: {  	s15 =	simm.s32 $0x2400;
	s19 =	sor.u32 s8, s7;
	[dreg:$0x10] =	wrdreg s3  }
0x1c: {  	s20 =	sadd.s32 s19, s1;
	s21 =	sor.u32 $0x80, s19;
	s22 =	sor.u32 $0x100, s19  }
0x1d: {  	s18 =	sadd.s32 s19, s2;
	s5 =	sor.u32 $0x180, s19;
	s3 =	simm.s32 $0x2  }
0x1e: {  	[dreg:$0x11] =	wrdreg s20;
	s16 =	sadd.s32 s21, s1;
	s17 =	sadd.s32 s21, s2  }
0x1f: {  	s19 =	sadd.s32 s22, s1;
	s24 =	sadd.s32 s5, s1;
	s1 =	sadd.s32 s7, s1  }
0x20: {  	s20 =	sadd.s32 s22, s2;
	s1 =	sadd.s32 s8, s1;
	_ =	strace $0x80000047  }
.Ltmp0:
0x21: {  	v0 =	vlaneseq.u32;
	[dreg:$0x15] =	wrdreg s0;
	s25 =	sadd.s32 $0x80, s1;
	(pc) =	sbr.rel .LBB2_1-.Ltmp0, $4  }
0x22: {  	v1 =	vimm.s32 $0x0;
	v2 =	vimm.f32 $0.0e+00;
	v4 =	vimm.s32 $0x1;
	s21 =	sadd.s32 s5, s2;
	s26 =	sadd.s32 $0x100, s1;
	[dreg:$0x12] =	wrdreg s25  }
0x23: {  	vm0 =	vmmov $0x1;
	vm1 =	vcmask $0xB08;
	vm2 =	vcmask $0x3F18;
	s22 =	simm.s32 $0x400;
	s1 =	sadd.s32 $0x180, s1;
	[dreg:$0x13] =	wrdreg s26  }
0x24: {  	vm3 =	vcmask $0xF08;
	vm4 =	vcmask $0x314;
	v3 =	vmul.u32 $0x400, v0;
	s2 =	simm.s32 $0x1A800;
	s5 =	simm.s32 $0x3;
	[dreg:$0x14] =	wrdreg s1  }
0x25: {  	vm2 =	vmor vm3, vm2;
	vm3 =	vmor vm4, vm3;
	vm4 =	vcmask $0xF14;
	s26 =	simm.s32 $0x1;
	s25 =	simm.s32 $0x6C00;
	s1 =	simm.s32 $0x16800  }
.LBB2_38:
0x26: {  	(v2sf) =	vpush v22, $0xF;
	_ =	sdelay $0xc  }
0x27: {  	s8 =	spop (v2sf)  }
0x28: {  	vm5 =	vlt.s32 v24, v13;
	s8 =	sadd.s32 s9, s8;
	s12 =	spop (v2sf)  }
0x29: {  	v18 =	vsel vm5, $0x1, v1;
	v23 =	vadd.s32 s8, v23;
	s8 =	sadd.s32 s8, s12;
	s14 =	spop (v2sf)  }
0x2a: {  	v51, _, _ =	vpop (xrf0);
	v17 =	vadd.s32 v18, v17;
	vm6 =	vlt.s32 v23, v13;
	v52 =	vadd.s32 s8, v22;
	s8 =	sadd.s32 s8, s14  }
0x2b: {  	v23 =	vsel vm6, $0x1, v1;
	vm7 =	vlt.s32 v52, v13;
	v53 =	vadd.s32 s8, v51  }
0x2c: {  	v17 =	vadd.s32 v23, v17;
	v54 =	vsel vm7, $0x1, v1;
	vm8 =	vlt.s32 v53, v13  }
0x2d: {  	v13 =	vadd.s32 v54, v17;
	v55 =	vsel vm8, $0x1, v1  }
0x2e: {  	v13 =	vadd.s32 v55, v13  }
0x2f: {  	(xrf0) =	vadd.scan.msk.s32 $0xffff, v13;
	_ =	sdelay $0x2  }
0x30: {  	v8 =	vnsel vm5, $0x0, v8  }
0x31: {  	v8 =	vadd.s32 v20, v8;
	v9 =	vnsel vm6, $0x0, v9  }
0x32: {  	v8 =	vadd.s32 v8, v9;
	v56 =	vnsel vm7, $0x0, v10  }
0x33: {  	(v2sf) =	vpush v51, $0xF;
	v8 =	vadd.s32 v8, v56;
	v58 =	vnsel vm8, $0x0, v14;
	v57, _, _ =	vpop (xrf0)  }
0x34: {  	v8 =	vadd.s32 v8, v58;
	(v2sf) =	vpush v57, $0xF  }
0x35: {  	(xrf0) =	vadd.scan.msk.s32 $0xffff, v8;
	_ =	sdelay $0x5  }
0x36: {  	v8, _, _ =	vpop (xrf0)  }
0x37: {  	(v2sf) =	vpush v8, $0xF;
	_ =	sdelay $0x1  }
0x38: {  	v59 =	vnsel vm5, $0x0, v12  }
0x39: {  	v8 =	vadd.f32 v59, v11  }
0x3a: {  	v60 =	vnsel vm6, $0x0, v16  }
0x3b: {  	v7 =	vadd.s32 v7, v21;
	v8 =	vadd.f32 v60, v8  }
0x3c: {  	v7 =	vmul.f32 v19, v7;
	v61 =	vnsel vm7, $0x0, v15;
	s9 =	spop (v2sf)  }
0x3d: {  	v8 =	vadd.f32 v61, v8;
	s8 =	spop (v2sf)  }
0x3e: {  	v7 =	vnsel vm8, $0x0, v7;
	s8 =	sshll.u32 s8, $0xB  }
0x3f: {  	v7 =	vadd.f32 v7, v8;
	s7 =	sadd.s32 s7, s8  }
0x40: {  	v62 =	vmov s7  }
0x41: {  	(xrf2) =	vadd.scan.msk.f32 $0xffff, v7;
	v7 =	vnsel vm0, $0x0, v62  }
0x42: {  	(xrf2) =	vadd.scan.msk.f32 $0xffff, v7;
	_ =	sdelay $0x2  }
0x43: {  	s10 =	spop (v2sf)  }
0x44: {  	s0 =	ssub.s32 s0, s10  }
0x45: {  	v7 =	vmov s0  }
0x46: {  	v7 =	vnsel vm1, $0x0, v7;
	_ =	sdelay $0x1  }
0x47: {  	v5 =	vsel vm2, v7, v5  }
0x48: {  	v6 =	vbroadcast v6, $0xF;
	v5 =	vcvt.s32.f32 v5;
	v7, _, _ =	vpop (xrf2)  }
0x49: {  	v7 =	vbroadcast v7, $0xF;
	v63, _, _ =	vpop (xrf2)  }
0x4a: {  	v5 =	vsel vm0, v6, v5;
	v6 =	vbroadcast v63, $0xF  }
0x4b: {  	v5 =	vsel vm3, v5, v7  }
0x4c: {  	v5 =	vsel vm4, v5, v6  }
0x4d: {  	s11 =	simm.s32 $0x0;
	s12 =	rddreg [dreg:$0x15];
	s14 =	simm.s32 $0x1F000;
	[tilespmem:$0x1F000] =	vst v5  }
0x4e: {  	[hbm4b:s12+s11] =	stream.linear.scatter [tilespmem:s14], [sflag:$0x3], $0x80, $0x38;
	[tilespmem:$0x1F880] =	vst v63  }
0x4f: {  	_ =	swait.ge [sflag:s5], $0x80  }
0x50: {  	[sflag:s5] =	ssyncset.done $0x0  }
0x51: {  	[sflag:s5] =	ssyncadd.s32 $0xFFFFFF80  }
.LBB2_39:
0x52: {  	s6 =	sadd.s32 $0x1, s6  }
0x53: {  	p1 =	sne.s32 s6, s30  }
.Ltmp1:
0x54: {  	_ = 	snop;
	(pc) =	sbr.rel @!p1 .LBB2_40-.Ltmp1, $1  }
0x55: {  	_ =	sdelay $0x3  }
.LBB2_1:
0x56: {  	s0 =	simm.s32 $0x16840  }
0x57: {  	[tilespmem:s0+$0x30] =	vst v1  }
0x58: {  	[tilespmem:s0+$0xFFFFFFF0] =	vst v1  }
0x59: {  	[tilespmem:s0+$0xFFFFFFC0] =	vst v1  }
0x5a: {  	[tilespmem:s0+$0xFFFFFFE0] =	vst v1  }
0x5b: {  	[tilespmem:s0+$0x10] =	vst v1  }
0x5c: {  	[tilespmem:s0+$0x20] =	vst v1  }
0x5d: {  	[tilespmem:s0+$0x0] =	vst v1  }
0x5e: {  	s7 =	simm.s32 $0x1A840;
	[tilespmem:s0+$0xFFFFFFD0] =	vst v1  }
0x5f: {  	[tilespmem:s7+$0xFFFFFFC0] =	vst v2  }
0x60: {  	[tilespmem:s7+$0x30] =	vst v2  }
0x61: {  	[tilespmem:s7+$0x20] =	vst v2  }
0x62: {  	[tilespmem:s7+$0x10] =	vst v2  }
0x63: {  	[tilespmem:s7+$0xFFFFFFE0] =	vst v2  }
0x64: {  	[tilespmem:s7+$0x0] =	vst v2  }
0x65: {  	s8 =	simm.s32 $0x0;
	[tilespmem:s7+$0xFFFFFFF0] =	vst v2  }
.LBB2_2:
0x66: {  	s8 =	sadd.s32 $0x8, s8;
	[tilespmem:s7+$0xFFFFFFD0] =	vst v2;
	s0 =	sadd.s32 $0x80, s0;
	s7 =	sadd.s32 $0x80, s7  }
0x67: {  	[tilespmem:s0+$0x30] =	vst v1;
	p1 =	slt.u32 s8, $0x3F8  }
0x68: {  	[tilespmem:s0+$0xFFFFFFF0] =	vst v1  }
0x69: {  	[tilespmem:s0+$0xFFFFFFC0] =	vst v1  }
0x6a: {  	[tilespmem:s7+$0xFFFFFFC0] =	vst v2  }
0x6b: {  	[tilespmem:s7+$0x30] =	vst v2  }
0x6c: {  	[tilespmem:s0+$0xFFFFFFE0] =	vst v1  }
0x6d: {  	[tilespmem:s0+$0x10] =	vst v1  }
0x6e: {  	[tilespmem:s0+$0x20] =	vst v1  }
0x6f: {  	[tilespmem:s7+$0x20] =	vst v2  }
0x70: {  	[tilespmem:s7+$0x10] =	vst v2  }
.Ltmp2:
0x71: {  	[tilespmem:s7+$0xFFFFFFE0] =	vst v2;
	(pc) =	sbr.rel @p1 .LBB2_2-.Ltmp2, $4  }
0x72: {  	[tilespmem:s0+$0x0] =	vst v1  }
0x73: {  	[tilespmem:s7+$0x0] =	vst v2  }
0x74: {  	[tilespmem:s7+$0xFFFFFFF0] =	vst v2  }
0x75: {  	[tilespmem:s0+$0xFFFFFFD0] =	vst v1  }
0x76: {  	[tilespmem:s7+$0xFFFFFFD0] =	vst v2  }
0x77: {  	s14 =	simm.s32 $0x0;
	s0 =	rddreg [dreg:$0x4]  }
0x78: {  	[tilespmem:s14], [sflag:$0x1] =	stream.strided.gather [hbm4b:s0+s31], $0x2400, s22, s31, $0x38;
	[tilespmem:$0x1F880] =	vst v63  }
0x79: {  	s8 =	rddreg [dreg:$0x5]  }
0x7a: {  	[tilespmem:s15], [sflag:$0x1] =	stream.strided.gather [hbm4b:s8+s31], $0x2400, s22, s31, $0x38;
	[tilespmem:$0x1F880] =	vst v63  }
0x7b: {  	s9 =	rddreg [dreg:$0x6]  }
0x7c: {  	[tilespmem:s23], [sflag:$0x1] =	stream.strided.gather [hbm4b:s9+s31], $0x2400, s22, s31, $0x38;
	[tilespmem:$0x1F880] =	vst v63  }
0x7d: {  	_ =	swait.ge [sflag:s26], $0x2400  }
0x7e: {  	[sflag:s26] =	ssyncset.done $0x0  }
0x7f: {  	[sflag:s26] =	ssyncadd.s32 $0xFFFFDC00  }
0x80: {  	_ =	swait.ge [sflag:s26], $0x2400  }
0x81: {  	[sflag:s26] =	ssyncset.done $0x0  }
0x82: {  	[sflag:s26] =	ssyncadd.s32 $0xFFFFDC00  }
0x83: {  	_ =	swait.ge [sflag:s26], $0x2400  }
0x84: {  	[sflag:s26] =	ssyncset.done $0x0  }
0x85: {  	s10 =	rddreg [dreg:$0x7];
	[sflag:s26] =	ssyncadd.s32 $0xFFFFDC00  }
0x86: {  	[tilespmem:s25], [sflag:$0x2] =	stream.strided.gather [hbm4b:s10+s31], $0x2400, s22, s31, $0x38;
	[tilespmem:$0x1F880] =	vst v63  }
0x87: {  	s11 =	rddreg [dreg:$0x8]  }
0x88: {  	[tilespmem:s28], [sflag:$0x2] =	stream.strided.gather [hbm4b:s11+s31], $0x2400, s22, s31, $0x38;
	[tilespmem:$0x1F880] =	vst v63  }
0x89: {  	s14 =	simm.s32 $0x20;
	s12 =	rddreg [dreg:$0x9]  }
0x8a: {  	[tilespmem:s29], [sflag:$0x2] =	stream.strided.gather [hbm4b:s12+s31], $0x2400, s22, s31, $0x38;
	[tilespmem:$0x1F880] =	vst v63  }
0x8b: {  	s0 =	simm.s32 $0x4820;
	v6 =	vld [tilespmem:s14+$0x0]  }
0x8c: {  	v7 =	vld [tilespmem:s0+$0x10]  }
0x8d: {  	s8 =	simm.s32 $0x2420;
	v5 =	vld [tilespmem:s14+$0x10]  }
0x8e: {  	v8 =	vld [tilespmem:s8+$0x10]  }
0x8f: {  	v9 =	vld [tilespmem:s14+$0xFFFFFFE0]  }
0x90: {  	v10 =	vld [tilespmem:s8+$0xFFFFFFF0]  }
0x91: {  	v11 =	vld [tilespmem:s14+$0xFFFFFFF0]  }
0x92: {  	v14 =	vld [tilespmem:s8+$0xFFFFFFE0]  }
0x93: {  	v12 =	vld [tilespmem:s8+$0x0];
	_ =	sdelay $0x1  }
0x94: {  	v5 =	vsub.f32 v5, v8  }
0x95: {  	vm5 =	vgt.s32 v7, $0x0;
	v7 =	vsub.f32 v11, v10  }
0x96: {  	v9 =	vsub.f32 v9, v14;
	v5 =	vand.u32 $0x7FFFFFFF, v5  }
0x97: {  	v13 =	vsub.f32 v6, v12;
	v6 =	vand.u32 $0x7FFFFFFF, v7;
	v15 =	vshrl.u32 v5, $0x15  }
0x98: {  	s8 =	simm.s32 $0xD820;
	v12 =	vld [tilespmem:s0+$0xFFFFFFE0];
	v7 =	vand.u32 $0x7FFFFFFF, v9;
	v8 =	vnsel vm5, $0x7FFFFFFF, v5;
	v10 =	vand.u32 $0x780, v15  }
0x99: {  	s7 =	simm.s32 $0xD820;
	v9 =	vld [tilespmem:s0+$0xFFFFFFF0];
	v11 =	vshrl.u32 v6, $0x15;
	[tilespmem:s8+$0x10] =	vst v8;
	v15 =	vand.u32 $0x7F, v15;
	v8 =	vor.u32 v3, v10  }
0x9a: {  	s9 =	simm.s32 $0x0;
	s10 =	simm.s32 $0x2460;
	s11 =	simm.s32 $0x60;
	v14 =	vand.u32 $0x780, v11;
	v10 =	vld [tilespmem:s0+$0x0];
	v8 =	vor.u32 v15, v8  }
.LBB2_4:
0x9b: {  	v15 =	vld [tilespmem:s11+$0x0];
	s9 =	sadd.s32 $0x4, s9;
	v16 =	vshrl.u32 v7, $0x15;
	v14 =	vor.u32 v3, v14;
	v13 =	vand.u32 $0x7FFFFFFF, v13;
	s8 =	sadd.s32 $0x40, s8;
	s0 =	sadd.s32 $0x40, s0  }
0x9c: {  	v11 =	vand.u32 $0x7F, v11;
	v17 =	vld [tilespmem:s0+$0x10];
	p1 =	slt.u32 s9, $0x23C;
	v18 =	vand.u32 $0x780, v16;
	v19 =	vshrl.u32 v13, $0x15  }
0x9d: {  	v20 =	vld [tilespmem:s11+$0x10];
	vm6 =	vgt.s32 v12, $0x0;
	v12 =	vor.u32 v3, v18;
	v18 =	vand.u32 $0x780, v19  }
0x9e: {  	v16 =	vand.u32 $0x7F, v16;
	v19 =	vand.u32 $0x7F, v19;
	v21 =	vld [tilespmem:s10+$0x10];
	v18 =	vor.u32 v3, v18  }
0x9f: {  	v12 =	vor.u32 v16, v12;
	vm7 =	vgt.s32 v10, $0x0;
	v10 =	vor.u32 v19, v18;
	[tilespmem:v8+s1+$0x0] =	vst.idx.add.s32.msk vm5, v4  }
0xa0: {  	v11 =	vor.u32 v11, v14;
	v14 =	vnsel vm7, $0x7FFFFFFF, v13;
	v16 =	vld [tilespmem:s11+$0xFFFFFFE0]  }
0xa1: {  	v19 =	vnsel vm6, $0x7FFFFFFF, v7;
	v18 =	vld [tilespmem:s10+$0x0];
	[tilespmem:s7+$0x0] =	vst v14  }
0xa2: {  	v14 =	vld [tilespmem:s10+$0xFFFFFFF0];
	[tilespmem:s7+$0xFFFFFFE0] =	vst v19  }
0xa3: {  	vm8 =	vgt.s32 v9, $0x0;
	v19 =	vld [tilespmem:s11+$0xFFFFFFF0]  }
0xa4: {  	v9 =	vnsel vm8, $0x7FFFFFFF, v6;
	[tilespmem:v12+s1+$0x0] =	vst.idx.add.s32.msk vm6, v4  }
0xa5: {  	[tilespmem:v8+s2+$0x0] =	vst.idx.add.f32.msk vm5, v5  }
0xa6: {  	[tilespmem:v10+s1+$0x0] =	vst.idx.add.s32.msk vm7, v4  }
0xa7: {  	v5 =	vsub.f32 v20, v21;
	v8 =	vld [tilespmem:s10+$0xFFFFFFE0];
	[tilespmem:s7+$0xFFFFFFF0] =	vst v9;
	s7 =	smov.u32 s8  }
0xa8: {  	[tilespmem:v10+s2+$0x0] =	vst.idx.add.f32.msk vm7, v13  }
0xa9: {  	vm5 =	vgt.s32 v17, $0x0;
	v5 =	vand.u32 $0x7FFFFFFF, v5;
	[tilespmem:v11+s1+$0x0] =	vst.idx.add.s32.msk vm8, v4  }
.Ltmp3:
0xaa: {  	v9 =	vsub.f32 v19, v14;
	v10 =	vnsel vm5, $0x7FFFFFFF, v5;
	v14 =	vshrl.u32 v5, $0x15;
	[tilespmem:v11+s2+$0x0] =	vst.idx.add.f32.msk vm8, v6;
	(pc) =	sbr.rel @p1 .LBB2_4-.Ltmp3, $4  }
0xab: {  	v13 =	vsub.f32 v15, v18;
	v11 =	vand.u32 $0x780, v14;
	[tilespmem:v12+s2+$0x0] =	vst.idx.add.f32.msk vm6, v7  }
0xac: {  	v6 =	vand.u32 $0x7FFFFFFF, v9;
	v7 =	vsub.f32 v16, v8;
	v12 =	vld [tilespmem:s0+$0xFFFFFFE0];
	[tilespmem:s8+$0x10] =	vst v10;
	v8 =	vor.u32 v3, v11  }
0xad: {  	v15 =	vand.u32 $0x7F, v14;
	v11 =	vshrl.u32 v6, $0x15;
	v10 =	vld [tilespmem:s0+$0x0]  }
0xae: {  	s11 =	sadd.s32 $0x40, s11;
	s10 =	sadd.s32 $0x40, s10;
	v14 =	vand.u32 $0x780, v11;
	v8 =	vor.u32 v15, v8;
	v7 =	vand.u32 $0x7FFFFFFF, v7;
	v9 =	vld [tilespmem:s0+$0xFFFFFFF0]  }
0xaf: {  	_ = 	snop  }
0xb0: {  	v15 =	vshrl.u32 v7, $0x15;
	v13 =	vand.u32 $0x7FFFFFFF, v13  }
0xb1: {  	v16 =	vand.u32 $0x780, v15;
	v17 =	vshrl.u32 v13, $0x15  }
0xb2: {  	v15 =	vand.u32 $0x7F, v15;
	vm6 =	vgt.s32 v12, $0x0;
	v12 =	vor.u32 v3, v16  }
0xb3: {  	v16 =	vand.u32 $0x780, v17;
	v12 =	vor.u32 v15, v12  }
0xb4: {  	[tilespmem:v8+s1+$0x0] =	vst.idx.add.s32.msk vm5, v4;
	v15 =	vand.u32 $0x7F, v17;
	v16 =	vor.u32 v3, v16;
	vm7 =	vgt.s32 v10, $0x0  }
0xb5: {  	[tilespmem:v8+s2+$0x0] =	vst.idx.add.f32.msk vm5, v5;
	v10 =	vor.u32 v15, v16;
	v15 =	vnsel vm7, $0x7FFFFFFF, v13  }
0xb6: {  	v16 =	vnsel vm6, $0x7FFFFFFF, v7;
	vm8 =	vgt.s32 v9, $0x0;
	[tilespmem:s7+$0x0] =	vst v15  }
0xb7: {  	v14 =	vor.u32 v3, v14;
	v11 =	vand.u32 $0x7F, v11;
	[tilespmem:s7+$0xFFFFFFE0] =	vst v16;
	v5 =	vnsel vm8, $0x7FFFFFFF, v6  }
0xb8: {  	v9 =	vor.u32 v11, v14;
	[tilespmem:s7+$0xFFFFFFF0] =	vst v5  }
0xb9: {  	[tilespmem:v12+s1+$0x0] =	vst.idx.add.s32.msk vm6, v4  }
0xba: {  	[tilespmem:v10+s1+$0x0] =	vst.idx.add.s32.msk vm7, v4  }
0xbb: {  	[tilespmem:v12+s2+$0x0] =	vst.idx.add.f32.msk vm6, v7  }
0xbc: {  	[tilespmem:v10+s2+$0x0] =	vst.idx.add.f32.msk vm7, v13  }
0xbd: {  	[tilespmem:v9+s1+$0x0] =	vst.idx.add.s32.msk vm8, v4  }
0xbe: {  	[tilespmem:v9+s2+$0x0] =	vst.idx.add.f32.msk vm8, v6  }
0xbf: {  	_ =	swait.ge [sflag:s3], $0x2400  }
0xc0: {  	[sflag:s3] =	ssyncset.done $0x0  }
0xc1: {  	[sflag:s3] =	ssyncadd.s32 $0xFFFFDC00  }
0xc2: {  	_ =	swait.ge [sflag:s3], $0x2400  }
0xc3: {  	[sflag:s3] =	ssyncset.done $0x0  }
0xc4: {  	[sflag:s3] =	ssyncadd.s32 $0xFFFFDC00  }
0xc5: {  	_ =	swait.ge [sflag:s3], $0x2400  }
0xc6: {  	[sflag:s3] =	ssyncset.done $0x0  }
0xc7: {  	s0 =	simm.s32 $0x0;
	s12 =	rddreg [dreg:$0xa];
	[sflag:s3] =	ssyncadd.s32 $0xFFFFDC00  }
0xc8: {  	[tilespmem:s0], [sflag:$0x1] =	stream.strided.gather [hbm4b:s12+s31], $0x2400, s22, s31, $0x38;
	[tilespmem:$0x1F880] =	vst v63  }
0xc9: {  	s14 =	rddreg [dreg:$0xb]  }
0xca: {  	[tilespmem:s15], [sflag:$0x1] =	stream.strided.gather [hbm4b:s14+s31], $0x2400, s22, s31, $0x38;
	[tilespmem:$0x1F880] =	vst v63  }
0xcb: {  	s15 =	rddreg [dreg:$0xc]  }
0xcc: {  	[tilespmem:s23], [sflag:$0x1] =	stream.strided.gather [hbm4b:s15+s31], $0x2400, s22, s31, $0x38;
	[tilespmem:$0x1F880] =	vst v63  }
0xcd: {  	s23 =	simm.s32 $0x9020  }
0xce: {  	s8 =	simm.s32 $0x6C20;
	v7 =	vld [tilespmem:s23+$0x10]  }
0xcf: {  	v5 =	vld [tilespmem:s8+$0xFFFFFFE0]  }
0xd0: {  	v6 =	vld [tilespmem:s23+$0xFFFFFFE0]  }
0xd1: {  	v8 =	vld [tilespmem:s8+$0xFFFFFFF0]  }
0xd2: {  	s10 =	simm.s32 $0xB420;
	v9 =	vld [tilespmem:s23+$0xFFFFFFF0]  }
0xd3: {  	v10 =	vld [tilespmem:s10+$0xFFFFFFF0]  }
0xd4: {  	v11 =	vld [tilespmem:s8+$0x0]  }
0xd5: {  	v12 =	vld [tilespmem:s8+$0x10]  }
0xd6: {  	v14 =	vld [tilespmem:s23+$0x0]  }
0xd7: {  	v5 =	vsub.f32 v5, v6  }
0xd8: {  	v6 =	vsub.f32 v8, v9  }
0xd9: {  	vm5 =	vgt.s32 v10, $0x0;
	v5 =	vand.u32 $0x7FFFFFFF, v5  }
0xda: {  	v7 =	vsub.f32 v12, v7;
	v6 =	vand.u32 $0x7FFFFFFF, v6;
	v8 =	vshrl.u32 v5, $0x15  }
0xdb: {  	s9 =	simm.s32 $0x0;
	v10 =	vld [tilespmem:s10+$0x10];
	v11 =	vsub.f32 v11, v14;
	v15 =	vshrl.u32 v6, $0x15;
	v9 =	vand.u32 $0x780, v8  }
0xdc: {  	s11 =	simm.s32 $0xB460;
	s7 =	simm.s32 $0xFC30;
	s8 =	simm.s32 $0xFC30;
	v12 =	vnsel vm5, $0x7FFFFFFF, v6;
	v16 =	vand.u32 $0x780, v15;
	v13 =	vor.u32 v3, v9;
	v9 =	vld [tilespmem:s10+$0x0]  }
0xdd: {  	s12 =	simm.s32 $0x9060;
	s23 =	simm.s32 $0x6C60;
	v7 =	vand.u32 $0x7FFFFFFF, v7;
	[tilespmem:s8+$0xFFFFFFE0] =	vst v12;
	v12 =	vld [tilespmem:s10+$0xFFFFFFE0];
	v14 =	vand.u32 $0x7F, v15;
	v15 =	vor.u32 v3, v16;
	s10 =	simm.s32 $0x0  }
.LBB2_6:
0xde: {  	v16 =	vld [tilespmem:s12+$0x10];
	s9 =	sadd.s32 $0x4, s9;
	v8 =	vand.u32 $0x7F, v8;
	v14 =	vor.u32 v14, v15;
	v15 =	vshrl.u32 v7, $0x15;
	s0 =	sadd.s32 $0x40, s0;
	s8 =	sadd.s32 $0x40, s8  }
0xdf: {  	v17 =	vld [tilespmem:s11+$0xFFFFFFF0];
	p1 =	slt.u32 s9, $0x23C;
	v13 =	vor.u32 v8, v13;
	v8 =	vand.u32 $0x780, v15  }
0xe0: {  	v18 =	vld [tilespmem:s23+$0xFFFFFFE0];
	vm8 =	vgt.s32 v10, $0x0;
	v10 =	vand.u32 $0x7F, v15;
	v8 =	vor.u32 v3, v8  }
0xe1: {  	v11 =	vand.u32 $0x7FFFFFFF, v11;
	v15 =	vld [tilespmem:s12+$0xFFFFFFE0];
	vm6 =	vgt.s32 v9, $0x0;
	v8 =	vor.u32 v10, v8  }
0xe2: {  	v9 =	vld [tilespmem:s23+$0xFFFFFFF0];
	vm7 =	vgt.s32 v12, $0x0;
	v10 =	vnsel vm6, $0x7FFFFFFF, v11;
	v12 =	vshrl.u32 v11, $0x15  }
0xe3: {  	s14 =	sand.u32 $0x3FC0, s10;
	s10 =	smov.u32 s0;
	v19 =	vnsel vm7, $0x7FFFFFFF, v5;
	[tilespmem:v14+s1+$0x0] =	vst.idx.add.s32.msk vm5, v4;
	v20 =	vand.u32 $0x780, v12  }
0xe4: {  	v12 =	vand.u32 $0x7F, v12;
	v21 =	vld [tilespmem:s12+$0xFFFFFFF0];
	[tilespmem:s14+$0xFC00] =	vst v19;
	v19 =	vor.u32 v3, v20;
	v20 =	vnsel vm8, $0x7FFFFFFF, v7  }
0xe5: {  	v22 =	vld [tilespmem:s23+$0x0];
	v12 =	vor.u32 v12, v19;
	[tilespmem:s7+$0x0] =	vst v20  }
0xe6: {  	[tilespmem:v8+s1+$0x0] =	vst.idx.add.s32.msk vm8, v4  }
0xe7: {  	[tilespmem:v8+s2+$0x0] =	vst.idx.add.f32.msk vm8, v7  }
0xe8: {  	[tilespmem:v13+s1+$0x0] =	vst.idx.add.s32.msk vm7, v4  }
0xe9: {  	v7 =	vld [tilespmem:s23+$0x10];
	[tilespmem:s7+$0xFFFFFFF0] =	vst v10;
	s7 =	smov.u32 s8  }
0xea: {  	v8 =	vsub.f32 v18, v15;
	[tilespmem:v12+s1+$0x0] =	vst.idx.add.s32.msk vm6, v4  }
0xeb: {  	v15 =	vld [tilespmem:s12+$0x0]  }
0xec: {  	v10 =	vand.u32 $0x7FFFFFFF, v8;
	v9 =	vsub.f32 v9, v21;
	[tilespmem:v14+s2+$0x0] =	vst.idx.add.f32.msk vm5, v6  }
.Ltmp4:
0xed: {  	v8 =	vshrl.u32 v10, $0x15;
	vm5 =	vgt.s32 v17, $0x0;
	[tilespmem:v13+s2+$0x0] =	vst.idx.add.f32.msk vm7, v5;
	v5 =	vmov v10;
	(pc) =	sbr.rel @p1 .LBB2_6-.Ltmp4, $4  }
0xee: {  	v6 =	vand.u32 $0x7FFFFFFF, v9;
	v13 =	vand.u32 $0x780, v8;
	v7 =	vsub.f32 v7, v16;
	[tilespmem:v12+s2+$0x0] =	vst.idx.add.f32.msk vm6, v11  }
0xef: {  	v9 =	vnsel vm5, $0x7FFFFFFF, v6;
	v14 =	vshrl.u32 v6, $0x15;
	v10 =	vld [tilespmem:s11+$0x10]  }
0xf0: {  	v13 =	vor.u32 v3, v13;
	v16 =	vand.u32 $0x780, v14;
	[tilespmem:s8+$0xFFFFFFE0] =	vst v9;
	v11 =	vsub.f32 v22, v15;
	v9 =	vld [tilespmem:s11+$0x0]  }
0xf1: {  	s23 =	sadd.s32 $0x40, s23;
	s12 =	sadd.s32 $0x40, s12;
	v14 =	vand.u32 $0x7F, v14;
	v15 =	vor.u32 v3, v16;
	v7 =	vand.u32 $0x7FFFFFFF, v7;
	v12 =	vld [tilespmem:s11+$0xFFFFFFE0];
	s11 =	sadd.s32 $0x40, s11  }
0xf2: {  	v14 =	vor.u32 v14, v15  }
0xf3: {  	v15 =	vshrl.u32 v7, $0x15  }
0xf4: {  	v8 =	vand.u32 $0x7F, v8;
	v16 =	vand.u32 $0x780, v15  }
0xf5: {  	vm6 =	vgt.s32 v10, $0x0;
	v10 =	vand.u32 $0x7F, v15;
	v15 =	vor.u32 v3, v16  }
0xf6: {  	v11 =	vand.u32 $0x7FFFFFFF, v11;
	v10 =	vor.u32 v10, v15;
	vm7 =	vgt.s32 v12, $0x0  }
0xf7: {  	s0 =	sand.u32 $0x3FC0, s10;
	vm8 =	vgt.s32 v9, $0x0;
	v12 =	vshrl.u32 v11, $0x15;
	v9 =	vnsel vm7, $0x7FFFFFFF, v5;
	[tilespmem:v14+s1+$0x0] =	vst.idx.add.s32.msk vm5, v4  }
0xf8: {  	v8 =	vor.u32 v8, v13;
	v13 =	vand.u32 $0x780, v12;
	[tilespmem:s0+$0xFC00] =	vst v9  }
0xf9: {  	v9 =	vand.u32 $0x7F, v12;
	v12 =	vor.u32 v3, v13;
	v13 =	vnsel vm6, $0x7FFFFFFF, v7;
	[tilespmem:v14+s2+$0x0] =	vst.idx.add.f32.msk vm5, v6  }
0xfa: {  	[tilespmem:s7+$0x0] =	vst v13  }
0xfb: {  	v9 =	vor.u32 v9, v12;
	[tilespmem:v10+s1+$0x0] =	vst.idx.add.s32.msk vm6, v4  }
0xfc: {  	[tilespmem:v10+s2+$0x0] =	vst.idx.add.f32.msk vm6, v7  }
0xfd: {  	v7 =	vnsel vm8, $0x7FFFFFFF, v11;
	[tilespmem:v8+s1+$0x0] =	vst.idx.add.s32.msk vm7, v4  }
0xfe: {  	[tilespmem:s7+$0xFFFFFFF0] =	vst v7  }
0xff: {  	[tilespmem:v8+s2+$0x0] =	vst.idx.add.f32.msk vm7, v5  }
0x100: {  	[tilespmem:v9+s1+$0x0] =	vst.idx.add.s32.msk vm8, v4  }
0x101: {  	[tilespmem:v9+s2+$0x0] =	vst.idx.add.f32.msk vm8, v11  }
0x102: {  	_ =	swait.ge [sflag:s26], $0x2400  }
0x103: {  	[sflag:s26] =	ssyncset.done $0x0  }
0x104: {  	[sflag:s26] =	ssyncadd.s32 $0xFFFFDC00  }
0x105: {  	_ =	swait.ge [sflag:s26], $0x2400  }
0x106: {  	[sflag:s26] =	ssyncset.done $0x0  }
0x107: {  	[sflag:s26] =	ssyncadd.s32 $0xFFFFDC00  }
0x108: {  	_ =	swait.ge [sflag:s26], $0x2400  }
0x109: {  	[sflag:s26] =	ssyncset.done $0x0  }
0x10a: {  	s14 =	rddreg [dreg:$0xd];
	[sflag:s26] =	ssyncadd.s32 $0xFFFFDC00  }
0x10b: {  	[tilespmem:s25], [sflag:$0x2] =	stream.strided.gather [hbm4b:s14+s31], $0x2400, s22, s31, $0x38;
	[tilespmem:$0x1F880] =	vst v63  }
0x10c: {  	s15 =	rddreg [dreg:$0xe]  }
0x10d: {  	[tilespmem:s28], [sflag:$0x2] =	stream.strided.gather [hbm4b:s15+s31], $0x2400, s22, s31, $0x38;
	[tilespmem:$0x1F880] =	vst v63  }
0x10e: {  	s23 =	rddreg [dreg:$0xf];
	s25 =	simm.s32 $0x2420  }
0x10f: {  	[tilespmem:s29], [sflag:$0x2] =	stream.strided.gather [hbm4b:s23+s31], $0x2400, s22, s31, $0x38;
	[tilespmem:$0x1F880] =	vst v63  }
0x110: {  	s28 =	simm.s32 $0x20;
	v7 =	vld [tilespmem:s25+$0x10]  }
0x111: {  	v5 =	vld [tilespmem:s28+$0xFFFFFFE0]  }
0x112: {  	v6 =	vld [tilespmem:s25+$0xFFFFFFE0]  }
0x113: {  	v8 =	vld [tilespmem:s28+$0xFFFFFFF0]  }
0x114: {  	s29 =	simm.s32 $0x4820;
	v9 =	vld [tilespmem:s25+$0xFFFFFFF0]  }
0x115: {  	v10 =	vld [tilespmem:s29+$0xFFFFFFF0]  }
0x116: {  	v11 =	vld [tilespmem:s28+$0x0]  }
0x117: {  	v12 =	vld [tilespmem:s28+$0x10]  }
0x118: {  	v14 =	vld [tilespmem:s25+$0x0]  }
0x119: {  	v5 =	vsub.f32 v5, v6  }
0x11a: {  	v6 =	vsub.f32 v8, v9  }
0x11b: {  	vm5 =	vgt.s32 v10, $0x0;
	v5 =	vand.u32 $0x7FFFFFFF, v5  }
0x11c: {  	v7 =	vsub.f32 v12, v7;
	v6 =	vand.u32 $0x7FFFFFFF, v6;
	v8 =	vshrl.u32 v5, $0x15  }
0x11d: {  	s8 =	simm.s32 $0x12010;
	s9 =	simm.s32 $0x0;
	v10 =	vld [tilespmem:s29+$0x10];
	v11 =	vsub.f32 v11, v14;
	v15 =	vshrl.u32 v6, $0x15;
	v9 =	vand.u32 $0x780, v8  }
0x11e: {  	s11 =	simm.s32 $0x60;
	s12 =	simm.s32 $0x4860;
	s10 =	simm.s32 $0x0;
	v12 =	vnsel vm5, $0x7FFFFFFF, v6;
	v16 =	vand.u32 $0x780, v15;
	v13 =	vor.u32 v3, v9;
	v9 =	vld [tilespmem:s29+$0x0]  }
0x11f: {  	s0 =	simm.s32 $0x12010;
	s7 =	simm.s32 $0x0;
	s23 =	simm.s32 $0x2460;
	v7 =	vand.u32 $0x7FFFFFFF, v7;
	[tilespmem:s8+$0x0] =	vst v12;
	v12 =	vld [tilespmem:s29+$0xFFFFFFE0];
	v14 =	vand.u32 $0x7F, v15;
	v15 =	vor.u32 v3, v16  }
.LBB2_8:
0x120: {  	v16 =	vld [tilespmem:s23+$0x10];
	s9 =	sadd.s32 $0x4, s9;
	v8 =	vand.u32 $0x7F, v8;
	v14 =	vor.u32 v14, v15;
	v15 =	vshrl.u32 v7, $0x15;
	s7 =	sadd.s32 $0x40, s7;
	s8 =	sadd.s32 $0x40, s8  }
0x121: {  	v17 =	vld [tilespmem:s12+$0xFFFFFFF0];
	p1 =	slt.u32 s9, $0x23C;
	v13 =	vor.u32 v8, v13;
	v8 =	vand.u32 $0x780, v15  }
0x122: {  	v18 =	vld [tilespmem:s11+$0xFFFFFFE0];
	vm8 =	vgt.s32 v10, $0x0;
	v10 =	vand.u32 $0x7F, v15;
	v8 =	vor.u32 v3, v8  }
0x123: {  	v11 =	vand.u32 $0x7FFFFFFF, v11;
	v15 =	vld [tilespmem:s23+$0xFFFFFFE0];
	vm6 =	vgt.s32 v9, $0x0;
	v8 =	vor.u32 v10, v8  }
0x124: {  	v9 =	vld [tilespmem:s11+$0xFFFFFFF0];
	vm7 =	vgt.s32 v12, $0x0;
	v10 =	vnsel vm6, $0x7FFFFFFF, v11;
	v12 =	vshrl.u32 v11, $0x15  }
0x125: {  	s14 =	sand.u32 $0x3FC0, s10;
	s10 =	smov.u32 s7;
	v19 =	vnsel vm7, $0x7FFFFFFF, v5;
	[tilespmem:v14+s1+$0x0] =	vst.idx.add.s32.msk vm5, v4;
	v20 =	vand.u32 $0x780, v12  }
0x126: {  	v12 =	vand.u32 $0x7F, v12;
	v21 =	vld [tilespmem:s23+$0xFFFFFFF0];
	[tilespmem:s14+$0x12000] =	vst v19;
	v19 =	vor.u32 v3, v20;
	v20 =	vnsel vm8, $0x7FFFFFFF, v7  }
0x127: {  	v22 =	vld [tilespmem:s11+$0x0];
	v12 =	vor.u32 v12, v19;
	[tilespmem:s0+$0x20] =	vst v20  }
0x128: {  	[tilespmem:v8+s1+$0x0] =	vst.idx.add.s32.msk vm8, v4  }
0x129: {  	[tilespmem:v8+s2+$0x0] =	vst.idx.add.f32.msk vm8, v7  }
0x12a: {  	[tilespmem:v13+s1+$0x0] =	vst.idx.add.s32.msk vm7, v4  }
0x12b: {  	v7 =	vld [tilespmem:s11+$0x10];
	[tilespmem:s0+$0x10] =	vst v10;
	s0 =	smov.u32 s8  }
0x12c: {  	v8 =	vsub.f32 v18, v15;
	[tilespmem:v12+s1+$0x0] =	vst.idx.add.s32.msk vm6, v4  }
0x12d: {  	v15 =	vld [tilespmem:s23+$0x0]  }
0x12e: {  	v10 =	vand.u32 $0x7FFFFFFF, v8;
	v9 =	vsub.f32 v9, v21;
	[tilespmem:v14+s2+$0x0] =	vst.idx.add.f32.msk vm5, v6  }
.Ltmp5:
0x12f: {  	v8 =	vshrl.u32 v10, $0x15;
	vm5 =	vgt.s32 v17, $0x0;
	[tilespmem:v13+s2+$0x0] =	vst.idx.add.f32.msk vm7, v5;
	v5 =	vmov v10;
	(pc) =	sbr.rel @p1 .LBB2_8-.Ltmp5, $4  }
0x130: {  	v6 =	vand.u32 $0x7FFFFFFF, v9;
	v13 =	vand.u32 $0x780, v8;
	v7 =	vsub.f32 v7, v16;
	[tilespmem:v12+s2+$0x0] =	vst.idx.add.f32.msk vm6, v11  }
0x131: {  	v9 =	vnsel vm5, $0x7FFFFFFF, v6;
	v14 =	vshrl.u32 v6, $0x15;
	v10 =	vld [tilespmem:s12+$0x10]  }
0x132: {  	v13 =	vor.u32 v3, v13;
	v16 =	vand.u32 $0x780, v14;
	[tilespmem:s8+$0x0] =	vst v9;
	v11 =	vsub.f32 v22, v15;
	v9 =	vld [tilespmem:s12+$0x0]  }
0x133: {  	s11 =	sadd.s32 $0x40, s11;
	s23 =	sadd.s32 $0x40, s23;
	v14 =	vand.u32 $0x7F, v14;
	v15 =	vor.u32 v3, v16;
	v7 =	vand.u32 $0x7FFFFFFF, v7;
	v12 =	vld [tilespmem:s12+$0xFFFFFFE0];
	s12 =	sadd.s32 $0x40, s12  }
0x134: {  	v14 =	vor.u32 v14, v15  }
0x135: {  	v15 =	vshrl.u32 v7, $0x15  }
0x136: {  	v8 =	vand.u32 $0x7F, v8;
	v16 =	vand.u32 $0x780, v15  }
0x137: {  	vm6 =	vgt.s32 v10, $0x0;
	v10 =	vand.u32 $0x7F, v15;
	v15 =	vor.u32 v3, v16  }
0x138: {  	v11 =	vand.u32 $0x7FFFFFFF, v11;
	v10 =	vor.u32 v10, v15;
	vm7 =	vgt.s32 v12, $0x0  }
0x139: {  	s7 =	sand.u32 $0x3FC0, s10;
	vm8 =	vgt.s32 v9, $0x0;
	v12 =	vshrl.u32 v11, $0x15;
	v9 =	vnsel vm7, $0x7FFFFFFF, v5;
	[tilespmem:v14+s1+$0x0] =	vst.idx.add.s32.msk vm5, v4  }
0x13a: {  	v8 =	vor.u32 v8, v13;
	v13 =	vand.u32 $0x780, v12;
	[tilespmem:s7+$0x12000] =	vst v9  }
0x13b: {  	v9 =	vand.u32 $0x7F, v12;
	v12 =	vor.u32 v3, v13;
	v13 =	vnsel vm6, $0x7FFFFFFF, v7;
	[tilespmem:v14+s2+$0x0] =	vst.idx.add.f32.msk vm5, v6  }
0x13c: {  	[tilespmem:s0+$0x20] =	vst v13  }
0x13d: {  	v9 =	vor.u32 v9, v12;
	[tilespmem:v10+s1+$0x0] =	vst.idx.add.s32.msk vm6, v4  }
0x13e: {  	[tilespmem:v10+s2+$0x0] =	vst.idx.add.f32.msk vm6, v7  }
0x13f: {  	v7 =	vnsel vm8, $0x7FFFFFFF, v11;
	[tilespmem:v8+s1+$0x0] =	vst.idx.add.s32.msk vm7, v4  }
0x140: {  	[tilespmem:s0+$0x10] =	vst v7  }
0x141: {  	[tilespmem:v8+s2+$0x0] =	vst.idx.add.f32.msk vm7, v5  }
0x142: {  	[tilespmem:v9+s1+$0x0] =	vst.idx.add.s32.msk vm8, v4  }
0x143: {  	[tilespmem:v9+s2+$0x0] =	vst.idx.add.f32.msk vm8, v11  }
0x144: {  	_ =	swait.ge [sflag:s3], $0x2400  }
0x145: {  	[sflag:s3] =	ssyncset.done $0x0  }
0x146: {  	[sflag:s3] =	ssyncadd.s32 $0xFFFFDC00  }
0x147: {  	_ =	swait.ge [sflag:s3], $0x2400  }
0x148: {  	[sflag:s3] =	ssyncset.done $0x0  }
0x149: {  	[sflag:s3] =	ssyncadd.s32 $0xFFFFDC00  }
0x14a: {  	_ =	swait.ge [sflag:s3], $0x2400  }
0x14b: {  	[sflag:s3] =	ssyncset.done $0x0  }
0x14c: {  	s12 =	simm.s32 $0x6C20;
	[sflag:s3] =	ssyncadd.s32 $0xFFFFDC00  }
0x14d: {  	s14 =	simm.s32 $0x9020;
	v5 =	vld [tilespmem:s12+$0xFFFFFFE0]  }
0x14e: {  	v6 =	vld [tilespmem:s14+$0xFFFFFFE0]  }
0x14f: {  	v7 =	vld [tilespmem:s12+$0xFFFFFFF0]  }
0x150: {  	v8 =	vld [tilespmem:s14+$0xFFFFFFF0]  }
0x151: {  	s15 =	simm.s32 $0xB420;
	v9 =	vld [tilespmem:s14+$0x10]  }
0x152: {  	v10 =	vld [tilespmem:s15+$0xFFFFFFF0]  }
0x153: {  	v11 =	vld [tilespmem:s12+$0x0]  }
0x154: {  	v12 =	vld [tilespmem:s12+$0x10]  }
0x155: {  	v14 =	vld [tilespmem:s14+$0x0];
	_ =	sdelay $0x2  }
0x156: {  	v5 =	vsub.f32 v5, v6;
	v6 =	vsub.f32 v7, v8  }
0x157: {  	vm5 =	vgt.s32 v10, $0x0;
	v16 =	vsub.f32 v12, v9  }
0x158: {  	s25 =	simm.s32 $0x0;
	s11 =	simm.s32 $0x14410;
	s8 =	simm.s32 $0x1EC10;
	v11 =	vsub.f32 v11, v14;
	v5 =	vand.u32 $0x7FFFFFFF, v5;
	v6 =	vand.u32 $0x7FFFFFFF, v6  }
0x159: {  	s28 =	simm.s32 $0x0;
	s9 =	simm.s32 $0x1C800;
	s23 =	simm.s32 $0x6C60;
	v10 =	vld [tilespmem:s15+$0x10];
	v8 =	vshrl.u32 v5, $0x15;
	v7 =	vnsel vm5, $0x7FFFFFFF, v6;
	v15 =	vshrl.u32 v6, $0x15  }
0x15a: {  	s29 =	simm.s32 $0x0;
	s10 =	simm.s32 $0x14410;
	s7 =	simm.s32 $0x1E810;
	v9 =	vld [tilespmem:s15+$0x0];
	v13 =	vand.u32 $0x780, v8;
	v17 =	vand.u32 $0x780, v15;
	v14 =	vand.u32 $0x7F, v15  }
0x15b: {  	s0 =	simm.s32 $0x18800;
	s12 =	simm.s32 $0x9060;
	s14 =	simm.s32 $0xB460;
	v12 =	vld [tilespmem:s15+$0xFFFFFFE0];
	[tilespmem:s11+$0x0] =	vst v7;
	v7 =	vand.u32 $0x7FFFFFFF, v16;
	v13 =	vor.u32 v3, v13;
	v15 =	vor.u32 v3, v17  }
.LBB2_10:
0x15c: {  	v16 =	vld [tilespmem:s12+$0x10];
	s28 =	sadd.s32 $0x4, s28;
	v8 =	vand.u32 $0x7F, v8;
	v14 =	vor.u32 v14, v15;
	v15 =	vshrl.u32 v7, $0x15;
	s25 =	sadd.s32 $0x40, s25;
	s11 =	sadd.s32 $0x40, s11  }
0x15d: {  	v17 =	vld [tilespmem:s14+$0xFFFFFFF0];
	p1 =	slt.u32 s28, $0x23C;
	v13 =	vor.u32 v8, v13;
	v8 =	vand.u32 $0x780, v15  }
0x15e: {  	v18 =	vld [tilespmem:s23+$0xFFFFFFE0];
	vm8 =	vgt.s32 v10, $0x0;
	v10 =	vand.u32 $0x7F, v15;
	v8 =	vor.u32 v3, v8  }
0x15f: {  	v11 =	vand.u32 $0x7FFFFFFF, v11;
	v15 =	vld [tilespmem:s12+$0xFFFFFFE0];
	vm6 =	vgt.s32 v9, $0x0;
	v8 =	vor.u32 v10, v8  }
0x160: {  	v9 =	vld [tilespmem:s23+$0xFFFFFFF0];
	vm7 =	vgt.s32 v12, $0x0;
	v10 =	vnsel vm6, $0x7FFFFFFF, v11;
	v12 =	vshrl.u32 v11, $0x15  }
0x161: {  	s15 =	sand.u32 $0x3FC0, s29;
	s29 =	smov.u32 s25;
	v19 =	vnsel vm7, $0x7FFFFFFF, v5;
	[tilespmem:v14+s1+$0x0] =	vst.idx.add.s32.msk vm5, v4;
	v20 =	vand.u32 $0x780, v12  }
0x162: {  	v12 =	vand.u32 $0x7F, v12;
	v21 =	vld [tilespmem:s12+$0xFFFFFFF0];
	[tilespmem:s15+$0x14400] =	vst v19;
	v19 =	vor.u32 v3, v20;
	v20 =	vnsel vm8, $0x7FFFFFFF, v7  }
0x163: {  	v22 =	vld [tilespmem:s23+$0x0];
	v12 =	vor.u32 v12, v19;
	[tilespmem:s10+$0x20] =	vst v20  }
0x164: {  	[tilespmem:v8+s1+$0x0] =	vst.idx.add.s32.msk vm8, v4  }
0x165: {  	[tilespmem:v8+s2+$0x0] =	vst.idx.add.f32.msk vm8, v7  }
0x166: {  	[tilespmem:v13+s1+$0x0] =	vst.idx.add.s32.msk vm7, v4  }
0x167: {  	v7 =	vld [tilespmem:s23+$0x10];
	[tilespmem:s10+$0x10] =	vst v10;
	s10 =	smov.u32 s11  }
0x168: {  	v8 =	vsub.f32 v18, v15;
	[tilespmem:v12+s1+$0x0] =	vst.idx.add.s32.msk vm6, v4  }
0x169: {  	v15 =	vld [tilespmem:s12+$0x0]  }
0x16a: {  	v10 =	vand.u32 $0x7FFFFFFF, v8;
	v9 =	vsub.f32 v9, v21;
	[tilespmem:v14+s2+$0x0] =	vst.idx.add.f32.msk vm5, v6  }
.Ltmp6:
0x16b: {  	v8 =	vshrl.u32 v10, $0x15;
	vm5 =	vgt.s32 v17, $0x0;
	[tilespmem:v13+s2+$0x0] =	vst.idx.add.f32.msk vm7, v5;
	v5 =	vmov v10;
	(pc) =	sbr.rel @p1 .LBB2_10-.Ltmp6, $4  }
0x16c: {  	v6 =	vand.u32 $0x7FFFFFFF, v9;
	v13 =	vand.u32 $0x780, v8;
	v7 =	vsub.f32 v7, v16;
	[tilespmem:v12+s2+$0x0] =	vst.idx.add.f32.msk vm6, v11  }
0x16d: {  	v9 =	vnsel vm5, $0x7FFFFFFF, v6;
	v14 =	vshrl.u32 v6, $0x15;
	v10 =	vld [tilespmem:s14+$0x10]  }
0x16e: {  	v13 =	vor.u32 v3, v13;
	v16 =	vand.u32 $0x780, v14;
	[tilespmem:s11+$0x0] =	vst v9;
	v11 =	vsub.f32 v22, v15;
	v9 =	vld [tilespmem:s14+$0x0]  }
0x16f: {  	s23 =	sadd.s32 $0x40, s23;
	s12 =	sadd.s32 $0x40, s12;
	v14 =	vand.u32 $0x7F, v14;
	v15 =	vor.u32 v3, v16;
	v7 =	vand.u32 $0x7FFFFFFF, v7;
	v12 =	vld [tilespmem:s14+$0xFFFFFFE0];
	s14 =	sadd.s32 $0x40, s14  }
0x170: {  	v14 =	vor.u32 v14, v15;
	v56 =	vshrl.u32 v7, $0x15  }
0x171: {  	v16 =	vand.u32 $0x780, v56  }
0x172: {  	vm6 =	vgt.s32 v10, $0x0;
	v10 =	vand.u32 $0x7F, v56;
	v57 =	vor.u32 v3, v16  }
0x173: {  	v8 =	vand.u32 $0x7F, v8;
	v10 =	vor.u32 v10, v57;
	v61 =	vnsel vm6, $0x7FFFFFFF, v7  }
0x174: {  	v11 =	vand.u32 $0x7FFFFFFF, v11;
	v8 =	vor.u32 v8, v13;
	vm7 =	vgt.s32 v12, $0x0;
	[tilespmem:s10+$0x20] =	vst v61  }
0x175: {  	s11 =	sand.u32 $0x3FC0, s29;
	v58 =	vshrl.u32 v11, $0x15;
	vm8 =	vgt.s32 v9, $0x0;
	v9 =	vnsel vm7, $0x7FFFFFFF, v5;
	[tilespmem:v14+s1+$0x0] =	vst.idx.add.s32.msk vm5, v4  }
0x176: {  	v59 =	vand.u32 $0x780, v58;
	[tilespmem:s11+$0x14400] =	vst v9  }
0x177: {  	v60 =	vor.u32 v3, v59;
	v9 =	vand.u32 $0x7F, v58;
	[tilespmem:v14+s2+$0x0] =	vst.idx.add.f32.msk vm5, v6  }
0x178: {  	v9 =	vor.u32 v9, v60;
	[tilespmem:v10+s1+$0x0] =	vst.idx.add.s32.msk vm6, v4  }
0x179: {  	[tilespmem:v10+s2+$0x0] =	vst.idx.add.f32.msk vm6, v7  }
0x17a: {  	v7 =	vnsel vm8, $0x7FFFFFFF, v11;
	[tilespmem:v8+s1+$0x0] =	vst.idx.add.s32.msk vm7, v4  }
0x17b: {  	[tilespmem:s10+$0x10] =	vst v7  }
0x17c: {  	[tilespmem:v8+s2+$0x0] =	vst.idx.add.f32.msk vm7, v5  }
0x17d: {  	[tilespmem:v9+s1+$0x0] =	vst.idx.add.s32.msk vm8, v4  }
0x17e: {  	[tilespmem:v9+s2+$0x0] =	vst.idx.add.f32.msk vm8, v11  }
0x17f: {  	v6 =	vld [tilespmem:s0+$0x1C10]  }
0x180: {  	v5 =	vld [tilespmem:s9+$0xFFFFE010]  }
0x181: {  	v7 =	vld [tilespmem:s0+$0x1410]  }
0x182: {  	v8 =	vld [tilespmem:s9+$0xFFFFE410]  }
0x183: {  	v9 =	vld [tilespmem:s0+$0xC10]  }
0x184: {  	v10 =	vld [tilespmem:s9+$0xFFFFE810]  }
0x185: {  	v11 =	vld [tilespmem:s0+$0x410]  }
0x186: {  	v62 =	vld [tilespmem:s9+$0xFFFFEC10]  }
0x187: {  	v13 =	vld [tilespmem:s0+$0xFFFFFC10]  }
0x188: {  	v14 =	vld [tilespmem:s9+$0xFFFFF010]  }
0x189: {  	v63 =	vld [tilespmem:s0+$0xFFFFF410]  }
0x18a: {  	v42 =	vld [tilespmem:s9+$0xFFFFF410]  }
0x18b: {  	v17 =	vld [tilespmem:s0+$0xFFFFEC10]  }
0x18c: {  	v18 =	vld [tilespmem:s9+$0xFFFFF810]  }
0x18d: {  	v19 =	vld [tilespmem:s0+$0xFFFFE010]  }
0x18e: {  	v20 =	vld [tilespmem:s9+$0xFFFFFC10]  }
0x18f: {  	v21 =	vld [tilespmem:s0+$0xFFFFE410]  }
0x190: {  	v22 =	vld [tilespmem:s9+$0x10]  }
0x191: {  	v23 =	vld [tilespmem:s0+$0xFFFFE810]  }
0x192: {  	v24 =	vld [tilespmem:s9+$0x410]  }
0x193: {  	v25 =	vld [tilespmem:s0+$0xFFFFF010]  }
0x194: {  	v26 =	vld [tilespmem:s9+$0x810]  }
0x195: {  	v27 =	vld [tilespmem:s0+$0xFFFFF810]  }
0x196: {  	v28 =	vld [tilespmem:s9+$0xC10]  }
0x197: {  	v29 =	vld [tilespmem:s0+$0x10]  }
0x198: {  	v30 =	vld [tilespmem:s9+$0x1010]  }
0x199: {  	v31 =	vld [tilespmem:s0+$0x810]  }
0x19a: {  	v32 =	vld [tilespmem:s9+$0x1410]  }
0x19b: {  	v33 =	vld [tilespmem:s0+$0x1010]  }
0x19c: {  	v34 =	vld [tilespmem:s9+$0x1810]  }
0x19d: {  	v35 =	vld [tilespmem:s0+$0x1810];
	v5 =	vadd.f32 $0.0e+00, v5  }
0x19e: {  	v36 =	vld [tilespmem:s9+$0x1C10]  }
0x19f: {  	v5 =	vadd.f32 v8, v5;
	v8 =	vld [tilespmem:s9+$0xFFFFE000]  }
0x1a0: {  	v37 =	vld [tilespmem:s9+$0xFFFFE400]  }
0x1a1: {  	v38 =	vld [tilespmem:s9+$0xFFFFEC00];
	v5 =	vadd.f32 v10, v5  }
0x1a2: {  	v43 =	vld [tilespmem:s9+$0xFFFFF000]  }
0x1a3: {  	v10 =	vld [tilespmem:s9+$0xFFFFE800];
	v5 =	vadd.f32 v62, v5  }
0x1a4: {  	v39 =	vld [tilespmem:s9+$0xFFFFF400];
	v8 =	vadd.f32 $0.0e+00, v8  }
0x1a5: {  	v44 =	vld [tilespmem:s9+$0xFFFFF800];
	v5 =	vadd.f32 v14, v5  }
0x1a6: {  	v45 =	vld [tilespmem:s9+$0xFFFFFC00];
	v8 =	vadd.f32 v37, v8  }
0x1a7: {  	v46 =	vld [tilespmem:s9+$0x0];
	v5 =	vadd.f32 v42, v5  }
0x1a8: {  	v47 =	vld [tilespmem:s0+$0xFFFFE000];
	v8 =	vadd.f32 v10, v8  }
0x1a9: {  	v48 =	vld [tilespmem:s0+$0xFFFFE800];
	v5 =	vadd.f32 v18, v5  }
0x1aa: {  	v49 =	vld [tilespmem:s9+$0x400];
	v8 =	vadd.f32 v38, v8  }
0x1ab: {  	v50 =	vld [tilespmem:s0+$0xFFFFEC00];
	v5 =	vadd.f32 v20, v5  }
0x1ac: {  	v51 =	vld [tilespmem:s0+$0xFFFFF000];
	v19 =	vadd.s32 v19, v21;
	v8 =	vadd.f32 v43, v8  }
0x1ad: {  	v52 =	vld [tilespmem:s9+$0x800];
	v19 =	vadd.s32 v23, v19;
	v5 =	vadd.f32 v22, v5  }
0x1ae: {  	v17 =	vadd.s32 v17, v19;
	v10 =	vld [tilespmem:s0+$0xFFFFE400];
	v8 =	vadd.f32 v39, v8  }
0x1af: {  	v53 =	vld [tilespmem:s0+$0xFFFFF400];
	v17 =	vadd.s32 v25, v17;
	v5 =	vadd.f32 v24, v5  }
0x1b0: {  	v54 =	vld [tilespmem:s0+$0xFFFFF800];
	v15 =	vadd.s32 v63, v17;
	v8 =	vadd.f32 v44, v8  }
0x1b1: {  	v55 =	vld [tilespmem:s9+$0xC00];
	v15 =	vadd.s32 v27, v15;
	v5 =	vadd.f32 v26, v5  }
0x1b2: {  	v56 =	vld [tilespmem:s0+$0xFFFFFC00];
	v13 =	vadd.s32 v13, v15;
	v8 =	vadd.f32 v45, v8  }
0x1b3: {  	v57 =	vld [tilespmem:s0+$0x0];
	v13 =	vadd.s32 v29, v13;
	v10 =	vadd.s32 v47, v10;
	v5 =	vadd.f32 v28, v5  }
0x1b4: {  	v58 =	vld [tilespmem:s9+$0x1000];
	v11 =	vadd.s32 v11, v13;
	v10 =	vadd.s32 v48, v10;
	v8 =	vadd.f32 v46, v8  }
0x1b5: {  	v59 =	vld [tilespmem:s0+$0x400];
	v11 =	vadd.s32 v31, v11;
	v10 =	vadd.s32 v50, v10;
	v5 =	vadd.f32 v30, v5  }
0x1b6: {  	v60 =	vld [tilespmem:s0+$0x800];
	v9 =	vadd.s32 v9, v11;
	v10 =	vadd.s32 v51, v10;
	v8 =	vadd.f32 v49, v8  }
0x1b7: {  	v61 =	vld [tilespmem:s0+$0xC00];
	v9 =	vadd.s32 v33, v9;
	v10 =	vadd.s32 v53, v10;
	v5 =	vadd.f32 v32, v5  }
0x1b8: {  	v11 =	vld [tilespmem:s9+$0x1400];
	v7 =	vadd.s32 v7, v9;
	v10 =	vadd.s32 v54, v10;
	v8 =	vadd.f32 v52, v8  }
0x1b9: {  	v7 =	vadd.s32 v35, v7;
	v9 =	vadd.f32 v34, v5;
	v5 =	vadd.s32 v56, v10;
	v10 =	vld [tilespmem:s0+$0x1000]  }
0x1ba: {  	v62 =	vadd.s32 v6, v7;
	v6 =	vld [tilespmem:s0+$0x1400];
	v15 =	vadd.s32 v57, v5;
	v8 =	vadd.f32 v55, v8  }
0x1bb: {  	v5 =	vld [tilespmem:s9+$0x1800];
	v7 =	vadd.s32 v59, v15  }
0x1bc: {  	v9 =	vadd.f32 v36, v9;
	v12 =	vadd.s32 v60, v7;
	v63 =	vadd.f32 v58, v8;
	v7 =	vld [tilespmem:s0+$0x1800]  }
0x1bd: {  	[tilespmem:s7+$0x0] =	vst v62;
	v8 =	vld [tilespmem:s9+$0x1C00];
	v12 =	vadd.s32 v61, v12  }
0x1be: {  	s10 =	simm.s32 $0x0;
	[tilespmem:s8+$0x0] =	vst v9;
	v9 =	vld [tilespmem:s0+$0x1C00];
	s0 =	simm.s32 $0x18820;
	v10 =	vadd.s32 v10, v12;
	v11 =	vadd.f32 v11, v63  }
.LBB2_12:
0x1bf: {  	v12 =	vld [tilespmem:s0+$0x1C10];
	s9 =	sadd.s32 $0x20, s9  }
0x1c0: {  	s10 =	sadd.s32 $0x2, s10;
	v13 =	vld [tilespmem:s9+$0xFFFFE010];
	v6 =	vadd.s32 v6, v10;
	v5 =	vadd.f32 v5, v11  }
0x1c1: {  	p1 =	slt.u32 s10, $0x3E;
	v10 =	vld [tilespmem:s0+$0x1410];
	v6 =	vadd.s32 v7, v6  }
0x1c2: {  	v7 =	vld [tilespmem:s9+$0xFFFFE410];
	v5 =	vadd.f32 v8, v5  }
0x1c3: {  	v8 =	vld [tilespmem:s0+$0xC10];
	v6 =	vadd.s32 v9, v6  }
0x1c4: {  	v9 =	vld [tilespmem:s9+$0xFFFFE810];
	[tilespmem:s7+$0xFFFFFFF0] =	vst v6  }
0x1c5: {  	v6 =	vadd.f32 $0.0e+00, v13;
	v11 =	vld [tilespmem:s0+$0x410];
	[tilespmem:s8+$0xFFFFFFF0] =	vst v5  }
0x1c6: {  	v5 =	vld [tilespmem:s9+$0xFFFFEC10]  }
0x1c7: {  	v6 =	vadd.f32 v7, v6;
	v7 =	vld [tilespmem:s0+$0xFFFFFC10]  }
0x1c8: {  	v13 =	vld [tilespmem:s9+$0xFFFFF010]  }
0x1c9: {  	v6 =	vadd.f32 v9, v6;
	v9 =	vld [tilespmem:s0+$0xFFFFF410]  }
0x1ca: {  	v14 =	vld [tilespmem:s9+$0xFFFFF410]  }
0x1cb: {  	v15 =	vld [tilespmem:s0+$0xFFFFEC10];
	v5 =	vadd.f32 v5, v6  }
0x1cc: {  	v6 =	vld [tilespmem:s9+$0xFFFFF810]  }
0x1cd: {  	v16 =	vld [tilespmem:s0+$0xFFFFE010];
	v5 =	vadd.f32 v13, v5  }
0x1ce: {  	v13 =	vld [tilespmem:s9+$0xFFFFFC10]  }
0x1cf: {  	v17 =	vld [tilespmem:s0+$0xFFFFE410];
	v5 =	vadd.f32 v14, v5  }
0x1d0: {  	v14 =	vld [tilespmem:s9+$0x10]  }
0x1d1: {  	v18 =	vld [tilespmem:s0+$0xFFFFE810];
	v5 =	vadd.f32 v6, v5  }
0x1d2: {  	v6 =	vld [tilespmem:s9+$0x410]  }
0x1d3: {  	v19 =	vld [tilespmem:s0+$0xFFFFF010];
	v5 =	vadd.f32 v13, v5  }
0x1d4: {  	v13 =	vld [tilespmem:s9+$0x810]  }
0x1d5: {  	v16 =	vadd.s32 v16, v17;
	v17 =	vld [tilespmem:s0+$0xFFFFF810];
	v5 =	vadd.f32 v14, v5  }
0x1d6: {  	v14 =	vadd.s32 v18, v16;
	v16 =	vld [tilespmem:s9+$0xC10]  }
0x1d7: {  	v14 =	vadd.s32 v15, v14;
	v15 =	vld [tilespmem:s0+$0x10];
	v5 =	vadd.f32 v6, v5  }
0x1d8: {  	v6 =	vadd.s32 v19, v14;
	v14 =	vld [tilespmem:s9+$0x1010]  }
0x1d9: {  	v6 =	vadd.s32 v9, v6;
	v9 =	vld [tilespmem:s0+$0x810];
	v5 =	vadd.f32 v13, v5  }
0x1da: {  	v6 =	vadd.s32 v17, v6;
	v13 =	vld [tilespmem:s9+$0x1410]  }
0x1db: {  	v6 =	vadd.s32 v7, v6;
	v5 =	vadd.f32 v16, v5;
	v7 =	vld [tilespmem:s0+$0x1010]  }
0x1dc: {  	v6 =	vadd.s32 v15, v6;
	v15 =	vld [tilespmem:s9+$0x1810]  }
0x1dd: {  	v6 =	vadd.s32 v11, v6;
	v5 =	vadd.f32 v14, v5;
	v11 =	vld [tilespmem:s0+$0x1810]  }
0x1de: {  	v6 =	vadd.s32 v9, v6;
	v9 =	vld [tilespmem:s9+$0x1C10]  }
0x1df: {  	v14 =	vld [tilespmem:s9+$0xFFFFE000];
	v6 =	vadd.s32 v8, v6;
	v5 =	vadd.f32 v13, v5  }
0x1e0: {  	v8 =	vld [tilespmem:s9+$0xFFFFE400];
	v6 =	vadd.s32 v7, v6  }
0x1e1: {  	v7 =	vld [tilespmem:s9+$0xFFFFE800];
	v6 =	vadd.s32 v10, v6;
	v5 =	vadd.f32 v15, v5  }
0x1e2: {  	v10 =	vld [tilespmem:s9+$0xFFFFEC00];
	v6 =	vadd.s32 v11, v6  }
0x1e3: {  	s7 =	sadd.s32 $0x20, s7;
	v11 =	vld [tilespmem:s9+$0xFFFFF000];
	v6 =	vadd.s32 v12, v6;
	v5 =	vadd.f32 v9, v5  }
0x1e4: {  	s8 =	sadd.s32 $0x20, s8;
	v9 =	vadd.f32 $0.0e+00, v14;
	v12 =	vld [tilespmem:s9+$0xFFFFF400];
	[tilespmem:s7+$0x0] =	vst v6  }
0x1e5: {  	v6 =	vld [tilespmem:s9+$0xFFFFF800];
	[tilespmem:s8+$0x0] =	vst v5  }
0x1e6: {  	v5 =	vadd.f32 v8, v9;
	v8 =	vld [tilespmem:s9+$0xFFFFFC00]  }
0x1e7: {  	v9 =	vld [tilespmem:s9+$0x0]  }
0x1e8: {  	v13 =	vld [tilespmem:s0+$0xFFFFE400];
	v5 =	vadd.f32 v7, v5  }
0x1e9: {  	v7 =	vld [tilespmem:s0+$0xFFFFE000]  }
0x1ea: {  	v14 =	vld [tilespmem:s0+$0xFFFFE800];
	v5 =	vadd.f32 v10, v5  }
0x1eb: {  	v10 =	vld [tilespmem:s9+$0x400]  }
0x1ec: {  	v15 =	vld [tilespmem:s0+$0xFFFFEC00];
	v5 =	vadd.f32 v11, v5  }
0x1ed: {  	v11 =	vld [tilespmem:s0+$0xFFFFF000]  }
0x1ee: {  	v7 =	vadd.s32 v7, v13;
	v5 =	vadd.f32 v12, v5;
	v12 =	vld [tilespmem:s9+$0x800]  }
0x1ef: {  	v7 =	vadd.s32 v14, v7;
	v13 =	vld [tilespmem:s0+$0xFFFFF400]  }
0x1f0: {  	v14 =	vld [tilespmem:s0+$0xFFFFF800];
	v5 =	vadd.f32 v6, v5  }
0x1f1: {  	v6 =	vadd.s32 v15, v7;
	v7 =	vld [tilespmem:s9+$0xC00]  }
0x1f2: {  	v6 =	vadd.s32 v11, v6;
	v11 =	vld [tilespmem:s0+$0xFFFFFC00];
	v5 =	vadd.f32 v8, v5  }
0x1f3: {  	v8 =	vld [tilespmem:s0+$0x0]  }
0x1f4: {  	v6 =	vadd.s32 v13, v6;
	v5 =	vadd.f32 v9, v5;
	v9 =	vld [tilespmem:s9+$0x1000]  }
0x1f5: {  	v6 =	vadd.s32 v14, v6;
	v13 =	vld [tilespmem:s0+$0x400]  }
0x1f6: {  	v5 =	vadd.f32 v10, v5;
	v10 =	vld [tilespmem:s0+$0x800]  }
0x1f7: {  	v6 =	vadd.s32 v11, v6;
	v11 =	vld [tilespmem:s9+$0x1400]  }
0x1f8: {  	v6 =	vadd.s32 v8, v6;
	v5 =	vadd.f32 v12, v5;
	v8 =	vld [tilespmem:s0+$0xC00]  }
0x1f9: {  	v12 =	vld [tilespmem:s0+$0x1000]  }
.Ltmp7:
0x1fa: {  	v6 =	vadd.s32 v13, v6;
	v7 =	vadd.f32 v7, v5;
	v5 =	vld [tilespmem:s9+$0x1800];
	(pc) =	sbr.rel @p1 .LBB2_12-.Ltmp7, $4  }
0x1fb: {  	v10 =	vadd.s32 v10, v6;
	v6 =	vld [tilespmem:s0+$0x1400]  }
0x1fc: {  	v9 =	vadd.f32 v9, v7;
	v7 =	vld [tilespmem:s0+$0x1800]  }
0x1fd: {  	v10 =	vadd.s32 v8, v10;
	v8 =	vld [tilespmem:s9+$0x1C00]  }
0x1fe: {  	v10 =	vadd.s32 v12, v10;
	v11 =	vadd.f32 v11, v9;
	v9 =	vld [tilespmem:s0+$0x1C00];
	s0 =	sadd.s32 $0x20, s0  }
0x1ff: {  	_ =	sdelay $0x1  }
0x200: {  	v6 =	vadd.s32 v6, v10;
	v5 =	vadd.f32 v5, v11  }
0x201: {  	v6 =	vadd.s32 v7, v6  }
0x202: {  	v5 =	vadd.f32 v8, v5;
	v6 =	vadd.s32 v9, v6  }
0x203: {  	[tilespmem:s7+$0xFFFFFFF0] =	vst v6  }
0x204: {  	[tilespmem:s8+$0xFFFFFFF0] =	vst v5  }
0x205: {  	[spmem:s13] =	stream.strided.scatter [tilespmem:s4], [sflag:$0x3], $0x400, s22, s31, $0x38;
	[tilespmem:$0x1F880] =	vst v63  }
0x206: {  	_ =	swait.ge [sflag:s5], $0x400  }
0x207: {  	[sflag:s5] =	ssyncset.done $0x0  }
0x208: {  	s11 =	simm.s32 $0x1EC00;
	s0 =	rddreg [dreg:$0x10];
	[sflag:s5] =	ssyncadd.s32 $0xFFFFFC00  }
0x209: {  	[spmem:s0] =	stream.strided.scatter [tilespmem:s11], [sflag:$0x3], $0x400, s22, s31, $0x38;
	[tilespmem:$0x1F880] =	vst v63  }
0x20a: {  	_ =	swait.ge [sflag:s5], $0x400  }
0x20b: {  	[sflag:s5] =	ssyncset.done $0x0  }
0x20c: {  	[sflag:s5] =	ssyncadd.s32 $0xFFFFFC00  }
0x20d: {  	[bflag:$0x0] =	sbarrier.arrive $0xFFFF  }
0x20e: {  	s12 =	rddreg [dreg:$0x11]  }
0x20f: {  	[tilespmem:s1], [sflag:$0x3] =	stream.strided.gather [spmem:s12], $0x400, s22, s31, $0x38;
	[tilespmem:$0x1F880] =	vst v63  }
0x210: {  	_ =	swait.ge [sflag:s5], $0x400  }
0x211: {  	[sflag:s5] =	ssyncset.done $0x0  }
0x212: {  	[sflag:s5] =	ssyncadd.s32 $0xFFFFFC00  }
0x213: {  	[tilespmem:s2], [sflag:$0x3] =	stream.strided.gather [spmem:s18], $0x400, s22, s31, $0x38;
	[tilespmem:$0x1F880] =	vst v63  }
0x214: {  	_ =	swait.ge [sflag:s5], $0x400  }
0x215: {  	[sflag:s5] =	ssyncset.done $0x0  }
0x216: {  	s14 =	simm.s32 $0x16C00;
	[sflag:s5] =	ssyncadd.s32 $0xFFFFFC00  }
0x217: {  	[tilespmem:s14], [sflag:$0x3] =	stream.strided.gather [spmem:s16], $0x400, s22, s31, $0x38;
	[tilespmem:$0x1F880] =	vst v63  }
0x218: {  	_ =	swait.ge [sflag:s5], $0x400  }
0x219: {  	[sflag:s5] =	ssyncset.done $0x0  }
0x21a: {  	s15 =	simm.s32 $0x1AC00;
	[sflag:s5] =	ssyncadd.s32 $0xFFFFFC00  }
0x21b: {  	[tilespmem:s15], [sflag:$0x3] =	stream.strided.gather [spmem:s17], $0x400, s22, s31, $0x38;
	[tilespmem:$0x1F880] =	vst v63  }
0x21c: {  	_ =	swait.ge [sflag:s5], $0x400  }
0x21d: {  	[sflag:s5] =	ssyncset.done $0x0  }
0x21e: {  	s10 =	simm.s32 $0x17000;
	[sflag:s5] =	ssyncadd.s32 $0xFFFFFC00  }
0x21f: {  	[tilespmem:s10], [sflag:$0x3] =	stream.strided.gather [spmem:s19], $0x400, s22, s31, $0x38;
	[tilespmem:$0x1F880] =	vst v63  }
0x220: {  	_ =	swait.ge [sflag:s5], $0x400  }
0x221: {  	[sflag:s5] =	ssyncset.done $0x0  }
0x222: {  	s0 =	simm.s32 $0x1B000;
	[sflag:s5] =	ssyncadd.s32 $0xFFFFFC00  }
0x223: {  	[tilespmem:s0], [sflag:$0x3] =	stream.strided.gather [spmem:s20], $0x400, s22, s31, $0x38;
	[tilespmem:$0x1F880] =	vst v63  }
0x224: {  	_ =	swait.ge [sflag:s5], $0x400  }
0x225: {  	[sflag:s5] =	ssyncset.done $0x0  }
0x226: {  	s23 =	simm.s32 $0x17400;
	[sflag:s5] =	ssyncadd.s32 $0xFFFFFC00  }
0x227: {  	[tilespmem:s23], [sflag:$0x3] =	stream.strided.gather [spmem:s24], $0x400, s22, s31, $0x38;
	[tilespmem:$0x1F880] =	vst v63  }
0x228: {  	_ =	swait.ge [sflag:s5], $0x400  }
0x229: {  	[sflag:s5] =	ssyncset.done $0x0  }
0x22a: {  	s25 =	simm.s32 $0x1B400;
	[sflag:s5] =	ssyncadd.s32 $0xFFFFFC00  }
0x22b: {  	[tilespmem:s25], [sflag:$0x3] =	stream.strided.gather [spmem:s21], $0x400, s22, s31, $0x38;
	[tilespmem:$0x1F880] =	vst v63  }
0x22c: {  	_ =	swait.ge [sflag:s5], $0x400  }
0x22d: {  	[sflag:s5] =	ssyncset.done $0x0  }
0x22e: {  	[sflag:s5] =	ssyncadd.s32 $0xFFFFFC00  }
0x22f: {  	v5 =	vld [tilespmem:s10+$0x430]  }
0x230: {  	v6 =	vld [tilespmem:s0+$0xFFFFF830]  }
0x231: {  	v7 =	vld [tilespmem:s10+$0xFFFFF830]  }
0x232: {  	v8 =	vld [tilespmem:s0+$0xFFFFFC30]  }
0x233: {  	v9 =	vld [tilespmem:s10+$0xFFFFFC30]  }
0x234: {  	v10 =	vld [tilespmem:s0+$0x30]  }
0x235: {  	v11 =	vld [tilespmem:s10+$0x30]  }
0x236: {  	v12 =	vld [tilespmem:s0+$0x430]  }
0x237: {  	v13 =	vld [tilespmem:s0+$0xFFFFF800]  }
0x238: {  	v14 =	vld [tilespmem:s0+$0xFFFFF810]  }
0x239: {  	v15 =	vld [tilespmem:s0+$0xFFFFF820]  }
0x23a: {  	v16 =	vld [tilespmem:s0+$0xFFFFFC00]  }
0x23b: {  	v17 =	vld [tilespmem:s0+$0xFFFFFC10]  }
0x23c: {  	v18 =	vld [tilespmem:s0+$0xFFFFFC20]  }
0x23d: {  	v19 =	vld [tilespmem:s0+$0x0]  }
0x23e: {  	v20 =	vld [tilespmem:s0+$0x10]  }
0x23f: {  	v21 =	vld [tilespmem:s0+$0x20]  }
0x240: {  	v22 =	vld [tilespmem:s10+$0xFFFFFC00]  }
0x241: {  	v23 =	vld [tilespmem:s10+$0xFFFFF810]  }
0x242: {  	v24 =	vld [tilespmem:s10+$0xFFFFFC10]  }
0x243: {  	v25 =	vld [tilespmem:s10+$0xFFFFF820]  }
0x244: {  	v26 =	vld [tilespmem:s10+$0xFFFFFC20]  }
0x245: {  	v27 =	vld [tilespmem:s10+$0xFFFFF800];
	v6 =	vadd.f32 $0.0e+00, v6  }
0x246: {  	v28 =	vld [tilespmem:s10+$0x0]  }
0x247: {  	v29 =	vld [tilespmem:s0+$0x400];
	v6 =	vadd.f32 v8, v6;
	v8 =	vadd.f32 $0.0e+00, v13  }
0x248: {  	v13 =	vadd.f32 $0.0e+00, v14;
	v14 =	vadd.f32 $0.0e+00, v15;
	v15 =	vld [tilespmem:s10+$0x10]  }
0x249: {  	v7 =	vadd.s32 v7, v9;
	v9 =	vadd.f32 v10, v6;
	v8 =	vadd.f32 v16, v8;
	v16 =	vld [tilespmem:s0+$0x410]  }
0x24a: {  	v7 =	vadd.s32 v11, v7;
	v10 =	vadd.f32 v17, v13;
	v11 =	vadd.f32 v18, v14;
	v6 =	vld [tilespmem:s10+$0x20]  }
0x24b: {  	v13 =	vadd.s32 v5, v7;
	v7 =	vld [tilespmem:s0+$0x420];
	v9 =	vadd.f32 v12, v9;
	v8 =	vadd.f32 v19, v8  }
0x24c: {  	s9 =	simm.s32 $0x0;
	s7 =	simm.s32 $0x1E820;
	v14 =	vadd.f32 v20, v10;
	v5 =	vadd.f32 v21, v11;
	v12 =	vadd.s32 v27, v22;
	v11 =	vld [tilespmem:s10+$0x400]  }
0x24d: {  	s28 =	simm.s32 $0x9000;
	s29 =	simm.s32 $0xB400;
	s8 =	simm.s32 $0x1EC20;
	v17 =	vadd.s32 v23, v24;
	[tilespmem:s7+$0x10] =	vst v13;
	v13 =	vld [tilespmem:s10+$0x410];
	v10 =	vadd.s32 v25, v26;
	v12 =	vadd.s32 v28, v12  }
0x24e: {  	s23 =	simm.s32 $0x4800;
	s25 =	simm.s32 $0x6C00;
	v15 =	vadd.s32 v15, v17;
	[tilespmem:s8+$0x10] =	vst v9;
	v9 =	vadd.f32 v29, v8;
	v8 =	vadd.f32 v16, v14;
	v14 =	vld [tilespmem:s10+$0x420];
	s10 =	simm.s32 $0x17040  }
.LBB2_14:
0x24f: {  	v16 =	vld [tilespmem:s10+$0x430];
	v6 =	vadd.s32 v6, v10;
	s0 =	sadd.s32 $0x40, s0  }
0x250: {  	s9 =	sadd.s32 $0x4, s9;
	v10 =	vld [tilespmem:s0+$0xFFFFF830];
	v5 =	vadd.f32 v7, v5  }
0x251: {  	p1 =	slt.u32 s9, $0x3C;
	v7 =	vld [tilespmem:s10+$0xFFFFF830];
	v11 =	vadd.s32 v11, v12  }
0x252: {  	v12 =	vld [tilespmem:s0+$0xFFFFFC30];
	[tilespmem:s7+$0xFFFFFFE0] =	vst v11;
	v11 =	vadd.s32 v13, v15  }
0x253: {  	v13 =	vld [tilespmem:s10+$0xFFFFFC30];
	[tilespmem:s8+$0xFFFFFFE0] =	vst v9;
	v6 =	vadd.s32 v14, v6  }
0x254: {  	v9 =	vld [tilespmem:s0+$0x30];
	[tilespmem:s7+$0xFFFFFFF0] =	vst v11  }
0x255: {  	v10 =	vadd.f32 $0.0e+00, v10;
	v11 =	vld [tilespmem:s10+$0x30];
	[tilespmem:s8+$0xFFFFFFF0] =	vst v8  }
0x256: {  	v8 =	vld [tilespmem:s0+$0x430];
	[tilespmem:s7+$0x0] =	vst v6  }
0x257: {  	v6 =	vld [tilespmem:s0+$0xFFFFF800];
	v10 =	vadd.f32 v12, v10;
	[tilespmem:s8+$0x0] =	vst v5  }
0x258: {  	v5 =	vld [tilespmem:s0+$0xFFFFF810]  }
0x259: {  	v7 =	vadd.s32 v7, v13;
	v12 =	vld [tilespmem:s0+$0xFFFFF820];
	v9 =	vadd.f32 v9, v10  }
0x25a: {  	v10 =	vld [tilespmem:s0+$0xFFFFFC00];
	v7 =	vadd.s32 v11, v7  }
0x25b: {  	s7 =	sadd.s32 $0x40, s7;
	v11 =	vld [tilespmem:s0+$0xFFFFFC10];
	v7 =	vadd.s32 v16, v7;
	v8 =	vadd.f32 v8, v9  }
0x25c: {  	s8 =	sadd.s32 $0x40, s8;
	v6 =	vadd.f32 $0.0e+00, v6;
	v9 =	vld [tilespmem:s0+$0xFFFFFC20];
	[tilespmem:s7+$0x10] =	vst v7  }
0x25d: {  	s11 =	simm.s32 $0x0;
	v7 =	vld [tilespmem:s0+$0x0];
	v5 =	vadd.f32 $0.0e+00, v5;
	[tilespmem:s8+$0x10] =	vst v8  }
0x25e: {  	v8 =	vld [tilespmem:s0+$0x10];
	v12 =	vadd.f32 $0.0e+00, v12  }
0x25f: {  	v6 =	vadd.f32 v10, v6;
	v10 =	vld [tilespmem:s0+$0x20]  }
0x260: {  	v13 =	vld [tilespmem:s10+$0xFFFFFC00];
	v5 =	vadd.f32 v11, v5  }
0x261: {  	v11 =	vld [tilespmem:s10+$0xFFFFF810];
	v9 =	vadd.f32 v9, v12  }
0x262: {  	v14 =	vadd.f32 v7, v6;
	v6 =	vld [tilespmem:s10+$0xFFFFFC10]  }
0x263: {  	v8 =	vadd.f32 v8, v5;
	v7 =	vld [tilespmem:s10+$0xFFFFF820]  }
0x264: {  	v12 =	vld [tilespmem:s10+$0xFFFFFC20];
	v5 =	vadd.f32 v10, v9  }
0x265: {  	v9 =	vld [tilespmem:s10+$0xFFFFF800]  }
0x266: {  	v15 =	vld [tilespmem:s10+$0x0]  }
0x267: {  	v16 =	vld [tilespmem:s0+$0x400];
	v17 =	vadd.s32 v11, v6  }
0x268: {  	v18 =	vld [tilespmem:s10+$0x10]  }
0x269: {  	v19 =	vld [tilespmem:s0+$0x410];
	v10 =	vadd.s32 v7, v12  }
.Ltmp8:
0x26a: {  	v7 =	vadd.s32 v9, v13;
	v6 =	vld [tilespmem:s10+$0x20];
	(pc) =	sbr.rel @p1 .LBB2_14-.Ltmp8, $4  }
0x26b: {  	v12 =	vadd.s32 v15, v7;
	v7 =	vld [tilespmem:s0+$0x420]  }
0x26c: {  	v11 =	vld [tilespmem:s10+$0x400];
	v9 =	vadd.f32 v16, v14  }
0x26d: {  	v15 =	vadd.s32 v18, v17;
	v13 =	vld [tilespmem:s10+$0x410]  }
0x26e: {  	v8 =	vadd.f32 v19, v8;
	v14 =	vld [tilespmem:s10+$0x420];
	s10 =	sadd.s32 $0x40, s10  }
0x26f: {  	_ =	sdelay $0x1  }
0x270: {  	v11 =	vadd.s32 v11, v12  }
0x271: {  	[tilespmem:s7+$0xFFFFFFE0] =	vst v11  }
0x272: {  	v63 =	vadd.s32 v13, v15;
	[tilespmem:s8+$0xFFFFFFE0] =	vst v9  }
0x273: {  	v6 =	vadd.s32 v6, v10;
	[tilespmem:s7+$0xFFFFFFF0] =	vst v63  }
0x274: {  	v5 =	vadd.f32 v7, v5;
	v6 =	vadd.s32 v14, v6;
	[tilespmem:s8+$0xFFFFFFF0] =	vst v8  }
0x275: {  	[tilespmem:s7+$0x0] =	vst v6  }
0x276: {  	s0 =	simm.s32 $0x0;
	[tilespmem:s8+$0x0] =	vst v5  }
0x277: {  	s12 =	simm.s32 $0x10;
	v5 =	vld [tilespmem:s0+$0x1E800]  }
0x278: {  	v6 =	vld [tilespmem:s12+$0x1E800];
	_ =	sdelay $0x3  }
0x279: {  	(xrf0) =	vadd.scan.msk.s32 $0xffff, v5  }
0x27a: {  	(xrf0) =	vadd.scan.msk.s32 $0xffff, v6;
	_ =	sdelay $0x4  }
0x27b: {  	s14 =	simm.s32 $0x20;
	v6, _, _ =	vpop (xrf0)  }
0x27c: {  	v5 =	vld [tilespmem:s14+$0x1E800];
	(v2sf) =	vpush v6, $0xF;
	v6, _, _ =	vpop (xrf0)  }
0x27d: {  	(v2sf) =	vpush v6, $0xF;
	_ =	sdelay $0x3  }
0x27e: {  	s15 =	simm.s32 $0x30;
	(xrf0) =	vadd.scan.msk.s32 $0xffff, v5  }
0x27f: {  	v5 =	vld [tilespmem:s15+$0x1E800];
	_ =	sdelay $0x3  }
0x280: {  	s0 =	simm.s32 $0x100  }
.LBB2_16:
0x281: {  	s7 =	sshra.s32 s0, $0x2;
	p1 =	sne.s32 s0, $0xFC0;
	s0 =	sadd.s32 $0x40, s0;
	(xrf0) =	vadd.scan.msk.s32 $0xffff, v5;
	v6, _, _ =	vpop (xrf0)  }
.Ltmp9:
0x282: {  	v5 =	vld [tilespmem:s7+$0x1E800];
	(v2sf) =	vpush v6, $0xF;
	(pc) =	sbr.rel @p1 .LBB2_16-.Ltmp9, $3  }
0x283: {  	_ =	sdelay $0x1  }
0x284: {  	s7 =	spop (v2sf)  }
0x285: {  	s11 =	sadd.s32 s11, s7  }
0x286: {  	(xrf0) =	vadd.scan.msk.s32 $0xffff, v5;
	_ =	sdelay $0x4  }
0x287: {  	v5, _, _ =	vpop (xrf0)  }
0x288: {  	(v2sf) =	vpush v5, $0xF;
	v5, _, _ =	vpop (xrf0)  }
0x289: {  	(v2sf) =	vpush v5, $0xF;
	_ =	sdelay $0xb  }
0x28a: {  	s0 =	spop (v2sf)  }
0x28b: {  	s0 =	sadd.s32 s11, s0;
	s7 =	spop (v2sf)  }
0x28c: {  	s0 =	sadd.s32 s0, s7;
	s12 =	spop (v2sf)  }
0x28d: {  	s0 =	sadd.s32 s0, s12;
	s14 =	spop (v2sf)  }
0x28e: {  	s0 =	sadd.s32 s0, s14  }
0x28f: {  	v5 =	vmov s0  }
0x290: {  	v6 =	vcvt.s32.f32 v5;
	_ =	sdelay $0x1  }
0x291: {  	v6 =	vmul.f32 $8.000000110e-01, v6;
	_ =	sdelay $0x1  }
0x292: {  	v6 =	vtrunc.f32 v6  }
0x293: {  	v6 =	vcvt.f32.s32 v6;
	_ =	sdelay $0x1  }
0x294: {  	v6 =	vnsel vm0, $0x0, v6  }
0x295: {  	(xrf0) =	vadd.scan.msk.s32 $0xffff, v6;
	_ =	sdelay $0x1  }
0x296: {  	p4 =	por $0x0, $0x0  }
.Ltmp10:
0x297: {  	_ = 	snop;
	(pc) =	sbr.rel @p4 .LBB2_18-.Ltmp10, $4  }
0x298: {  	_ = 	snop  }
0x299: {  	s15 =	simm.s32 $0x0  }
0x29a: {  	p1 =	por $0x0, $0x0;
	p2 =	por $0x0, $0x0;
	v13 =	vld [tilespmem:s15+$0x1E800];
	v6, _, _ =	vpop (xrf0)  }
0x29b: {  	v9 =	vimm.s32 $0x0;
	v8 =	vimm.f32 $0.0e+00;
	p3 =	por $0x0, $0x0;
	v12 =	vld [tilespmem:s15+$0x1EC00];
	s15 =	simm.s32 $0x2400;
	s0 =	simm.s32 $0x0;
	v7 =	vbroadcast v6, $0xF  }
0x29c: {  	p4 =	por $0x0, $0x0  }
.Ltmp11:
0x29d: {  	_ = 	snop;
	(pc) =	sbr.rel @p4 .LBB2_20-.Ltmp11, $3  }
0x29e: {  	s7 =	simm.s32 $0x10  }
0x29f: {  	v15 =	vld [tilespmem:s7+$0x1E800];
	_ =	sdelay $0x1  }
0x2a0: {  	p1 =	por $0x1, $0x1;
	v14 =	vld [tilespmem:s7+$0x1EC00];
	(xrf0) =	vadd.scan.msk.s32 $0xffff, v13  }
0x2a1: {  	_ =	sdelay $0x4  }
0x2a2: {  	v16, _, _ =	vpop (xrf0)  }
0x2a3: {  	(v2sf) =	vpush v16, $0xF;
	_ =	sdelay $0x4  }
0x2a4: {  	p4 =	por $0x0, $0x0  }
.Ltmp12:
0x2a5: {  	_ = 	snop;
	(pc) =	sbr.rel @p4 .LBB2_22-.Ltmp12, $3  }
0x2a6: {  	s7 =	simm.s32 $0x20  }
0x2a7: {  	v25 =	vld [tilespmem:s7+$0x1E800];
	_ =	sdelay $0x1  }
0x2a8: {  	p2 =	por $0x1, $0x1;
	v24 =	vld [tilespmem:s7+$0x1EC00];
	(xrf0) =	vadd.scan.msk.s32 $0xffff, v15  }
0x2a9: {  	_ =	sdelay $0x4  }
0x2aa: {  	v17, _, _ =	vpop (xrf0)  }
0x2ab: {  	(v2sf) =	vpush v17, $0xF;
	_ =	sdelay $0x3  }
0x2ac: {  	s7 =	simm.s32 $0x30;
	p4 =	por $0x0, $0x0;
	(xrf0) =	vadd.scan.msk.s32 $0xffff, v25  }
.Ltmp13:
0x2ad: {  	v10 =	vld [tilespmem:s7+$0x1E800];
	(pc) =	sbr.rel @p4 .LBB2_24-.Ltmp13, $3  }
0x2ae: {  	v11 =	vld [tilespmem:s7+$0x1EC00];
	_ =	sdelay $0x1  }
0x2af: {  	v18 =	vmov v16  }
0x2b0: {  	s8 =	simm.s32 $0x100;
	p3 =	por $0x1, $0x1;
	v19 =	vmovc v13;
	v21 =	vmovc v12;
	v22 =	vimm.s32 $0x0;
	v20 =	vimm.s32 $0x0;
	v23 =	vimm.f32 $0.0e+00;
	s7 =	simm.s32 $0x0  }
.LBB2_25:
0x2b1: {  	s9 =	sshra.s32 s8, $0x2;
	p4 =	seq.s32 s8, $0xFC0;
	s8 =	sadd.s32 $0x40, s8;
	(xrf0) =	vadd.scan.msk.s32 $0xffff, v10;
	v28 =	vadd.s32 s7, v18;
	v18 =	vmov v17;
	v17, _, _ =	vpop (xrf0);
	v27 =	vmov v10  }
.Ltmp14:
0x2b2: {  	v10 =	vld [tilespmem:s9+$0x1E800];
	(v2sf) =	vpush v17, $0xF;
	vm5 =	vlt.s32 v28, v7;
	v26 =	vmov v11;
	(pc) =	sbr.rel @!p4 .LBB2_25-.Ltmp14, $4  }
0x2b3: {  	v11 =	vld [tilespmem:s9+$0x1EC00];
	v28 =	vsel vm5, $0x1, v1;
	v29 =	vnsel vm5, $0x0, v19;
	v30 =	vnsel vm5, $0x0, v21;
	v19 =	vmovc v15;
	v15 =	vmovc v25  }
0x2b4: {  	v25 =	vmovc v27;
	v22 =	vadd.s32 v28, v22;
	v20 =	vadd.s32 v20, v29;
	v23 =	vadd.f32 v30, v23  }
0x2b5: {  	v21 =	vmov v14;
	v14 =	vmov v24;
	v24 =	vmov v26;
	s9 =	spop (v2sf)  }
0x2b6: {  	s7 =	sadd.s32 s7, s9  }
0x2b7: {  	v26 =	vmovc v15;
	v27 =	vmov v14;
	v15 =	vmov v25;
	v14 =	vmov v24  }
.LBB2_27:
0x2b8: {  	v24, _, _ =	vpop @p1 (xrf0)  }
0x2b9: {  	(v2sf) =	vpush @p1 v24, $0xF;
	_ =	sdelay $0x2  }
0x2ba: {  	(xrf0) =	vadd.scan.msk.s32 $0xffff, v10;
	_ =	sdelay $0x4  }
0x2bb: {  	v18 =	vadd.s32 @p3 s7, v18  }
0x2bc: {  	v17 =	vpsel p2, v17, v0;
	v13 =	vpsel p1, v15, v13;
	v12 =	vpsel p1, v14, v12;
	v62, _, _ =	vpop (xrf0)  }
0x2bd: {  	s8 =	spop @p3 (v2sf);
	vm5 =	vlt.s32 @p3 v18, v7;
	v16 =	vpsel p1, v24, v16;
	(v2sf) =	vpush v62, $0xF  }
0x2be: {  	v13 =	vpsel p1, v13, v0;
	v12 =	vpsel p1, v12, v0;
	v18 =	vsel @p3 vm5, $0x1, v1  }
0x2bf: {  	s7 =	sadd.s32 @p3 s7, s8;
	s8 =	simm.s32 $0x0;
	v19 =	vnsel @p3 vm5, $0x0, v19;
	v21 =	vnsel @p3 vm5, $0x0, v21;
	v16 =	vpsel p1, v16, v0  }
0x2c0: {  	v25 =	vmovc @p2 v26;
	s8 =	smov.u32 @p3 s7;
	v18 =	vadd.s32 @p3 v18, v22;
	v19 =	vadd.s32 @p3 v20, v19;
	v20 =	vadd.f32 @p3 v21, v23;
	s7 =	spop @p2 (v2sf)  }
0x2c1: {  	v23 =	vpsel p2, v25, v0;
	v15 =	vadd.s32 @p2 s8, v17;
	v17 =	vpsel p3, v18, v9;
	s7 =	sadd.s32 @p2 s8, s7;
	s8 =	simm.s32 $0x0  }
0x2c2: {  	v18 =	vpsel p3, v19, v9;
	vm5 =	vlt.s32 @p2 v15, v7;
	v21 =	vmovc @p2 v27;
	v15 =	vpsel p3, v20, v8;
	s8 =	smov.u32 @p2 s7;
	s7 =	spop @p1 (v2sf)  }
0x2c3: {  	v14 =	vsel @p2 vm5, $0x1, v1;
	v19 =	vnsel @p2 vm5, $0x0, v23;
	v21 =	vpsel p2, v21, v0;
	s7 =	sadd.s32 @p1 s8, s7  }
0x2c4: {  	v14 =	vadd.s32 @p2 v14, v17;
	v17 =	vadd.s32 @p2 v18, v19;
	v20 =	vnsel @p2 vm5, $0x0, v21;
	s0 =	smov.u32 @p1 s7  }
0x2c5: {  	v15 =	vadd.f32 @p2 v20, v15;
	v16 =	vadd.s32 @p1 s8, v16;
	v63 =	vadd.s32 s0, v62;
	s0 =	simm.s32 $0x16840  }
0x2c6: {  	v14 =	vpsel p2, v14, v9;
	v17 =	vpsel p2, v17, v9;
	vm5 =	vlt.s32 @p1 v16, v7;
	[tilespmem:s0+$0xFFFFFFC0] =	vst v1  }
0x2c7: {  	v15 =	vpsel p2, v15, v8;
	v16 =	vsel @p1 vm5, $0x1, v1;
	v12 =	vnsel @p1 vm5, $0x0, v12;
	[tilespmem:s0+$0x30] =	vst v1  }
0x2c8: {  	v13 =	vnsel @p1 vm5, $0x0, v13;
	v14 =	vadd.s32 @p1 v16, v14;
	v12 =	vadd.f32 @p1 v12, v15;
	[tilespmem:s0+$0x20] =	vst v1  }
0x2c9: {  	v13 =	vadd.s32 @p1 v17, v13;
	v14 =	vpsel p1, v14, v9;
	[tilespmem:s0+$0x10] =	vst v1  }
0x2ca: {  	v13 =	vpsel p1, v13, v9;
	v12 =	vpsel p1, v12, v8;
	vm5 =	vlt.s32 v63, v7;
	[tilespmem:s0+$0x0] =	vst v1  }
0x2cb: {  	[tilespmem:s0+$0xFFFFFFF0] =	vst v1;
	v7 =	vsel vm5, $0x1, v1;
	v8 =	vnsel vm5, $0x0, v10;
	v10 =	vnsel vm5, $0x0, v11  }
0x2cc: {  	s7 =	simm.s32 $0x0;
	[tilespmem:s0+$0xFFFFFFE0] =	vst v1;
	v9 =	vadd.s32 v7, v14;
	v8 =	vadd.s32 v13, v8;
	v7 =	vadd.f32 v10, v12;
	s14 =	spop (v2sf)  }
.LBB2_28:
0x2cd: {  	s7 =	sadd.s32 $0x8, s7;
	[tilespmem:s0+$0xFFFFFFD0] =	vst v1;
	s0 =	sadd.s32 $0x80, s0  }
0x2ce: {  	[tilespmem:s0+$0xFFFFFFC0] =	vst v1;
	p1 =	slt.u32 s7, $0x3F8  }
0x2cf: {  	[tilespmem:s0+$0x30] =	vst v1  }
.Ltmp15:
0x2d0: {  	[tilespmem:s0+$0x20] =	vst v1;
	(pc) =	sbr.rel @p1 .LBB2_28-.Ltmp15, $4  }
0x2d1: {  	[tilespmem:s0+$0x10] =	vst v1  }
0x2d2: {  	[tilespmem:s0+$0x0] =	vst v1  }
0x2d3: {  	[tilespmem:s0+$0xFFFFFFF0] =	vst v1  }
0x2d4: {  	[tilespmem:s0+$0xFFFFFFE0] =	vst v1  }
0x2d5: {  	(xrf0) =	vadd.scan.msk.s32 $0xffff, v9;
	_ =	sdelay $0x1  }
0x2d6: {  	[tilespmem:s0+$0xFFFFFFD0] =	vst v1;
	s14 =	simm.s32 $0xD820  }
0x2d7: {  	v11 =	vld [tilespmem:s14+$0x10];
	_ =	sdelay $0x2  }
0x2d8: {  	v9, _, _ =	vpop (xrf0)  }
0x2d9: {  	v12 =	vld [tilespmem:s14+$0xFFFFFFF0];
	v10 =	vbroadcast v9, $0xF  }
0x2da: {  	v14 =	vld [tilespmem:s14+$0xFFFFFFE0];
	v15 =	vshrl.u32 v11, $0x15;
	v11 =	vshrl.u32 v11, $0xB  }
0x2db: {  	v11 =	vand.u32 $0x3FF, v11;
	vm6 =	veq.s32 v15, v10  }
0x2dc: {  	s7 =	simm.s32 $0xD860;
	v13 =	vld [tilespmem:s14+$0x0];
	v17 =	vor.u32 v3, v11  }
0x2dd: {  	v18 =	vld [tilespmem:s7+$0x10];
	_ =	sdelay $0x1  }
0x2de: {  	v20 =	vld [tilespmem:s7+$0xFFFFFFF0];
	v16 =	vshrl.u32 v12, $0xB;
	v11 =	vshrl.u32 v14, $0x15;
	v14 =	vshrl.u32 v14, $0xB  }
0x2df: {  	v12 =	vshrl.u32 v12, $0x15;
	v16 =	vand.u32 $0x3FF, v16;
	v19 =	vand.u32 $0x3FF, v14;
	v14 =	vld [tilespmem:s7+$0x0]  }
0x2e0: {  	v15 =	vshrl.u32 v13, $0xB;
	v13 =	vshrl.u32 v13, $0x15;
	vm5 =	veq.s32 v11, v10;
	[tilespmem:v17+s1+$0x0] =	vst.idx.add.s32.msk vm6, v4  }
0x2e1: {  	vm7 =	veq.s32 v12, v10;
	v12 =	vor.u32 v3, v16;
	v16 =	vshrl.u32 v18, $0xB;
	v17 =	vld [tilespmem:s7+$0xFFFFFFE0]  }
0x2e2: {  	v15 =	vand.u32 $0x3FF, v15;
	v11 =	vor.u32 v3, v19;
	vm8 =	veq.s32 v13, v10  }
0x2e3: {  	vm5 =	vmmov vm5;
	v13 =	vor.u32 v3, v15;
	v15 =	vshrl.u32 v18, $0x15  }
0x2e4: {  	v19 =	vshrl.u32 v20, $0xB;
	vm6 =	veq.s32 v15, v10;
	v15 =	vand.u32 $0x3FF, v16  }
0x2e5: {  	s0 =	simm.s32 $0x4;
	v18 =	vshrl.u32 v14, $0xB;
	v16 =	vshrl.u32 v20, $0x15;
	s7 =	simm.s32 $0xD8A0;
	v15 =	vor.u32 v3, v15  }
.LBB2_30:
0x2e6: {  	v21 =	vshrl.u32 v17, $0x15;
	v17 =	vshrl.u32 v17, $0xB  }
0x2e7: {  	v20 =	vld [tilespmem:s7+$0x10];
	s0 =	sadd.s32 $0x4, s0;
	v19 =	vand.u32 $0x3FF, v19;
	vm10 =	vmmov vm7;
	vm9 =	vmmov vm8  }
0x2e8: {  	v23 =	vshrl.u32 v14, $0x15;
	v18 =	vand.u32 $0x3FF, v18;
	v22 =	vld [tilespmem:s7+$0xFFFFFFF0];
	p1 =	slt.u32 s0, $0x8FC;
	v17 =	vand.u32 $0x3FF, v17  }
0x2e9: {  	vm7 =	veq.s32 v16, v10;
	vm11 =	veq.s32 v21, v10;
	v14 =	vld [tilespmem:s7+$0x0];
	v21 =	vor.u32 v3, v17  }
.Ltmp16:
0x2ea: {  	v16 =	vor.u32 v3, v19;
	vm8 =	veq.s32 v23, v10;
	v23 =	vor.u32 v3, v18;
	v17 =	vld [tilespmem:s7+$0xFFFFFFE0];
	(pc) =	sbr.rel @p1 .LBB2_30-.Ltmp16, $4  }
0x2eb: {  	[tilespmem:v15+s1+$0x0] =	vst.idx.add.s32.msk vm6, v4  }
0x2ec: {  	v15 =	vshrl.u32 v20, $0x15;
	v18 =	vshrl.u32 v20, $0xB;
	[tilespmem:v11+s1+$0x0] =	vst.idx.add.s32.msk vm5, v4;
	v11 =	vmovc v21;
	vm5 =	vmmov vm11  }
0x2ed: {  	v19 =	vshrl.u32 v22, $0xB;
	vm6 =	veq.s32 v15, v10;
	v15 =	vand.u32 $0x3FF, v18;
	[tilespmem:v12+s1+$0x0] =	vst.idx.add.s32.msk vm10, v4;
	v12 =	vmovc v16  }
0x2ee: {  	s7 =	sadd.s32 $0x40, s7;
	v16 =	vshrl.u32 v22, $0x15;
	v18 =	vshrl.u32 v14, $0xB;
	v15 =	vor.u32 v3, v15;
	[tilespmem:v13+s1+$0x0] =	vst.idx.add.s32.msk vm9, v4;
	v13 =	vmovc v23  }
0x2ef: {  	_ = 	snop  }
0x2f0: {  	v20 =	vshrl.u32 v17, $0x15;
	v17 =	vshrl.u32 v17, $0xB;
	vm7 =	vmmov vm7  }
0x2f1: {  	v19 =	vand.u32 $0x3FF, v19;
	vm8 =	vmmov vm8;
	vm10 =	veq.s32 v16, v10  }
0x2f2: {  	v14 =	vshrl.u32 v14, $0x15;
	vm9 =	veq.s32 v20, v10;
	vm10 =	vmmov vm10  }
0x2f3: {  	vm11 =	veq.s32 v14, v10;
	v10 =	vand.u32 $0x3FF, v18;
	v14 =	vor.u32 v3, v19  }
0x2f4: {  	[tilespmem:v15+s1+$0x0] =	vst.idx.add.s32.msk vm6, v4;
	v17 =	vand.u32 $0x3FF, v17;
	vm9 =	vmmov vm9;
	v10 =	vor.u32 v3, v10  }
0x2f5: {  	[tilespmem:v11+s1+$0x0] =	vst.idx.add.s32.msk vm5, v4;
	v16 =	vor.u32 v3, v17  }
0x2f6: {  	[tilespmem:v12+s1+$0x0] =	vst.idx.add.s32.msk vm7, v4  }
0x2f7: {  	[tilespmem:v13+s1+$0x0] =	vst.idx.add.s32.msk vm8, v4  }
0x2f8: {  	[tilespmem:v14+s1+$0x0] =	vst.idx.add.s32.msk vm10, v4  }
0x2f9: {  	[tilespmem:v10+s1+$0x0] =	vst.idx.add.s32.msk vm11, v4  }
0x2fa: {  	s0 =	simm.s32 $0x0;
	s8 =	simm.s32 $0x18810;
	[tilespmem:v16+s1+$0x0] =	vst.idx.add.s32.msk vm9, v4  }
0x2fb: {  	s0 =	sand.u32 $0x3E0, s0;
	v10 =	vld [tilespmem:s8+$0xFFFFDFF0]  }
0x2fc: {  	v11 =	vld [tilespmem:s0+$0x16C00]  }
0x2fd: {  	v12 =	vld [tilespmem:s0+$0x17000]  }
0x2fe: {  	v13 =	vld [tilespmem:s0+$0x17400]  }
0x2ff: {  	v14 =	vld [tilespmem:s0+$0x17800]  }
0x300: {  	v15 =	vld [tilespmem:s0+$0x17C00]  }
0x301: {  	v16 =	vld [tilespmem:s0+$0x18000]  }
0x302: {  	v17 =	vld [tilespmem:s0+$0x18400]  }
0x303: {  	v61 =	vld [tilespmem:s0+$0x18800]  }
0x304: {  	v62 =	vld [tilespmem:s0+$0x18C00]  }
0x305: {  	v63 =	vld [tilespmem:s0+$0x19000]  }
0x306: {  	v21 =	vld [tilespmem:s0+$0x19400]  }
0x307: {  	v22 =	vld [tilespmem:s0+$0x19800]  }
0x308: {  	v23 =	vld [tilespmem:s0+$0x19C00]  }
0x309: {  	v24 =	vld [tilespmem:s0+$0x1A000]  }
0x30a: {  	v25 =	vld [tilespmem:s0+$0x1A400]  }
0x30b: {  	v10 =	vadd.s32 v10, v11;
	v11 =	vld [tilespmem:s8+$0xFFFFE000]  }
0x30c: {  	v10 =	vadd.s32 v12, v10;
	v12 =	vld [tilespmem:s8+$0xFFFFE400]  }
0x30d: {  	v10 =	vadd.s32 v13, v10;
	v13 =	vld [tilespmem:s8+$0xFFFFE800]  }
0x30e: {  	v10 =	vadd.s32 v14, v10;
	v14 =	vld [tilespmem:s8+$0xFFFFEC00]  }
0x30f: {  	v10 =	vadd.s32 v15, v10;
	v15 =	vld [tilespmem:s8+$0xFFFFF000]  }
0x310: {  	v10 =	vadd.s32 v16, v10;
	v16 =	vld [tilespmem:s8+$0xFFFFF400]  }
0x311: {  	v10 =	vadd.s32 v17, v10;
	v11 =	vadd.s32 v11, v12;
	v12 =	vld [tilespmem:s8+$0xFFFFF800]  }
0x312: {  	v10 =	vadd.s32 v61, v10;
	v11 =	vadd.s32 v13, v11;
	v13 =	vld [tilespmem:s8+$0xFFFFFC00]  }
0x313: {  	v10 =	vadd.s32 v62, v10;
	v11 =	vadd.s32 v14, v11;
	v14 =	vld [tilespmem:s8+$0x0]  }
0x314: {  	v10 =	vadd.s32 v63, v10;
	v11 =	vadd.s32 v15, v11;
	v15 =	vld [tilespmem:s8+$0x400]  }
0x315: {  	p1 =	por $0x1, $0x1;
	v10 =	vadd.s32 v21, v10;
	v11 =	vadd.s32 v16, v11;
	v16 =	vld [tilespmem:s8+$0x800]  }
.Ltmp17:
0x316: {  	v17 =	vadd.s32 v22, v10;
	v11 =	vadd.s32 v12, v11;
	v10 =	vld [tilespmem:s8+$0xC00];
	(pc) =	sbr.rel @!p1 .LBB2_33-.Ltmp17, $4  }
0x317: {  	v12 =	vadd.s32 v23, v17;
	v13 =	vadd.s32 v13, v11;
	v11 =	vld [tilespmem:s8+$0x1000]  }
0x318: {  	v17 =	vadd.s32 v24, v12;
	v13 =	vadd.s32 v14, v13;
	v12 =	vld [tilespmem:s8+$0x1400]  }
0x319: {  	s7 =	simm.s32 $0x1E810;
	v14 =	vadd.s32 v25, v17;
	v15 =	vadd.s32 v15, v13;
	v13 =	vld [tilespmem:s8+$0x1800]  }
0x31a: {  	s9 =	simm.s32 $0x20;
	vm6 =	vmmov vm11;
	s0 =	simm.s32 $0x0;
	[tilespmem:s7+$0xFFFFFFF0] =	vst v14;
	v15 =	vadd.s32 v16, v15;
	v14 =	vld [tilespmem:s8+$0x1C00];
	s8 =	simm.s32 $0x18830  }
.LBB2_32:
0x31b: {  	v16 =	vld [tilespmem:s8+$0xFFFFDFF0];
	s10 =	sand.u32 $0x3E0, s9;
	s0 =	sadd.s32 $0x2, s0;
	v10 =	vadd.s32 v10, v15  }
0x31c: {  	v15 =	vld [tilespmem:s10+$0x16C00];
	p1 =	slt.u32 s0, $0x3E;
	v10 =	vadd.s32 v11, v10  }
0x31d: {  	v11 =	vld [tilespmem:s10+$0x17000];
	v10 =	vadd.s32 v12, v10  }
0x31e: {  	v12 =	vld [tilespmem:s10+$0x17400];
	v10 =	vadd.s32 v13, v10  }
0x31f: {  	v13 =	vld [tilespmem:s10+$0x17800];
	v10 =	vadd.s32 v14, v10  }
0x320: {  	v14 =	vld [tilespmem:s10+$0x17C00];
	[tilespmem:s7+$0x0] =	vst v10  }
0x321: {  	v10 =	vadd.s32 v16, v15;
	v15 =	vld [tilespmem:s10+$0x18000]  }
0x322: {  	v10 =	vadd.s32 v11, v10;
	v11 =	vld [tilespmem:s10+$0x18400]  }
0x323: {  	v10 =	vadd.s32 v12, v10;
	v12 =	vld [tilespmem:s10+$0x18800]  }
0x324: {  	v10 =	vadd.s32 v13, v10;
	v13 =	vld [tilespmem:s10+$0x18C00]  }
0x325: {  	v10 =	vadd.s32 v14, v10;
	v14 =	vld [tilespmem:s10+$0x19000]  }
0x326: {  	v10 =	vadd.s32 v15, v10;
	v15 =	vld [tilespmem:s10+$0x19400]  }
0x327: {  	v10 =	vadd.s32 v11, v10;
	v11 =	vld [tilespmem:s10+$0x19800]  }
0x328: {  	v10 =	vadd.s32 v12, v10;
	v12 =	vld [tilespmem:s10+$0x19C00]  }
0x329: {  	v10 =	vadd.s32 v13, v10;
	v13 =	vld [tilespmem:s10+$0x1A000]  }
0x32a: {  	v10 =	vadd.s32 v14, v10;
	v14 =	vld [tilespmem:s10+$0x1A400]  }
0x32b: {  	v10 =	vadd.s32 v15, v10;
	v15 =	vld [tilespmem:s8+$0xFFFFE000]  }
0x32c: {  	v10 =	vadd.s32 v11, v10;
	v11 =	vld [tilespmem:s8+$0xFFFFE400]  }
0x32d: {  	v10 =	vadd.s32 v12, v10;
	v12 =	vld [tilespmem:s8+$0xFFFFE800]  }
0x32e: {  	v10 =	vadd.s32 v13, v10;
	v13 =	vld [tilespmem:s8+$0xFFFFEC00]  }
0x32f: {  	s7 =	sadd.s32 $0x20, s7;
	v10 =	vadd.s32 v14, v10;
	v14 =	vld [tilespmem:s8+$0xFFFFF000]  }
0x330: {  	[tilespmem:s7+$0xFFFFFFF0] =	vst v10;
	v10 =	vld [tilespmem:s8+$0xFFFFF400]  }
0x331: {  	v11 =	vadd.s32 v15, v11;
	v15 =	vld [tilespmem:s8+$0xFFFFF800]  }
0x332: {  	v11 =	vadd.s32 v12, v11;
	v12 =	vld [tilespmem:s8+$0xFFFFFC00]  }
0x333: {  	v11 =	vadd.s32 v13, v11;
	v13 =	vld [tilespmem:s8+$0x0]  }
0x334: {  	v11 =	vadd.s32 v14, v11;
	v14 =	vld [tilespmem:s8+$0x400]  }
0x335: {  	v10 =	vadd.s32 v10, v11;
	v16 =	vld [tilespmem:s8+$0x800]  }
.Ltmp18:
0x336: {  	v11 =	vadd.s32 v15, v10;
	v10 =	vld [tilespmem:s8+$0xC00];
	(pc) =	sbr.rel @p1 .LBB2_32-.Ltmp18, $4  }
0x337: {  	v12 =	vadd.s32 v12, v11;
	v11 =	vld [tilespmem:s8+$0x1000]  }
0x338: {  	v13 =	vadd.s32 v13, v12;
	v12 =	vld [tilespmem:s8+$0x1400]  }
0x339: {  	v14 =	vadd.s32 v14, v13;
	v13 =	vld [tilespmem:s8+$0x1800]  }
0x33a: {  	s9 =	sadd.s32 $0x20, s9;
	v15 =	vadd.s32 v16, v14;
	v14 =	vld [tilespmem:s8+$0x1C00];
	s8 =	sadd.s32 $0x20, s8  }
.LBB2_33:
0x33b: {  	(xrf0) =	vadd.scan.msk.s32 $0xffff, v8;
	_ =	sdelay $0x4  }
0x33c: {  	(v2sf) =	vpush v6, $0xF  }
0x33d: {  	(v2sf) =	vpush v9, $0xF;
	v6, _, _ =	vpop (xrf0)  }
0x33e: {  	(v2sf) =	vpush v6, $0xF;
	_ =	sdelay $0x4  }
0x33f: {  	(xrf2) =	vadd.scan.msk.f32 $0xffff, v7  }
0x340: {  	v6 =	vadd.s32 v10, v15  }
0x341: {  	v6 =	vadd.s32 v11, v6  }
0x342: {  	v6 =	vadd.s32 v12, v6  }
0x343: {  	v6 =	vadd.s32 v13, v6  }
0x344: {  	v6 =	vadd.s32 v14, v6  }
0x345: {  	[tilespmem:s7+$0x0] =	vst v6  }
0x346: {  	[spmem:s13] =	stream.strided.scatter [tilespmem:s4], [sflag:$0x3], $0x400, s22, s31, $0x38;
	[tilespmem:$0x1F880] =	vst v63  }
0x347: {  	s0 =	spop (v2sf)  }
0x348: {  	s9 =	spop (v2sf)  }
0x349: {  	v6, _, _ =	vpop (xrf2);
	s8 =	spop (v2sf)  }
.Ltmp19:
0x34a: {  	_ =	swait.ge [sflag:s5], $0x400;
	(pc) =	sbr.rel @p0 .LBB2_39-.Ltmp19, $3  }
0x34b: {  	[sflag:s5] =	ssyncset.done $0x0  }
0x34c: {  	[sflag:s5] =	ssyncadd.s32 $0xFFFFFC00  }
0x34d: {  	[bflag:$0x0] =	sbarrier.arrive $0xFFFF;
	_ =	sdelay $0x1  }
0x34e: {  	[tilespmem:s1], [sflag:$0x3] =	stream.strided.gather [spmem:s13], $0x400, s22, s31, $0x38;
	[tilespmem:$0x1F880] =	vst v63  }
0x34f: {  	_ =	swait.ge [sflag:s5], $0x400  }
0x350: {  	[sflag:s5] =	ssyncset.done $0x0  }
0x351: {  	s10 =	simm.s32 $0x16C00;
	s7 =	rddreg [dreg:$0x12];
	[sflag:s5] =	ssyncadd.s32 $0xFFFFFC00  }
0x352: {  	[tilespmem:s10], [sflag:$0x3] =	stream.strided.gather [spmem:s7], $0x400, s22, s31, $0x38;
	[tilespmem:$0x1F880] =	vst v63  }
0x353: {  	_ =	swait.ge [sflag:s5], $0x400  }
0x354: {  	[sflag:s5] =	ssyncset.done $0x0  }
0x355: {  	s14 =	simm.s32 $0x17000;
	s12 =	rddreg [dreg:$0x13];
	[sflag:s5] =	ssyncadd.s32 $0xFFFFFC00  }
0x356: {  	[tilespmem:s14], [sflag:$0x3] =	stream.strided.gather [spmem:s12], $0x400, s22, s31, $0x38;
	[tilespmem:$0x1F880] =	vst v63  }
0x357: {  	_ =	swait.ge [sflag:s5], $0x400  }
0x358: {  	[sflag:s5] =	ssyncset.done $0x0  }
0x359: {  	s12 =	simm.s32 $0x17400;
	s11 =	rddreg [dreg:$0x14];
	[sflag:s5] =	ssyncadd.s32 $0xFFFFFC00  }
0x35a: {  	[tilespmem:s12], [sflag:$0x3] =	stream.strided.gather [spmem:s11], $0x400, s22, s31, $0x38;
	[tilespmem:$0x1F880] =	vst v63  }
0x35b: {  	_ =	swait.ge [sflag:s5], $0x400  }
0x35c: {  	[sflag:s5] =	ssyncset.done $0x0  }
0x35d: {  	s14 =	simm.s32 $0x0;
	s11 =	simm.s32 $0x17010;
	[sflag:s5] =	ssyncadd.s32 $0xFFFFFC00  }
0x35e: {  	s7 =	sand.u32 $0x3C0, s14;
	v7 =	vld [tilespmem:s11+$0xFFFFF7F0]  }
0x35f: {  	v9 =	vld [tilespmem:s7+$0x16C00]  }
0x360: {  	v10 =	vld [tilespmem:s7+$0x17000]  }
0x361: {  	v11 =	vld [tilespmem:s7+$0x17400]  }
0x362: {  	v12 =	vld [tilespmem:s11+$0xFFFFF800]  }
0x363: {  	v13 =	vld [tilespmem:s11+$0xFFFFFC00]  }
0x364: {  	v14 =	vld [tilespmem:s11+$0xFFFFF810]  }
0x365: {  	v15 =	vld [tilespmem:s11+$0xFFFFFC10]  }
0x366: {  	v16 =	vld [tilespmem:s11+$0xFFFFF820]  }
0x367: {  	v17 =	vld [tilespmem:s11+$0xFFFFFC20]  }
0x368: {  	v18 =	vld [tilespmem:s11+$0x0]  }
0x369: {  	v8 =	vld [tilespmem:s11+$0x10]  }
0x36a: {  	v9 =	vadd.s32 v7, v9;
	v7 =	vld [tilespmem:s11+$0x20]  }
0x36b: {  	v9 =	vadd.s32 v10, v9;
	v10 =	vld [tilespmem:s11+$0x400]  }
0x36c: {  	s7 =	simm.s32 $0x1E820;
	v19 =	vadd.s32 v12, v13;
	v11 =	vadd.s32 v11, v9;
	v9 =	vld [tilespmem:s11+$0x410]  }
0x36d: {  	s10 =	simm.s32 $0x0;
	s12 =	simm.s32 $0x40;
	v12 =	vadd.s32 v14, v15;
	v13 =	vadd.s32 v16, v17;
	v14 =	vadd.s32 v18, v19;
	[tilespmem:s7+$0xFFFFFFE0] =	vst v11;
	v11 =	vld [tilespmem:s11+$0x420];
	s11 =	simm.s32 $0x17050  }
.LBB2_35:
0x36e: {  	v15 =	vld [tilespmem:s11+$0xFFFFF7F0];
	s14 =	sand.u32 $0x3C0, s12;
	s10 =	sadd.s32 $0x4, s10;
	v8 =	vadd.s32 v8, v12  }
0x36f: {  	v12 =	vld [tilespmem:s14+$0x16C00];
	p1 =	slt.u32 s10, $0x3C;
	v7 =	vadd.s32 v7, v13  }
0x370: {  	v13 =	vld [tilespmem:s14+$0x17000];
	v10 =	vadd.s32 v10, v14  }
0x371: {  	v14 =	vld [tilespmem:s14+$0x17400];
	[tilespmem:s7+$0xFFFFFFF0] =	vst v10;
	v8 =	vadd.s32 v9, v8  }
0x372: {  	v9 =	vld [tilespmem:s11+$0xFFFFF800];
	[tilespmem:s7+$0x0] =	vst v8;
	v7 =	vadd.s32 v11, v7  }
0x373: {  	v8 =	vld [tilespmem:s11+$0xFFFFFC00];
	[tilespmem:s7+$0x10] =	vst v7  }
0x374: {  	v7 =	vadd.s32 v15, v12;
	v10 =	vld [tilespmem:s11+$0xFFFFF810]  }
0x375: {  	v7 =	vadd.s32 v13, v7;
	v11 =	vld [tilespmem:s11+$0xFFFFFC10]  }
0x376: {  	s7 =	sadd.s32 $0x40, s7;
	v7 =	vadd.s32 v14, v7;
	v13 =	vld [tilespmem:s11+$0xFFFFF820]  }
0x377: {  	[tilespmem:s7+$0xFFFFFFE0] =	vst v7;
	v14 =	vld [tilespmem:s11+$0xFFFFFC20]  }
0x378: {  	v15 =	vadd.s32 v9, v8;
	v16 =	vld [tilespmem:s11+$0x0]  }
.Ltmp20:
0x379: {  	v8 =	vld [tilespmem:s11+$0x10];
	(pc) =	sbr.rel @p1 .LBB2_35-.Ltmp20, $4  }
0x37a: {  	v12 =	vadd.s32 v10, v11;
	v7 =	vld [tilespmem:s11+$0x20]  }
0x37b: {  	v10 =	vld [tilespmem:s11+$0x400]  }
0x37c: {  	v9 =	vld [tilespmem:s11+$0x410];
	v13 =	vadd.s32 v13, v14  }
0x37d: {  	s12 =	sadd.s32 $0x40, s12;
	v14 =	vadd.s32 v16, v15;
	v11 =	vld [tilespmem:s11+$0x420];
	s11 =	sadd.s32 $0x40, s11  }
0x37e: {  	_ =	sdelay $0x1  }
0x37f: {  	v8 =	vadd.s32 v8, v12;
	v10 =	vadd.s32 v10, v14  }
0x380: {  	v7 =	vadd.s32 v7, v13;
	[tilespmem:s7+$0xFFFFFFF0] =	vst v10;
	v8 =	vadd.s32 v9, v8  }
0x381: {  	[tilespmem:s7+$0x0] =	vst v8;
	v7 =	vadd.s32 v11, v7  }
0x382: {  	s11 =	simm.s32 $0x1E800;
	[tilespmem:s7+$0x10] =	vst v7  }
0x383: {  	v8 =	vld [tilespmem:s11+$0x0];
	_ =	sdelay $0x4  }
0x384: {  	(xrf0) =	vadd.scan.msk.s32 $0xffff, v8  }
0x385: {  	s12 =	simm.s32 $0x1E810  }
0x386: {  	v9 =	vld [tilespmem:s12+$0x0];
	_ =	sdelay $0x3  }
0x387: {  	s14 =	simm.s32 $0x1E820;
	v20, _, _ =	vpop (xrf0)  }
0x388: {  	s10 =	sshll.u32 s9, $0x15;
	s9 =	simm.s32 $0x0;
	v10 =	vld [tilespmem:s14+$0x0];
	(xrf0) =	vadd.scan.msk.s32 $0xffff, v9;
	(v2sf) =	vpush v20, $0xF  }
0x389: {  	v18 =	vmul.u32 $0x800, v0;
	v11 =	vmov s9  }
0x38a: {  	s7 =	sor.u32 $0x400, s10;
	v11 =	vshll.u32 v11, $0xB  }
0x38b: {  	s10 =	simm.s32 $0x10;
	v7 =	vmov s7;
	v11 =	vor.u32 v18, v11;
	v12 =	vcvt.s32.f32 v8  }
0x38c: {  	s0 =	ssub.s32 s0, s8;
	v17 =	vimm.s32 $0x0;
	v15 =	vmov s10;
	v14 =	vadd.s32 v7, v11  }
0x38d: {  	v13 =	vmov s0;
	s11 =	simm.s32 $0x20;
	s12 =	simm.s32 $0x1E830;
	s14 =	simm.s32 $0x30;
	v12 =	vmul.f32 v12, v14;
	v14 =	vshll.u32 v15, $0xB;
	(xrf0) =	vadd.scan.msk.s32 $0xffff, v10  }
0x38e: {  	v19 =	vmov s11;
	v22 =	vmov s14;
	v15 =	vor.u32 v18, v14;
	v14 =	vld [tilespmem:s12+$0x0];
	v23, _, _ =	vpop (xrf0)  }
0x38f: {  	v19 =	vshll.u32 v19, $0xB;
	v16 =	vcvt.s32.f32 v9;
	(v2sf) =	vpush v23, $0xF  }
0x390: {  	v19 =	vor.u32 v18, v19;
	v21 =	vcvt.s32.f32 v10;
	v15 =	vadd.s32 v7, v15  }
0x391: {  	v16 =	vmul.f32 v16, v15;
	v15 =	vadd.s32 v7, v19;
	v19 =	vshll.u32 v22, $0xB  }
0x392: {  	v11 =	vimm.f32 $0.0e+00;
	v15 =	vmul.f32 v21, v15;
	v21 =	vor.u32 v18, v19  }
0x393: {  	s8 =	simm.s32 $0x40;
	s10 =	simm.s32 $0x1E840;
	v24 =	vadd.s32 s9, v20;
	v20 =	vimm.s32 $0x0;
	v19 =	vcvt.s32.f32 v14;
	(xrf0) =	vadd.scan.msk.s32 $0xffff, v14;
	v22, _, _ =	vpop (xrf0)  }
.LBB2_37:
0x394: {  	p1 =	sne.s32 s8, $0x3F0;
	v21 =	vadd.s32 v7, v21;
	(v2sf) =	vpush v22, $0xF;
	vm5 =	vlt.s32 v24, v13;
	v24 =	vmovc v14;
	v14 =	vld [tilespmem:s10+$0x0];
	v25 =	vmovc v23;
	s11 =	smov.u32 s8;
	s8 =	sadd.s32 $0x10, s8  }
.Ltmp21:
0x395: {  	v19 =	vmul.f32 v19, v21;
	v21 =	vsel vm5, $0x1, v1;
	v23 =	vnsel vm5, $0x0, v8;
	v8 =	vmovc v9;
	v9 =	vmovc v10;
	(pc) =	sbr.rel @p1 .LBB2_37-.Ltmp21, $4  }
0x396: {  	v10 =	vmovc v24;
	v17 =	vadd.s32 v21, v17;
	v20 =	vadd.s32 v20, v23;
	v21 =	vnsel vm5, $0x0, v12;
	v12 =	vmovc v16  }
0x397: {  	v24 =	vmov s11;
	v16 =	vmovc v15;
	v11 =	vadd.f32 v21, v11;
	s11 =	spop (v2sf);
	v15 =	vmov v19  }
0x398: {  	v19 =	vshll.u32 v24, $0xB;
	s9 =	sadd.s32 s9, s11;
	v23 =	vmov v22  }
0x399: {  	s10 =	sadd.s32 $0x10, s10;
	v21 =	vor.u32 v18, v19;
	v19 =	vcvt.s32.f32 v14;
	(xrf0) =	vadd.scan.msk.s32 $0xffff, v14;
	v22, _, _ =	vpop (xrf0);
	v24 =	vadd.s32 s9, v25  }
.Ltmp22:
0x39a: {  	_ = 	snop;
	(pc) =	sbr.rel .LBB2_38-.Ltmp22, $1  }
0x39b: {  	_ =	sdelay $0x3  }
.LBB2_18:
.Ltmp23:
0x39c: {  	_ = 	snop;
	(pc) =	sbr.rel .LBB2_27-.Ltmp23, $2  }
0x39d: {  	_ =	sdelay $0x2  }
0x39e: {  	s7 =	simm.s32 $0x0;
	v22 =	vimm.s32 $0x0;
	v20 =	vimm.s32 $0x0;
	v23 =	vimm.f32 $0.0e+00;
	v10 =	vmovc v13;
	v11 =	vmovc v12  }
.LBB2_20:
.Ltmp24:
0x39f: {  	_ = 	snop;
	(pc) =	sbr.rel .LBB2_27-.Ltmp24, $3  }
0x3a0: {  	_ =	sdelay $0x1  }
0x3a1: {  	v22 =	vimm.s32 $0x0;
	v20 =	vimm.s32 $0x0  }
0x3a2: {  	s7 =	simm.s32 $0x0;
	v23 =	vimm.f32 $0.0e+00;
	v10 =	vmovc v15;
	v15 =	vmovc v13;
	v11 =	vmov v14;
	v14 =	vmov v12  }
.LBB2_22:
.Ltmp25:
0x3a3: {  	_ = 	snop;
	(pc) =	sbr.rel .LBB2_27-.Ltmp25, $3  }
0x3a4: {  	_ =	sdelay $0x1  }
0x3a5: {  	v17 =	vmov v16;
	v26 =	vmov v13;
	v22 =	vimm.s32 $0x0  }
0x3a6: {  	s7 =	simm.s32 $0x0;
	v20 =	vimm.s32 $0x0;
	v23 =	vimm.f32 $0.0e+00;
	v27 =	vmovc v12;
	v10 =	vmovc v25;
	v11 =	vmov v24  }
.LBB2_24:
.Ltmp26:
0x3a7: {  	(pc) =	sbr.rel .LBB2_27-.Ltmp26, $3  }
0x3a8: {  	_ =	sdelay $0x1  }
0x3a9: {  	v26 =	vmovc v15;
	v27 =	vmovc v14;
	v18 =	vmov v16;
	v19 =	vmov v13;
	v21 =	vmov v12  }
0x3aa: {  	s7 =	simm.s32 $0x0;
	v15 =	vmovc v25;
	v22 =	vimm.s32 $0x0;
	v20 =	vimm.s32 $0x0;
	v23 =	vimm.f32 $0.0e+00;
	v14 =	vmovc v24  }
.LBB2_40:
0x3ab: {  	_ =	sfence.sel $0x180000  }
0x3ac: {  	[bflag:$0x0] =	sbarrier.arrive $0xFFFF  }
0x3ad: {  	_ =	strace $0x90000047  }
0x3ae: {  	s0 =	stileid.u32;
	[bflag:$0x2] =	sbarrier.arrive $0xFFFF  }
0x3af: {  	p0 =	sne.s32 s0, $0x0;
	s0 =	rddreg [dreg:$0x3]  }
0x3b0: {  	s0 =	sadd.s32 @!p0 $0x100000, s0  }
0x3b1: {  	[sflag:s0] =	ssyncadd.tile.s32 @!p0 $0x1;
	_ =	shalt  }
.Lfunc_end2:
_tile_overlayer_lowered:
.L_overlay_start_2:
0x3b2: {  	(tag) =	ssettag $0x2  }
0x3b3: {  	s0 =	rddreg [dreg:$0x0];
	s2 =	stileid.u32  }
0x3b4: {  	s1 =	rddreg [dreg:$0x1];
	p0 =	sne.s32 s2, $0x0  }
0x3b5: {  	s3 =	rddreg [dreg:$0x2];
	[bflag:$0x3] =	sbarrier.arrive $0xFFFF;
	s2 =	simm.s32 @!p0 $0x1C03  }
0x3b6: {  	[timem:s3], [sflag:s2] =	dma.local @!p0 [hbm:s0], s1  }
0x3b7: {  	s0 =	simm.s32 @!p0 $0x3  }
0x3b8: {  	_ =	swait.ge @!p0 [sflag:s0], s1  }
0x3b9: {  	s1 =	ssub.s32 @!p0 $0x0, s1;
	[sflag:s0] =	ssyncset.done @!p0 $0x0  }
0x3ba: {  	[sflag:s0] =	ssyncadd.s32 @!p0 s1  }
0x3bb: {  	[bflag:$0x3] =	sbarrier.arrive $0xFFFF  }
0x3bc: {  	_ =	shalt  }

</sc_bundles>
